<compile_context>
chip_gen: v7x
topology: tpu7x:2x2x1
jax: 0.10.2.dev20260603
libtpu: 0.0.44.dev20260713+nightly
codegen_flags: <defaults>
</compile_context>

<pallas_src>
import functools
import jax
import jax.numpy as jnp
from jax import lax
from jax.experimental import pallas as pl
from jax.experimental.pallas import tpu as pltpu
from jax.experimental.pallas import tpu_sc as plsc

_K = 51
_PENALTY = 10.0
_LEVELS = ((22, 8), (14, 8), (6, 8), (0, 6))
_NW = 32


_UNROLL = 8
_NSUB = 4
_TAB = 256 * 16


def _sc_select_body(ma, dist_hbm, outt_hbm, outj_hbm, buf, hist, cbits, ccol,
                    tv, jv):
    _, N = dist_hbm.shape
    rows_per_w = ma // _NW
    nblk = rows_per_w // 16
    wid = lax.axis_index("s") * 2 + lax.axis_index("c")
    base = wid * rows_per_w
    lanes = lax.iota(jnp.int32, 16)
    ones = jnp.ones((16,), jnp.int32)
    zeros = jnp.zeros((16,), jnp.int32)
    rowbase = lanes * N

    def hist_scan(nb, kk, ntab):
        @plsc.parallel_loop(0, nb, carry=(zeros, zeros > 0, zeros, zeros),
                            unroll=4)
        def scan(c, carry):
            total, found, bb, cntlt = carry
            hv = hist[pl.ds(c * 16, 16)]
            for tbl in range(1, ntab):
                hv = hv + hist[pl.ds(tbl * _TAB + c * 16, 16)]
            ntot = total + hv
            crossed = jnp.logical_and(jnp.logical_not(found), ntot >= kk)
            bb = jnp.where(crossed, zeros + c, bb)
            cntlt = jnp.where(crossed, total, cntlt)
            found = jnp.logical_or(found, crossed)
            return ntot, found, bb, cntlt

        _, _, bb, cntlt = scan
        return bb, cntlt

    def clear_hist(nwords):
        @plsc.parallel_loop(0, nwords // 16, step=_UNROLL)
        def clr(c):
            for u in range(_UNROLL):
                hist[pl.ds((c + u) * 16, 16)] = zeros

    def do_block(b, _):
        row0 = base + b * 16
        pltpu.sync_copy(dist_hbm.at[pl.ds(row0, 16)], buf)

        def colbits(j):
            v = plsc.load_gather(buf, [lanes, zeros + j])
            return lax.bitcast_convert_type(v, jnp.int32)

        s0, w0l = _LEVELS[0]
        nb0 = 1 << w0l
        clear_hist(nb0 * 16 * _NSUB)

        @plsc.parallel_loop(0, N, step=_UNROLL)
        def hpass(j8):
            for u in range(_UNROLL):
                j = j8 + u
                bucket = lax.shift_right_logical(colbits(j), s0)
                plsc.addupdate_scatter(
                    hist, [(u % _NSUB) * _TAB + bucket * 16 + lanes], ones)

        bb, cntlt = hist_scan(nb0, zeros + _K, _NSUB)
        prefix = bb << s0
        kk = (zeros + _K) - cntlt

        @plsc.parallel_loop(0, N, step=_UNROLL, carry=zeros)
        def cpass(j4, ptr):
            for u in range(_UNROLL):
                j = j4 + u
                bits = colbits(j)
                m = lax.shift_right_logical(bits, s0) == bb
                plsc.store_scatter(cbits, [rowbase + ptr], bits, mask=m)
                plsc.store_scatter(ccol, [rowbase + ptr], zeros + j, mask=m)
                ptr = ptr + m.astype(jnp.int32)
            return ptr

        cnt = cpass
        maxcnt = jnp.max(cnt)

        def candbits(i):
            return plsc.load_gather(cbits, [rowbase + i])

        for (s, w) in _LEVELS[1:]:
            nb = 1 << w
            himask = jnp.int32(~((1 << (s + w)) - 1))
            pfx_hi = prefix & himask
            clear_hist(nb * 16)

            def hpass2(i, _):
                bits = candbits(i)
                match = jnp.logical_and((bits & himask) == pfx_hi, i < cnt)
                bucket = (bits >> s) & (nb - 1)
                plsc.addupdate_scatter(hist, [bucket * 16 + lanes], ones,
                                       mask=match)
                return 0

            lax.fori_loop(0, maxcnt, hpass2, 0)
            bb2, cntlt = hist_scan(nb, kk, 1)
            prefix = prefix | (bb2 << s)
            kk = kk - cntlt

        tbits = prefix
        extra = kk

        @plsc.parallel_loop(0, maxcnt, carry=(zeros, zeros), unroll=2)
        def jpass(i, carry):
            ec, jj = carry
            m = jnp.logical_and(candbits(i) == tbits, i < cnt)
            nec = ec + m.astype(jnp.int32)
            hit = jnp.logical_and(m, nec == extra)
            cc = plsc.load_gather(ccol, [rowbase + i])
            jj = jnp.where(hit, cc, jj)
            return nec, jj

        _, jj = jpass
        tv[pl.ds(b * 16, 16)] = tbits
        jv[pl.ds(b * 16, 16)] = jj
        return 0

    lax.fori_loop(0, nblk, do_block, 0)
    pltpu.sync_copy(tv, outt_hbm.at[pl.ds(base, rows_per_w)])
    pltpu.sync_copy(jv, outj_hbm.at[pl.ds(base, rows_per_w)])


def _mlp_scalars(wl_ref, bl_ref, wg_ref, bg_ref):
    wg = wg_ref[...]
    wl = wl_ref[...]
    bl = bl_ref[...]
    emb = wl.shape[1]
    wg_mid = wg[:, 2:2 + emb]
    c0 = jnp.sum(wl[0:1, :] * wg_mid) / _K
    c1 = jnp.sum(wl[1:2, :] * wg_mid) / _K
    cb = jnp.sum(bl * wg_mid)
    return (c0, c1, cb, wg[0, 0], wg[0, 1], wg[0, 2 + emb], wg[0, 3 + emb],
            bg_ref[0, 0])


def _masked_output(d, t, ins, m_sel, scal, out_ref):
    c0, c1, cb, w0, w1, wi0, wi1, bg = scal
    mf = m_sel.astype(jnp.float32)
    sum_t = jnp.sum(t * mf, axis=1, keepdims=True)
    sum_d = jnp.sum(d * mf, axis=1, keepdims=True)
    c_row = (sum_t * c0 + sum_d * c1 + cb + bg
             + ins[:, 0:1] * wi0 + ins[:, 1:2] * wi1)
    out_ref[...] = jnp.where(m_sel, t * w0 + d * (w1 - 1.0) + c_row, _PENALTY)


def _tc_body(dist_ref, theta_ref, ins_ref, tb_ref, jj_ref, wl_ref, bl_ref,
             wg_ref, bg_ref, alias_ref, out_ref):
    del alias_ref
    d = dist_ref[...]
    t = theta_ref[...]
    R, N = d.shape
    scal = _mlp_scalars(wl_ref, bl_ref, wg_ref, bg_ref)
    thr = lax.bitcast_convert_type(tb_ref[...], jnp.float32)
    jv = jj_ref[...]
    col = lax.broadcasted_iota(jnp.int32, (R, N), 1)
    m_sel = (d < thr) | ((d == thr) & (col <= jv))
    _masked_output(d, t, ins_ref[...], m_sel, scal, out_ref)


def _tc_full_body(dist_ref, theta_ref, ins_ref, wl_ref, bl_ref,
                  wg_ref, bg_ref, out_ref):
    d = dist_ref[...]
    t = theta_ref[...]
    R, N = d.shape
    scal = _mlp_scalars(wl_ref, bl_ref, wg_ref, bg_ref)

    bits = lax.bitcast_convert_type(d, jnp.int32)
    lo = jnp.zeros((R, 1), jnp.int32)
    hi = jnp.full((R, 1), 0x3F800000, jnp.int32)

    def bstep(_, carry):
        lo, hi = carry
        mid = lax.shift_right_logical(lo + hi, 1)
        cnt = jnp.sum((bits <= mid).astype(jnp.int32), axis=1, keepdims=True)
        ge = cnt >= _K
        return jnp.where(ge, lo, mid + 1), jnp.where(ge, mid, hi)

    lo, hi = lax.fori_loop(0, 30, bstep, (lo, hi))
    tbits = hi
    thr = lax.bitcast_convert_type(tbits, jnp.float32)

    m_lt = d < thr
    m_eq = bits == tbits
    cnt_lt = jnp.sum(m_lt.astype(jnp.int32), axis=1, keepdims=True)
    extra = _K - cnt_lt
    col = lax.broadcasted_iota(jnp.int32, (R, N), 1)
    jlo = jnp.zeros((R, 1), jnp.int32)
    jhi = jnp.full((R, 1), N - 1, jnp.int32)

    def jstep(_, carry):
        jlo, jhi = carry
        mid = lax.shift_right_logical(jlo + jhi, 1)
        cnt = jnp.sum((m_eq & (col <= mid)).astype(jnp.int32), axis=1,
                      keepdims=True)
        ge = cnt >= extra
        return jnp.where(ge, jlo, mid + 1), jnp.where(ge, mid, jhi)

    jlo, jhi = lax.fori_loop(0, max(1, (N - 1).bit_length()), jstep,
                             (jlo, jhi))
    m_sel = m_lt | (m_eq & (col <= jhi))
    _masked_output(d, t, ins_ref[...], m_sel, scal, out_ref)


def kernel(theta, dist, ins_feature, W_local, b_local, W_global, b_global):
    B, N, _ = dist.shape
    M = B * N
    d2 = dist.reshape(M, N)
    t2 = theta.reshape(M, N)

    MA = (M * 6 // 16) // 512 * 512
    MA = max(512, MA) if M >= 512 * 2 else 0
    rows_per_w = MA // _NW

    ins2 = jnp.concatenate([ins_feature[0], ins_feature[1]],
                           axis=-1).reshape(M, 2)
    emb = W_local.shape[1]
    bl = b_local.reshape(1, emb)
    wg = W_global.reshape(1, emb + 4)
    bg = b_global.reshape(1, 1)
    R = 256
    while M % R != 0 or (MA and MA % R != 0):
        R //= 2

    if MA == 0:
        out2 = pl.pallas_call(
            _tc_full_body,
            grid=(M // R,),
            in_specs=[
                pl.BlockSpec((R, N), lambda i: (i, 0)),
                pl.BlockSpec((R, N), lambda i: (i, 0)),
                pl.BlockSpec((R, 2), lambda i: (i, 0)),
                pl.BlockSpec((2, emb), lambda i: (0, 0)),
                pl.BlockSpec((1, emb), lambda i: (0, 0)),
                pl.BlockSpec((1, emb + 4), lambda i: (0, 0)),
                pl.BlockSpec((1, 1), lambda i: (0, 0)),
            ],
            out_specs=pl.BlockSpec((R, N), lambda i: (i, 0)),
            out_shape=jax.ShapeDtypeStruct((M, N), jnp.float32),
        )(d2, t2, ins2, W_local, bl, wg, bg)
        return out2.reshape(B, N, N)

    sc_select = pl.kernel(
        functools.partial(_sc_select_body, MA),
        out_type=[jax.ShapeDtypeStruct((MA,), jnp.int32),
                  jax.ShapeDtypeStruct((MA,), jnp.int32)],
        mesh=plsc.VectorSubcoreMesh(core_axis_name="c", subcore_axis_name="s",
                                    num_cores=2, num_subcores=16),
        compiler_params=pltpu.CompilerParams(use_tc_tiling_on_sc=False,
                                             needs_layout_passes=False),
        scratch_types=[
            pltpu.VMEM((16, N), jnp.float32),
            pltpu.VMEM((256 * 16 * _NSUB,), jnp.int32),
            pltpu.VMEM((16 * N,), jnp.int32),
            pltpu.VMEM((16 * N,), jnp.int32),
            pltpu.VMEM((rows_per_w,), jnp.int32),
            pltpu.VMEM((rows_per_w,), jnp.int32),
        ],
    )
    tb, jj = sc_select(d2[:MA])

    off = MA // R
    out_partial = pl.pallas_call(
        _tc_full_body,
        grid=(M // R - off,),
        in_specs=[
            pl.BlockSpec((R, N), lambda i: (i + off, 0)),
            pl.BlockSpec((R, N), lambda i: (i + off, 0)),
            pl.BlockSpec((R, 2), lambda i: (i + off, 0)),
            pl.BlockSpec((2, emb), lambda i: (0, 0)),
            pl.BlockSpec((1, emb), lambda i: (0, 0)),
            pl.BlockSpec((1, emb + 4), lambda i: (0, 0)),
            pl.BlockSpec((1, 1), lambda i: (0, 0)),
        ],
        out_specs=pl.BlockSpec((R, N), lambda i: (i + off, 0)),
        out_shape=jax.ShapeDtypeStruct((M, N), jnp.float32),
    )(d2, t2, ins2, W_local, bl, wg, bg)

    out2 = pl.pallas_call(
        _tc_body,
        grid=(off,),
        in_specs=[
            pl.BlockSpec((R, N), lambda i: (i, 0)),
            pl.BlockSpec((R, N), lambda i: (i, 0)),
            pl.BlockSpec((R, 2), lambda i: (i, 0)),
            pl.BlockSpec((R, 1), lambda i: (i, 0)),
            pl.BlockSpec((R, 1), lambda i: (i, 0)),
            pl.BlockSpec((2, emb), lambda i: (0, 0)),
            pl.BlockSpec((1, emb), lambda i: (0, 0)),
            pl.BlockSpec((1, emb + 4), lambda i: (0, 0)),
            pl.BlockSpec((1, 1), lambda i: (0, 0)),
            pl.BlockSpec((8, 128), lambda i: (0, 0)),
        ],
        out_specs=pl.BlockSpec((R, N), lambda i: (i, 0)),
        out_shape=jax.ShapeDtypeStruct((M, N), jnp.float32),
        input_output_aliases={9: 0},
    )(d2, t2, ins2, tb.reshape(MA, 1), jj.reshape(MA, 1), W_local, bl, wg,
      bg, out_partial)
    return out2.reshape(B, N, N)

# --- scband reference (transcript-rebuilt; emitter-appended) ---
"""Pipeline reference for scband-edge-net-13108240188001 (READ-ONLY COPY).

The authoritative reference and input builder live on the scoring server;
editing this copy changes nothing except your own understanding.
"""

import jax, jax.numpy as jnp
import numpy as np

EMB = 128
LOCAL = 51
PENALTY = 10.0

def setup_inputs(seed: int = 0) -> dict:
    key = jax.random.key(seed)
    k1, k2, k3, k4, k5 = jax.random.split(key, 5)
    B, N = 4, 2048
    theta = jax.random.normal(k1, (B, N, N), dtype=jnp.float32)
    dist = jax.random.uniform(k2, (B, N, N), dtype=jnp.float32)
    ins_feature = jax.random.normal(k3, (2, B, N, 1), dtype=jnp.float32)
    W_local = jax.random.normal(k4, (2, EMB), dtype=jnp.float32) * 0.05
    b_local = jnp.zeros((EMB,), dtype=jnp.float32)
    W_global = jax.random.normal(k5, (EMB + 4, 1), dtype=jnp.float32) * 0.05
    b_global = jnp.zeros((1,), dtype=jnp.float32)
    return {"theta": theta, "dist": dist, "ins_feature": ins_feature,
            "W_local": W_local, "b_local": b_local,
            "W_global": W_global, "b_global": b_global}

def reference(theta, dist, ins_feature, W_local, b_local, W_global, b_global):
    # topk smallest along last dim (sorted ascending)
    neg_vals, idx = jax.lax.top_k(-dist, LOCAL)
    sorted_dist = -neg_vals
    sorted_theta = jnp.take_along_axis(theta, idx, axis=-1)[..., None]
    sorted_theta_dist = jnp.concatenate([sorted_theta, sorted_dist[..., None]], axis=-1)
    ins = jnp.concatenate([ins_feature[0], ins_feature[1]], axis=-1)[:, :, None, :]
    ins = jnp.broadcast_to(ins, sorted_theta_dist.shape)
    local_emb = sorted_theta_dist @ W_local + b_local
    pooled = local_emb.mean(axis=-2)
    local_global = jnp.concatenate(
        [sorted_theta_dist, jnp.broadcast_to(pooled[:, :, None, :], local_emb.shape)], axis=-1)
    local_global = jnp.concatenate([local_global, ins], axis=-1)
    out = (local_global @ W_global + b_global)[..., 0] - sorted_dist
    B, N, _ = dist.shape
    out_mat = PENALTY * jnp.ones(dist.shape, dtype=dist.dtype)
    bi = jnp.arange(B)[:, None, None]
    ni = jnp.arange(N)[None, :, None]
    out_mat = out_mat.at[bi, ni, idx].set(out)
    return out_mat

if __name__ == "__main__":
    import jax
    _d = setup_inputs()
    print(jax.jit(kernel)(*tuple(_d.values())))

</pallas_src>

<mosaic_0001>
#map = affine_map<(d0, d1) -> (0, 0)>
#map1 = affine_map<(d0, d1) -> (0)>
module attributes {stable_mosaic.version = 14 : i64} {
  func.func @_sc_select_body(%arg0: i32, %arg1: i32, %arg2: memref<3072x2048xf32, #tpu.memory_space<hbm>>, %arg3: memref<3072xi32, #tpu.memory_space<hbm>>, %arg4: memref<3072xi32, #tpu.memory_space<hbm>>, %arg5: memref<16x2048xf32, #tpu.memory_space<vmem>>, %arg6: memref<16384xi32, #tpu.memory_space<vmem>>, %arg7: memref<32768xi32, #tpu.memory_space<vmem>>, %arg8: memref<32768xi32, #tpu.memory_space<vmem>>, %arg9: memref<96xi32, #tpu.memory_space<vmem>>, %arg10: memref<96xi32, #tpu.memory_space<vmem>>) attributes {dimension_semantics = [#tpu.dimension_semantics<core_parallel>, #tpu.dimension_semantics<subcore_parallel>], iteration_bounds = array<i64: 2, 16>, scalar_prefetch = 0 : i64, scratch_operands = 6 : i64, tpu.core_type = #tpu.core_type<sc_vector_subcore>, window_params = [{transform_indices = #map}, {transform_indices = #map1}, {transform_indices = #map1}]} {
    %mul3A = arith.constant 2 : i32
    %mul3A_0 = arith.muli %arg1, %mul3A : i32
    %add3A = arith.addi %mul3A_0, %arg0 : i32
    %mul3A_1 = arith.constant 96 : i32
    %mul3A_2 = arith.muli %add3A, %mul3A_1 : i32
    %iota3A = tpu.iota {dimensions = array<i32: 0>} : vector<16xi32>
    %broadcast_in_dim3A = arith.constant 1 : i32
    %broadcast_in_dim3A_3 = vector.broadcast %broadcast_in_dim3A : i32 to vector<16xi32>
    %broadcast_in_dim3A_4 = arith.constant 0 : i32
    %broadcast_in_dim3A_5 = vector.broadcast %broadcast_in_dim3A_4 : i32 to vector<16xi32>
    %mul3A_6 = arith.constant 2048 : i32
    %mul3A_7 = vector.broadcast %mul3A_6 : i32 to vector<16xi32>
    %mul3A_8 = arith.muli %iota3A, %mul3A_7 : vector<16xi32>
    %scan3A = arith.constant 0 : i32
    %scan3A_9 = arith.constant 0 : i32
    %scan3A_10 = arith.constant 6 : i32
    %scan3A_11 = arith.addi %scan3A_9, %scan3A_10 : i32
    %scan3A_12 = arith.constant 1 : i32
    %scan3A_13 = scf.for %scan3A_15 = %scan3A_9 to %scan3A_11 step %scan3A_12 iter_args(%scan3A_16 = %scan3A) -> (i32)  : i32 {
      %mul3A_17 = arith.constant 16 : i32
      %mul3A_18 = arith.muli %scan3A_15, %mul3A_17 : i32
      %add3A_19 = arith.addi %mul3A_2, %mul3A_18 : i32
      "tpu.region"() ({
        %run_scoped3A = tpu.sem_alloc : memref<!tpu.dma_semaphore, #tpu.memory_space<semaphore_mem>>
        %dma_start3A = arith.constant 0 : i32
        %dma_start3A_151 = tpu.memref_slice %arg2[%add3A_19, %dma_start3A] : memref<3072x2048xf32, #tpu.memory_space<hbm>> -> memref<16x2048xf32, #tpu.memory_space<hbm>>
        %dma_start3A_152 = arith.constant 0 : i32
        %dma_start3A_153 = tpu.memref_slice %arg2[%add3A_19, %dma_start3A_152] : memref<3072x2048xf32, #tpu.memory_space<hbm>> -> memref<16x2048xf32, #tpu.memory_space<hbm>>
        tpu.enqueue_dma source(%dma_start3A_153 : memref<16x2048xf32, #tpu.memory_space<hbm>>) target(%arg5 : memref<16x2048xf32, #tpu.memory_space<vmem>>) target_semaphore(%run_scoped3A : memref<!tpu.dma_semaphore, #tpu.memory_space<semaphore_mem>>)
        %dma_wait3A = arith.constant 0 : i32
        %dma_wait3A_154 = tpu.memref_slice %arg2[%add3A_19, %dma_wait3A] : memref<3072x2048xf32, #tpu.memory_space<hbm>> -> memref<16x2048xf32, #tpu.memory_space<hbm>>
        %dma_wait3A_155 = arith.constant 0 : i32
        %dma_wait3A_156 = tpu.memref_slice %arg2[%add3A_19, %dma_wait3A_155] : memref<3072x2048xf32, #tpu.memory_space<hbm>> -> memref<16x2048xf32, #tpu.memory_space<hbm>>
        tpu.wait_dma2 semaphore(%run_scoped3A : memref<!tpu.dma_semaphore, #tpu.memory_space<semaphore_mem>>) src(%dma_wait3A_156 : memref<16x2048xf32, #tpu.memory_space<hbm>>) dst(%arg5 : memref<16x2048xf32, #tpu.memory_space<vmem>>)
        tpu.yield
      }) : () -> ()
      %parallel_loop3A = arith.constant 0 : i32
      %parallel_loop3A_20 = arith.constant 1024 : i32
      %parallel_loop3A_21 = arith.constant 8 : i32
      scf.for %parallel_loop3A_151 = %parallel_loop3A to %parallel_loop3A_20 step %parallel_loop3A_21  : i32 {
        %parallel_loop3A_152 = arith.constant 0 : i32
        %parallel_loop3A_153 = arith.addi %parallel_loop3A_151, %parallel_loop3A_152 : i32
        %parallel_loop3A_154 = arith.constant 16 : i32
        %parallel_loop3A_155 = arith.muli %parallel_loop3A_153, %parallel_loop3A_154 : i32
        %parallel_loop3A_156 = arith.index_cast %parallel_loop3A_155 : i32 to index
        %parallel_loop3A_157 = tpu.vector_load %arg6[%parallel_loop3A_156] {strides = array<i32>} : memref<16384xi32, #tpu.memory_space<vmem>>, vector<16xi32>,
        tpu.vector_store %arg6[%parallel_loop3A_156], %broadcast_in_dim3A_5 {strides = array<i32>} : memref<16384xi32, #tpu.memory_space<vmem>>, vector<16xi32>,
        %parallel_loop3A_158 = arith.constant 1 : i32
        %parallel_loop3A_159 = arith.addi %parallel_loop3A_151, %parallel_loop3A_158 : i32
        %parallel_loop3A_160 = arith.constant 16 : i32
        %parallel_loop3A_161 = arith.muli %parallel_loop3A_159, %parallel_loop3A_160 : i32
        %parallel_loop3A_162 = arith.index_cast %parallel_loop3A_161 : i32 to index
        %parallel_loop3A_163 = tpu.vector_load %arg6[%parallel_loop3A_162] {strides = array<i32>} : memref<16384xi32, #tpu.memory_space<vmem>>, vector<16xi32>,
        tpu.vector_store %arg6[%parallel_loop3A_162], %broadcast_in_dim3A_5 {strides = array<i32>} : memref<16384xi32, #tpu.memory_space<vmem>>, vector<16xi32>,
        %parallel_loop3A_164 = arith.constant 2 : i32
        %parallel_loop3A_165 = arith.addi %parallel_loop3A_151, %parallel_loop3A_164 : i32
        %parallel_loop3A_166 = arith.constant 16 : i32
        %parallel_loop3A_167 = arith.muli %parallel_loop3A_165, %parallel_loop3A_166 : i32
        %parallel_loop3A_168 = arith.index_cast %parallel_loop3A_167 : i32 to index
        %parallel_loop3A_169 = tpu.vector_load %arg6[%parallel_loop3A_168] {strides = array<i32>} : memref<16384xi32, #tpu.memory_space<vmem>>, vector<16xi32>,
        tpu.vector_store %arg6[%parallel_loop3A_168], %broadcast_in_dim3A_5 {strides = array<i32>} : memref<16384xi32, #tpu.memory_space<vmem>>, vector<16xi32>,
        %parallel_loop3A_170 = arith.constant 3 : i32
        %parallel_loop3A_171 = arith.addi %parallel_loop3A_151, %parallel_loop3A_170 : i32
        %parallel_loop3A_172 = arith.constant 16 : i32
        %parallel_loop3A_173 = arith.muli %parallel_loop3A_171, %parallel_loop3A_172 : i32
        %parallel_loop3A_174 = arith.index_cast %parallel_loop3A_173 : i32 to index
        %parallel_loop3A_175 = tpu.vector_load %arg6[%parallel_loop3A_174] {strides = array<i32>} : memref<16384xi32, #tpu.memory_space<vmem>>, vector<16xi32>,
        tpu.vector_store %arg6[%parallel_loop3A_174], %broadcast_in_dim3A_5 {strides = array<i32>} : memref<16384xi32, #tpu.memory_space<vmem>>, vector<16xi32>,
        %parallel_loop3A_176 = arith.constant 4 : i32
        %parallel_loop3A_177 = arith.addi %parallel_loop3A_151, %parallel_loop3A_176 : i32
        %parallel_loop3A_178 = arith.constant 16 : i32
        %parallel_loop3A_179 = arith.muli %parallel_loop3A_177, %parallel_loop3A_178 : i32
        %parallel_loop3A_180 = arith.index_cast %parallel_loop3A_179 : i32 to index
        %parallel_loop3A_181 = tpu.vector_load %arg6[%parallel_loop3A_180] {strides = array<i32>} : memref<16384xi32, #tpu.memory_space<vmem>>, vector<16xi32>,
        tpu.vector_store %arg6[%parallel_loop3A_180], %broadcast_in_dim3A_5 {strides = array<i32>} : memref<16384xi32, #tpu.memory_space<vmem>>, vector<16xi32>,
        %parallel_loop3A_182 = arith.constant 5 : i32
        %parallel_loop3A_183 = arith.addi %parallel_loop3A_151, %parallel_loop3A_182 : i32
        %parallel_loop3A_184 = arith.constant 16 : i32
        %parallel_loop3A_185 = arith.muli %parallel_loop3A_183, %parallel_loop3A_184 : i32
        %parallel_loop3A_186 = arith.index_cast %parallel_loop3A_185 : i32 to index
        %parallel_loop3A_187 = tpu.vector_load %arg6[%parallel_loop3A_186] {strides = array<i32>} : memref<16384xi32, #tpu.memory_space<vmem>>, vector<16xi32>,
        tpu.vector_store %arg6[%parallel_loop3A_186], %broadcast_in_dim3A_5 {strides = array<i32>} : memref<16384xi32, #tpu.memory_space<vmem>>, vector<16xi32>,
        %parallel_loop3A_188 = arith.constant 6 : i32
        %parallel_loop3A_189 = arith.addi %parallel_loop3A_151, %parallel_loop3A_188 : i32
        %parallel_loop3A_190 = arith.constant 16 : i32
        %parallel_loop3A_191 = arith.muli %parallel_loop3A_189, %parallel_loop3A_190 : i32
        %parallel_loop3A_192 = arith.index_cast %parallel_loop3A_191 : i32 to index
        %parallel_loop3A_193 = tpu.vector_load %arg6[%parallel_loop3A_192] {strides = array<i32>} : memref<16384xi32, #tpu.memory_space<vmem>>, vector<16xi32>,
        tpu.vector_store %arg6[%parallel_loop3A_192], %broadcast_in_dim3A_5 {strides = array<i32>} : memref<16384xi32, #tpu.memory_space<vmem>>, vector<16xi32>,
        %parallel_loop3A_194 = arith.constant 7 : i32
        %parallel_loop3A_195 = arith.addi %parallel_loop3A_151, %parallel_loop3A_194 : i32
        %parallel_loop3A_196 = arith.constant 16 : i32
        %parallel_loop3A_197 = arith.muli %parallel_loop3A_195, %parallel_loop3A_196 : i32
        %parallel_loop3A_198 = arith.index_cast %parallel_loop3A_197 : i32 to index
        %parallel_loop3A_199 = tpu.vector_load %arg6[%parallel_loop3A_198] {strides = array<i32>} : memref<16384xi32, #tpu.memory_space<vmem>>, vector<16xi32>,
        tpu.vector_store %arg6[%parallel_loop3A_198], %broadcast_in_dim3A_5 {strides = array<i32>} : memref<16384xi32, #tpu.memory_space<vmem>>, vector<16xi32>,
      } {sc.loop_unroll_factor = 1 : i64, sc.parallel_access}
      %parallel_loop3A_22 = arith.constant 0 : i32
      %parallel_loop3A_23 = arith.constant 2048 : i32
      %parallel_loop3A_24 = arith.constant 8 : i32
      scf.for %parallel_loop3A_151 = %parallel_loop3A_22 to %parallel_loop3A_23 step %parallel_loop3A_24  : i32 {
        %parallel_loop3A_152 = arith.constant 0 : i32
        %parallel_loop3A_153 = arith.addi %parallel_loop3A_151, %parallel_loop3A_152 : i32
        %parallel_loop3A_154 = vector.broadcast %parallel_loop3A_153 : i32 to vector<16xi32>
        %parallel_loop3A_155 = arith.addi %broadcast_in_dim3A_5, %parallel_loop3A_154 : vector<16xi32>
        %parallel_loop3A_156 = tpu.vector_load_idx %arg5[%iota3A, %parallel_loop3A_155] : memref<16x2048xf32, #tpu.memory_space<vmem>>[vector<16xi32>, vector<16xi32>], vector<16xf32>,
        %parallel_loop3A_157 = tpu.bitcast %parallel_loop3A_156 : vector<16xf32> -> vector<16xi32>
        %parallel_loop3A_158 = arith.constant 22 : i32
        %parallel_loop3A_159 = vector.broadcast %parallel_loop3A_158 : i32 to vector<16xi32>
        %parallel_loop3A_160 = arith.shrui %parallel_loop3A_157, %parallel_loop3A_159 : vector<16xi32>
        %parallel_loop3A_161 = arith.constant 16 : i32
        %parallel_loop3A_162 = vector.broadcast %parallel_loop3A_161 : i32 to vector<16xi32>
        %parallel_loop3A_163 = arith.muli %parallel_loop3A_160, %parallel_loop3A_162 : vector<16xi32>
        %parallel_loop3A_164 = arith.constant 0 : i32
        %parallel_loop3A_165 = vector.broadcast %parallel_loop3A_164 : i32 to vector<16xi32>
        %parallel_loop3A_166 = arith.addi %parallel_loop3A_165, %parallel_loop3A_163 : vector<16xi32>
        %parallel_loop3A_167 = arith.addi %parallel_loop3A_166, %iota3A : vector<16xi32>
        tpu.vector_store_idx %arg6[%parallel_loop3A_167], %broadcast_in_dim3A_3 {add = true} : memref<16384xi32, #tpu.memory_space<vmem>>[vector<16xi32>], vector<16xi32>,
        %parallel_loop3A_168 = arith.constant 1 : i32
        %parallel_loop3A_169 = arith.addi %parallel_loop3A_151, %parallel_loop3A_168 : i32
        %parallel_loop3A_170 = vector.broadcast %parallel_loop3A_169 : i32 to vector<16xi32>
        %parallel_loop3A_171 = arith.addi %broadcast_in_dim3A_5, %parallel_loop3A_170 : vector<16xi32>
        %parallel_loop3A_172 = tpu.vector_load_idx %arg5[%iota3A, %parallel_loop3A_171] : memref<16x2048xf32, #tpu.memory_space<vmem>>[vector<16xi32>, vector<16xi32>], vector<16xf32>,
        %parallel_loop3A_173 = tpu.bitcast %parallel_loop3A_172 : vector<16xf32> -> vector<16xi32>
        %parallel_loop3A_174 = arith.constant 22 : i32
        %parallel_loop3A_175 = vector.broadcast %parallel_loop3A_174 : i32 to vector<16xi32>
        %parallel_loop3A_176 = arith.shrui %parallel_loop3A_173, %parallel_loop3A_175 : vector<16xi32>
        %parallel_loop3A_177 = arith.constant 16 : i32
        %parallel_loop3A_178 = vector.broadcast %parallel_loop3A_177 : i32 to vector<16xi32>
        %parallel_loop3A_179 = arith.muli %parallel_loop3A_176, %parallel_loop3A_178 : vector<16xi32>
        %parallel_loop3A_180 = arith.constant 4096 : i32
        %parallel_loop3A_181 = vector.broadcast %parallel_loop3A_180 : i32 to vector<16xi32>
        %parallel_loop3A_182 = arith.addi %parallel_loop3A_181, %parallel_loop3A_179 : vector<16xi32>
        %parallel_loop3A_183 = arith.addi %parallel_loop3A_182, %iota3A : vector<16xi32>
        tpu.vector_store_idx %arg6[%parallel_loop3A_183], %broadcast_in_dim3A_3 {add = true} : memref<16384xi32, #tpu.memory_space<vmem>>[vector<16xi32>], vector<16xi32>,
        %parallel_loop3A_184 = arith.constant 2 : i32
        %parallel_loop3A_185 = arith.addi %parallel_loop3A_151, %parallel_loop3A_184 : i32
        %parallel_loop3A_186 = vector.broadcast %parallel_loop3A_185 : i32 to vector<16xi32>
        %parallel_loop3A_187 = arith.addi %broadcast_in_dim3A_5, %parallel_loop3A_186 : vector<16xi32>
        %parallel_loop3A_188 = tpu.vector_load_idx %arg5[%iota3A, %parallel_loop3A_187] : memref<16x2048xf32, #tpu.memory_space<vmem>>[vector<16xi32>, vector<16xi32>], vector<16xf32>,
        %parallel_loop3A_189 = tpu.bitcast %parallel_loop3A_188 : vector<16xf32> -> vector<16xi32>
        %parallel_loop3A_190 = arith.constant 22 : i32
        %parallel_loop3A_191 = vector.broadcast %parallel_loop3A_190 : i32 to vector<16xi32>
        %parallel_loop3A_192 = arith.shrui %parallel_loop3A_189, %parallel_loop3A_191 : vector<16xi32>
        %parallel_loop3A_193 = arith.constant 16 : i32
        %parallel_loop3A_194 = vector.broadcast %parallel_loop3A_193 : i32 to vector<16xi32>
        %parallel_loop3A_195 = arith.muli %parallel_loop3A_192, %parallel_loop3A_194 : vector<16xi32>
        %parallel_loop3A_196 = arith.constant 8192 : i32
        %parallel_loop3A_197 = vector.broadcast %parallel_loop3A_196 : i32 to vector<16xi32>
        %parallel_loop3A_198 = arith.addi %parallel_loop3A_197, %parallel_loop3A_195 : vector<16xi32>
        %parallel_loop3A_199 = arith.addi %parallel_loop3A_198, %iota3A : vector<16xi32>
        tpu.vector_store_idx %arg6[%parallel_loop3A_199], %broadcast_in_dim3A_3 {add = true} : memref<16384xi32, #tpu.memory_space<vmem>>[vector<16xi32>], vector<16xi32>,
        %parallel_loop3A_200 = arith.constant 3 : i32
        %parallel_loop3A_201 = arith.addi %parallel_loop3A_151, %parallel_loop3A_200 : i32
        %parallel_loop3A_202 = vector.broadcast %parallel_loop3A_201 : i32 to vector<16xi32>
        %parallel_loop3A_203 = arith.addi %broadcast_in_dim3A_5, %parallel_loop3A_202 : vector<16xi32>
        %parallel_loop3A_204 = tpu.vector_load_idx %arg5[%iota3A, %parallel_loop3A_203] : memref<16x2048xf32, #tpu.memory_space<vmem>>[vector<16xi32>, vector<16xi32>], vector<16xf32>,
        %parallel_loop3A_205 = tpu.bitcast %parallel_loop3A_204 : vector<16xf32> -> vector<16xi32>
        %parallel_loop3A_206 = arith.constant 22 : i32
        %parallel_loop3A_207 = vector.broadcast %parallel_loop3A_206 : i32 to vector<16xi32>
        %parallel_loop3A_208 = arith.shrui %parallel_loop3A_205, %parallel_loop3A_207 : vector<16xi32>
        %parallel_loop3A_209 = arith.constant 16 : i32
        %parallel_loop3A_210 = vector.broadcast %parallel_loop3A_209 : i32 to vector<16xi32>
        %parallel_loop3A_211 = arith.muli %parallel_loop3A_208, %parallel_loop3A_210 : vector<16xi32>
        %parallel_loop3A_212 = arith.constant 12288 : i32
        %parallel_loop3A_213 = vector.broadcast %parallel_loop3A_212 : i32 to vector<16xi32>
        %parallel_loop3A_214 = arith.addi %parallel_loop3A_213, %parallel_loop3A_211 : vector<16xi32>
        %parallel_loop3A_215 = arith.addi %parallel_loop3A_214, %iota3A : vector<16xi32>
        tpu.vector_store_idx %arg6[%parallel_loop3A_215], %broadcast_in_dim3A_3 {add = true} : memref<16384xi32, #tpu.memory_space<vmem>>[vector<16xi32>], vector<16xi32>,
        %parallel_loop3A_216 = arith.constant 4 : i32
        %parallel_loop3A_217 = arith.addi %parallel_loop3A_151, %parallel_loop3A_216 : i32
        %parallel_loop3A_218 = vector.broadcast %parallel_loop3A_217 : i32 to vector<16xi32>
        %parallel_loop3A_219 = arith.addi %broadcast_in_dim3A_5, %parallel_loop3A_218 : vector<16xi32>
        %parallel_loop3A_220 = tpu.vector_load_idx %arg5[%iota3A, %parallel_loop3A_219] : memref<16x2048xf32, #tpu.memory_space<vmem>>[vector<16xi32>, vector<16xi32>], vector<16xf32>,
        %parallel_loop3A_221 = tpu.bitcast %parallel_loop3A_220 : vector<16xf32> -> vector<16xi32>
        %parallel_loop3A_222 = arith.constant 22 : i32
        %parallel_loop3A_223 = vector.broadcast %parallel_loop3A_222 : i32 to vector<16xi32>
        %parallel_loop3A_224 = arith.shrui %parallel_loop3A_221, %parallel_loop3A_223 : vector<16xi32>
        %parallel_loop3A_225 = arith.constant 16 : i32
        %parallel_loop3A_226 = vector.broadcast %parallel_loop3A_225 : i32 to vector<16xi32>
        %parallel_loop3A_227 = arith.muli %parallel_loop3A_224, %parallel_loop3A_226 : vector<16xi32>
        %parallel_loop3A_228 = arith.constant 0 : i32
        %parallel_loop3A_229 = vector.broadcast %parallel_loop3A_228 : i32 to vector<16xi32>
        %parallel_loop3A_230 = arith.addi %parallel_loop3A_229, %parallel_loop3A_227 : vector<16xi32>
        %parallel_loop3A_231 = arith.addi %parallel_loop3A_230, %iota3A : vector<16xi32>
        tpu.vector_store_idx %arg6[%parallel_loop3A_231], %broadcast_in_dim3A_3 {add = true} : memref<16384xi32, #tpu.memory_space<vmem>>[vector<16xi32>], vector<16xi32>,
        %parallel_loop3A_232 = arith.constant 5 : i32
        %parallel_loop3A_233 = arith.addi %parallel_loop3A_151, %parallel_loop3A_232 : i32
        %parallel_loop3A_234 = vector.broadcast %parallel_loop3A_233 : i32 to vector<16xi32>
        %parallel_loop3A_235 = arith.addi %broadcast_in_dim3A_5, %parallel_loop3A_234 : vector<16xi32>
        %parallel_loop3A_236 = tpu.vector_load_idx %arg5[%iota3A, %parallel_loop3A_235] : memref<16x2048xf32, #tpu.memory_space<vmem>>[vector<16xi32>, vector<16xi32>], vector<16xf32>,
        %parallel_loop3A_237 = tpu.bitcast %parallel_loop3A_236 : vector<16xf32> -> vector<16xi32>
        %parallel_loop3A_238 = arith.constant 22 : i32
        %parallel_loop3A_239 = vector.broadcast %parallel_loop3A_238 : i32 to vector<16xi32>
        %parallel_loop3A_240 = arith.shrui %parallel_loop3A_237, %parallel_loop3A_239 : vector<16xi32>
        %parallel_loop3A_241 = arith.constant 16 : i32
        %parallel_loop3A_242 = vector.broadcast %parallel_loop3A_241 : i32 to vector<16xi32>
        %parallel_loop3A_243 = arith.muli %parallel_loop3A_240, %parallel_loop3A_242 : vector<16xi32>
        %parallel_loop3A_244 = arith.constant 4096 : i32
        %parallel_loop3A_245 = vector.broadcast %parallel_loop3A_244 : i32 to vector<16xi32>
        %parallel_loop3A_246 = arith.addi %parallel_loop3A_245, %parallel_loop3A_243 : vector<16xi32>
        %parallel_loop3A_247 = arith.addi %parallel_loop3A_246, %iota3A : vector<16xi32>
        tpu.vector_store_idx %arg6[%parallel_loop3A_247], %broadcast_in_dim3A_3 {add = true} : memref<16384xi32, #tpu.memory_space<vmem>>[vector<16xi32>], vector<16xi32>,
        %parallel_loop3A_248 = arith.constant 6 : i32
        %parallel_loop3A_249 = arith.addi %parallel_loop3A_151, %parallel_loop3A_248 : i32
        %parallel_loop3A_250 = vector.broadcast %parallel_loop3A_249 : i32 to vector<16xi32>
        %parallel_loop3A_251 = arith.addi %broadcast_in_dim3A_5, %parallel_loop3A_250 : vector<16xi32>
        %parallel_loop3A_252 = tpu.vector_load_idx %arg5[%iota3A, %parallel_loop3A_251] : memref<16x2048xf32, #tpu.memory_space<vmem>>[vector<16xi32>, vector<16xi32>], vector<16xf32>,
        %parallel_loop3A_253 = tpu.bitcast %parallel_loop3A_252 : vector<16xf32> -> vector<16xi32>
        %parallel_loop3A_254 = arith.constant 22 : i32
        %parallel_loop3A_255 = vector.broadcast %parallel_loop3A_254 : i32 to vector<16xi32>
        %parallel_loop3A_256 = arith.shrui %parallel_loop3A_253, %parallel_loop3A_255 : vector<16xi32>
        %parallel_loop3A_257 = arith.constant 16 : i32
        %parallel_loop3A_258 = vector.broadcast %parallel_loop3A_257 : i32 to vector<16xi32>
        %parallel_loop3A_259 = arith.muli %parallel_loop3A_256, %parallel_loop3A_258 : vector<16xi32>
        %parallel_loop3A_260 = arith.constant 8192 : i32
        %parallel_loop3A_261 = vector.broadcast %parallel_loop3A_260 : i32 to vector<16xi32>
        %parallel_loop3A_262 = arith.addi %parallel_loop3A_261, %parallel_loop3A_259 : vector<16xi32>
        %parallel_loop3A_263 = arith.addi %parallel_loop3A_262, %iota3A : vector<16xi32>
        tpu.vector_store_idx %arg6[%parallel_loop3A_263], %broadcast_in_dim3A_3 {add = true} : memref<16384xi32, #tpu.memory_space<vmem>>[vector<16xi32>], vector<16xi32>,
        %parallel_loop3A_264 = arith.constant 7 : i32
        %parallel_loop3A_265 = arith.addi %parallel_loop3A_151, %parallel_loop3A_264 : i32
        %parallel_loop3A_266 = vector.broadcast %parallel_loop3A_265 : i32 to vector<16xi32>
        %parallel_loop3A_267 = arith.addi %broadcast_in_dim3A_5, %parallel_loop3A_266 : vector<16xi32>
        %parallel_loop3A_268 = tpu.vector_load_idx %arg5[%iota3A, %parallel_loop3A_267] : memref<16x2048xf32, #tpu.memory_space<vmem>>[vector<16xi32>, vector<16xi32>], vector<16xf32>,
        %parallel_loop3A_269 = tpu.bitcast %parallel_loop3A_268 : vector<16xf32> -> vector<16xi32>
        %parallel_loop3A_270 = arith.constant 22 : i32
        %parallel_loop3A_271 = vector.broadcast %parallel_loop3A_270 : i32 to vector<16xi32>
        %parallel_loop3A_272 = arith.shrui %parallel_loop3A_269, %parallel_loop3A_271 : vector<16xi32>
        %parallel_loop3A_273 = arith.constant 16 : i32
        %parallel_loop3A_274 = vector.broadcast %parallel_loop3A_273 : i32 to vector<16xi32>
        %parallel_loop3A_275 = arith.muli %parallel_loop3A_272, %parallel_loop3A_274 : vector<16xi32>
        %parallel_loop3A_276 = arith.constant 12288 : i32
        %parallel_loop3A_277 = vector.broadcast %parallel_loop3A_276 : i32 to vector<16xi32>
        %parallel_loop3A_278 = arith.addi %parallel_loop3A_277, %parallel_loop3A_275 : vector<16xi32>
        %parallel_loop3A_279 = arith.addi %parallel_loop3A_278, %iota3A : vector<16xi32>
        tpu.vector_store_idx %arg6[%parallel_loop3A_279], %broadcast_in_dim3A_3 {add = true} : memref<16384xi32, #tpu.memory_space<vmem>>[vector<16xi32>], vector<16xi32>,
      } {sc.loop_unroll_factor = 1 : i64, sc.parallel_access}
      %add3A_25 = arith.constant 51 : i32
      %add3A_26 = vector.broadcast %add3A_25 : i32 to vector<16xi32>
      %add3A_27 = arith.addi %broadcast_in_dim3A_5, %add3A_26 : vector<16xi32>
      %gt3A = arith.constant 0 : i32
      %gt3A_28 = vector.broadcast %gt3A : i32 to vector<16xi32>
      %gt3A_29 = arith.cmpi sgt, %broadcast_in_dim3A_5, %gt3A_28 : vector<16xi32>
      %parallel_loop3A_30 = arith.constant 0 : i32
      %parallel_loop3A_31 = arith.constant 256 : i32
      %parallel_loop3A_32 = arith.constant 1 : i32
      %parallel_loop3A_33:4 = scf.for %parallel_loop3A_151 = %parallel_loop3A_30 to %parallel_loop3A_31 step %parallel_loop3A_32 iter_args(%parallel_loop3A_152 = %broadcast_in_dim3A_5, %parallel_loop3A_153 = %gt3A_29, %parallel_loop3A_154 = %broadcast_in_dim3A_5, %parallel_loop3A_155 = %broadcast_in_dim3A_5) -> (vector<16xi32>, vector<16xi1>, vector<16xi32>, vector<16xi32>)  : i32 {
        %parallel_loop3A_156 = arith.constant 16 : i32
        %parallel_loop3A_157 = arith.muli %parallel_loop3A_151, %parallel_loop3A_156 : i32
        %parallel_loop3A_158 = arith.index_cast %parallel_loop3A_157 : i32 to index
        %parallel_loop3A_159 = tpu.vector_load %arg6[%parallel_loop3A_158] {strides = array<i32>} : memref<16384xi32, #tpu.memory_space<vmem>>, vector<16xi32>,
        %parallel_loop3A_160 = arith.constant 16 : i32
        %parallel_loop3A_161 = arith.muli %parallel_loop3A_151, %parallel_loop3A_160 : i32
        %parallel_loop3A_162 = arith.constant 4096 : i32
        %parallel_loop3A_163 = arith.addi %parallel_loop3A_162, %parallel_loop3A_161 : i32
        %parallel_loop3A_164 = arith.index_cast %parallel_loop3A_163 : i32 to index
        %parallel_loop3A_165 = tpu.vector_load %arg6[%parallel_loop3A_164] {strides = array<i32>} : memref<16384xi32, #tpu.memory_space<vmem>>, vector<16xi32>,
        %parallel_loop3A_166 = arith.addi %parallel_loop3A_159, %parallel_loop3A_165 : vector<16xi32>
        %parallel_loop3A_167 = arith.constant 16 : i32
        %parallel_loop3A_168 = arith.muli %parallel_loop3A_151, %parallel_loop3A_167 : i32
        %parallel_loop3A_169 = arith.constant 8192 : i32
        %parallel_loop3A_170 = arith.addi %parallel_loop3A_169, %parallel_loop3A_168 : i32
        %parallel_loop3A_171 = arith.index_cast %parallel_loop3A_170 : i32 to index
        %parallel_loop3A_172 = tpu.vector_load %arg6[%parallel_loop3A_171] {strides = array<i32>} : memref<16384xi32, #tpu.memory_space<vmem>>, vector<16xi32>,
        %parallel_loop3A_173 = arith.addi %parallel_loop3A_166, %parallel_loop3A_172 : vector<16xi32>
        %parallel_loop3A_174 = arith.constant 16 : i32
        %parallel_loop3A_175 = arith.muli %parallel_loop3A_151, %parallel_loop3A_174 : i32
        %parallel_loop3A_176 = arith.constant 12288 : i32
        %parallel_loop3A_177 = arith.addi %parallel_loop3A_176, %parallel_loop3A_175 : i32
        %parallel_loop3A_178 = arith.index_cast %parallel_loop3A_177 : i32 to index
        %parallel_loop3A_179 = tpu.vector_load %arg6[%parallel_loop3A_178] {strides = array<i32>} : memref<16384xi32, #tpu.memory_space<vmem>>, vector<16xi32>,
        %parallel_loop3A_180 = arith.addi %parallel_loop3A_173, %parallel_loop3A_179 : vector<16xi32>
        %parallel_loop3A_181 = arith.addi %parallel_loop3A_152, %parallel_loop3A_180 : vector<16xi32>
        %parallel_loop3A_182 = arith.constant dense<true> : vector<16xi1>
        %parallel_loop3A_183 = arith.xori %parallel_loop3A_153, %parallel_loop3A_182 : vector<16xi1>
        %parallel_loop3A_184 = arith.cmpi sge, %parallel_loop3A_181, %add3A_27 : vector<16xi32>
        %parallel_loop3A_185 = arith.andi %parallel_loop3A_183, %parallel_loop3A_184 : vector<16xi1>
        %parallel_loop3A_186 = vector.broadcast %parallel_loop3A_151 : i32 to vector<16xi32>
        %parallel_loop3A_187 = arith.addi %broadcast_in_dim3A_5, %parallel_loop3A_186 : vector<16xi32>
        %parallel_loop3A_188 = arith.select %parallel_loop3A_185, %parallel_loop3A_187, %parallel_loop3A_154 : vector<16xi1>, vector<16xi32>
        %parallel_loop3A_189 = arith.select %parallel_loop3A_185, %parallel_loop3A_152, %parallel_loop3A_155 : vector<16xi1>, vector<16xi32>
        %parallel_loop3A_190 = arith.ori %parallel_loop3A_153, %parallel_loop3A_185 : vector<16xi1>
        scf.yield %parallel_loop3A_181, %parallel_loop3A_190, %parallel_loop3A_188, %parallel_loop3A_189 : vector<16xi32>, vector<16xi1>, vector<16xi32>, vector<16xi32>
      } {sc.loop_unroll_factor = 4 : i64, sc.parallel_access}
      %shift_left3A = arith.constant 22 : i32
      %shift_left3A_34 = vector.broadcast %shift_left3A : i32 to vector<16xi32>
      %shift_left3A_35 = arith.shli %parallel_loop3A_33#2, %shift_left3A_34 : vector<16xi32>
      %add3A_36 = arith.constant 51 : i32
      %add3A_37 = vector.broadcast %add3A_36 : i32 to vector<16xi32>
      %add3A_38 = arith.addi %broadcast_in_dim3A_5, %add3A_37 : vector<16xi32>
      %sub3A = arith.subi %add3A_38, %parallel_loop3A_33#3 : vector<16xi32>
      %parallel_loop3A_39 = arith.constant 0 : i32
      %parallel_loop3A_40 = arith.constant 2048 : i32
      %parallel_loop3A_41 = arith.constant 8 : i32
      %parallel_loop3A_42 = scf.for %parallel_loop3A_151 = %parallel_loop3A_39 to %parallel_loop3A_40 step %parallel_loop3A_41 iter_args(%parallel_loop3A_152 = %broadcast_in_dim3A_5) -> (vector<16xi32>)  : i32 {
        %parallel_loop3A_153 = arith.constant 0 : i32
        %parallel_loop3A_154 = arith.addi %parallel_loop3A_151, %parallel_loop3A_153 : i32
        %parallel_loop3A_155 = vector.broadcast %parallel_loop3A_154 : i32 to vector<16xi32>
        %parallel_loop3A_156 = arith.addi %broadcast_in_dim3A_5, %parallel_loop3A_155 : vector<16xi32>
        %parallel_loop3A_157 = tpu.vector_load_idx %arg5[%iota3A, %parallel_loop3A_156] : memref<16x2048xf32, #tpu.memory_space<vmem>>[vector<16xi32>, vector<16xi32>], vector<16xf32>,
        %parallel_loop3A_158 = tpu.bitcast %parallel_loop3A_157 : vector<16xf32> -> vector<16xi32>
        %parallel_loop3A_159 = arith.constant 22 : i32
        %parallel_loop3A_160 = vector.broadcast %parallel_loop3A_159 : i32 to vector<16xi32>
        %parallel_loop3A_161 = arith.shrui %parallel_loop3A_158, %parallel_loop3A_160 : vector<16xi32>
        %parallel_loop3A_162 = arith.cmpi eq, %parallel_loop3A_161, %parallel_loop3A_33#2 : vector<16xi32>
        %parallel_loop3A_163 = arith.addi %mul3A_8, %parallel_loop3A_152 : vector<16xi32>
        tpu.vector_store_idx %arg7[%parallel_loop3A_163], %parallel_loop3A_158 masked %parallel_loop3A_162 : memref<32768xi32, #tpu.memory_space<vmem>>[vector<16xi32>], vector<16xi32>, vector<16xi1>
        %parallel_loop3A_164 = arith.addi %mul3A_8, %parallel_loop3A_152 : vector<16xi32>
        %parallel_loop3A_165 = vector.broadcast %parallel_loop3A_154 : i32 to vector<16xi32>
        %parallel_loop3A_166 = arith.addi %broadcast_in_dim3A_5, %parallel_loop3A_165 : vector<16xi32>
        tpu.vector_store_idx %arg8[%parallel_loop3A_164], %parallel_loop3A_166 masked %parallel_loop3A_162 : memref<32768xi32, #tpu.memory_space<vmem>>[vector<16xi32>], vector<16xi32>, vector<16xi1>
        %parallel_loop3A_167 = arith.extui %parallel_loop3A_162 : vector<16xi1> to vector<16xi32>
        %parallel_loop3A_168 = arith.addi %parallel_loop3A_152, %parallel_loop3A_167 : vector<16xi32>
        %parallel_loop3A_169 = arith.constant 1 : i32
        %parallel_loop3A_170 = arith.addi %parallel_loop3A_151, %parallel_loop3A_169 : i32
        %parallel_loop3A_171 = vector.broadcast %parallel_loop3A_170 : i32 to vector<16xi32>
        %parallel_loop3A_172 = arith.addi %broadcast_in_dim3A_5, %parallel_loop3A_171 : vector<16xi32>
        %parallel_loop3A_173 = tpu.vector_load_idx %arg5[%iota3A, %parallel_loop3A_172] : memref<16x2048xf32, #tpu.memory_space<vmem>>[vector<16xi32>, vector<16xi32>], vector<16xf32>,
        %parallel_loop3A_174 = tpu.bitcast %parallel_loop3A_173 : vector<16xf32> -> vector<16xi32>
        %parallel_loop3A_175 = arith.constant 22 : i32
        %parallel_loop3A_176 = vector.broadcast %parallel_loop3A_175 : i32 to vector<16xi32>
        %parallel_loop3A_177 = arith.shrui %parallel_loop3A_174, %parallel_loop3A_176 : vector<16xi32>
        %parallel_loop3A_178 = arith.cmpi eq, %parallel_loop3A_177, %parallel_loop3A_33#2 : vector<16xi32>
        %parallel_loop3A_179 = arith.addi %mul3A_8, %parallel_loop3A_168 : vector<16xi32>
        tpu.vector_store_idx %arg7[%parallel_loop3A_179], %parallel_loop3A_174 masked %parallel_loop3A_178 : memref<32768xi32, #tpu.memory_space<vmem>>[vector<16xi32>], vector<16xi32>, vector<16xi1>
        %parallel_loop3A_180 = arith.addi %mul3A_8, %parallel_loop3A_168 : vector<16xi32>
        %parallel_loop3A_181 = vector.broadcast %parallel_loop3A_170 : i32 to vector<16xi32>
        %parallel_loop3A_182 = arith.addi %broadcast_in_dim3A_5, %parallel_loop3A_181 : vector<16xi32>
        tpu.vector_store_idx %arg8[%parallel_loop3A_180], %parallel_loop3A_182 masked %parallel_loop3A_178 : memref<32768xi32, #tpu.memory_space<vmem>>[vector<16xi32>], vector<16xi32>, vector<16xi1>
        %parallel_loop3A_183 = arith.extui %parallel_loop3A_178 : vector<16xi1> to vector<16xi32>
        %parallel_loop3A_184 = arith.addi %parallel_loop3A_168, %parallel_loop3A_183 : vector<16xi32>
        %parallel_loop3A_185 = arith.constant 2 : i32
        %parallel_loop3A_186 = arith.addi %parallel_loop3A_151, %parallel_loop3A_185 : i32
        %parallel_loop3A_187 = vector.broadcast %parallel_loop3A_186 : i32 to vector<16xi32>
        %parallel_loop3A_188 = arith.addi %broadcast_in_dim3A_5, %parallel_loop3A_187 : vector<16xi32>
        %parallel_loop3A_189 = tpu.vector_load_idx %arg5[%iota3A, %parallel_loop3A_188] : memref<16x2048xf32, #tpu.memory_space<vmem>>[vector<16xi32>, vector<16xi32>], vector<16xf32>,
        %parallel_loop3A_190 = tpu.bitcast %parallel_loop3A_189 : vector<16xf32> -> vector<16xi32>
        %parallel_loop3A_191 = arith.constant 22 : i32
        %parallel_loop3A_192 = vector.broadcast %parallel_loop3A_191 : i32 to vector<16xi32>
        %parallel_loop3A_193 = arith.shrui %parallel_loop3A_190, %parallel_loop3A_192 : vector<16xi32>
        %parallel_loop3A_194 = arith.cmpi eq, %parallel_loop3A_193, %parallel_loop3A_33#2 : vector<16xi32>
        %parallel_loop3A_195 = arith.addi %mul3A_8, %parallel_loop3A_184 : vector<16xi32>
        tpu.vector_store_idx %arg7[%parallel_loop3A_195], %parallel_loop3A_190 masked %parallel_loop3A_194 : memref<32768xi32, #tpu.memory_space<vmem>>[vector<16xi32>], vector<16xi32>, vector<16xi1>
        %parallel_loop3A_196 = arith.addi %mul3A_8, %parallel_loop3A_184 : vector<16xi32>
        %parallel_loop3A_197 = vector.broadcast %parallel_loop3A_186 : i32 to vector<16xi32>
        %parallel_loop3A_198 = arith.addi %broadcast_in_dim3A_5, %parallel_loop3A_197 : vector<16xi32>
        tpu.vector_store_idx %arg8[%parallel_loop3A_196], %parallel_loop3A_198 masked %parallel_loop3A_194 : memref<32768xi32, #tpu.memory_space<vmem>>[vector<16xi32>], vector<16xi32>, vector<16xi1>
        %parallel_loop3A_199 = arith.extui %parallel_loop3A_194 : vector<16xi1> to vector<16xi32>
        %parallel_loop3A_200 = arith.addi %parallel_loop3A_184, %parallel_loop3A_199 : vector<16xi32>
        %parallel_loop3A_201 = arith.constant 3 : i32
        %parallel_loop3A_202 = arith.addi %parallel_loop3A_151, %parallel_loop3A_201 : i32
        %parallel_loop3A_203 = vector.broadcast %parallel_loop3A_202 : i32 to vector<16xi32>
        %parallel_loop3A_204 = arith.addi %broadcast_in_dim3A_5, %parallel_loop3A_203 : vector<16xi32>
        %parallel_loop3A_205 = tpu.vector_load_idx %arg5[%iota3A, %parallel_loop3A_204] : memref<16x2048xf32, #tpu.memory_space<vmem>>[vector<16xi32>, vector<16xi32>], vector<16xf32>,
        %parallel_loop3A_206 = tpu.bitcast %parallel_loop3A_205 : vector<16xf32> -> vector<16xi32>
        %parallel_loop3A_207 = arith.constant 22 : i32
        %parallel_loop3A_208 = vector.broadcast %parallel_loop3A_207 : i32 to vector<16xi32>
        %parallel_loop3A_209 = arith.shrui %parallel_loop3A_206, %parallel_loop3A_208 : vector<16xi32>
        %parallel_loop3A_210 = arith.cmpi eq, %parallel_loop3A_209, %parallel_loop3A_33#2 : vector<16xi32>
        %parallel_loop3A_211 = arith.addi %mul3A_8, %parallel_loop3A_200 : vector<16xi32>
        tpu.vector_store_idx %arg7[%parallel_loop3A_211], %parallel_loop3A_206 masked %parallel_loop3A_210 : memref<32768xi32, #tpu.memory_space<vmem>>[vector<16xi32>], vector<16xi32>, vector<16xi1>
        %parallel_loop3A_212 = arith.addi %mul3A_8, %parallel_loop3A_200 : vector<16xi32>
        %parallel_loop3A_213 = vector.broadcast %parallel_loop3A_202 : i32 to vector<16xi32>
        %parallel_loop3A_214 = arith.addi %broadcast_in_dim3A_5, %parallel_loop3A_213 : vector<16xi32>
        tpu.vector_store_idx %arg8[%parallel_loop3A_212], %parallel_loop3A_214 masked %parallel_loop3A_210 : memref<32768xi32, #tpu.memory_space<vmem>>[vector<16xi32>], vector<16xi32>, vector<16xi1>
        %parallel_loop3A_215 = arith.extui %parallel_loop3A_210 : vector<16xi1> to vector<16xi32>
        %parallel_loop3A_216 = arith.addi %parallel_loop3A_200, %parallel_loop3A_215 : vector<16xi32>
        %parallel_loop3A_217 = arith.constant 4 : i32
        %parallel_loop3A_218 = arith.addi %parallel_loop3A_151, %parallel_loop3A_217 : i32
        %parallel_loop3A_219 = vector.broadcast %parallel_loop3A_218 : i32 to vector<16xi32>
        %parallel_loop3A_220 = arith.addi %broadcast_in_dim3A_5, %parallel_loop3A_219 : vector<16xi32>
        %parallel_loop3A_221 = tpu.vector_load_idx %arg5[%iota3A, %parallel_loop3A_220] : memref<16x2048xf32, #tpu.memory_space<vmem>>[vector<16xi32>, vector<16xi32>], vector<16xf32>,
        %parallel_loop3A_222 = tpu.bitcast %parallel_loop3A_221 : vector<16xf32> -> vector<16xi32>
        %parallel_loop3A_223 = arith.constant 22 : i32
        %parallel_loop3A_224 = vector.broadcast %parallel_loop3A_223 : i32 to vector<16xi32>
        %parallel_loop3A_225 = arith.shrui %parallel_loop3A_222, %parallel_loop3A_224 : vector<16xi32>
        %parallel_loop3A_226 = arith.cmpi eq, %parallel_loop3A_225, %parallel_loop3A_33#2 : vector<16xi32>
        %parallel_loop3A_227 = arith.addi %mul3A_8, %parallel_loop3A_216 : vector<16xi32>
        tpu.vector_store_idx %arg7[%parallel_loop3A_227], %parallel_loop3A_222 masked %parallel_loop3A_226 : memref<32768xi32, #tpu.memory_space<vmem>>[vector<16xi32>], vector<16xi32>, vector<16xi1>
        %parallel_loop3A_228 = arith.addi %mul3A_8, %parallel_loop3A_216 : vector<16xi32>
        %parallel_loop3A_229 = vector.broadcast %parallel_loop3A_218 : i32 to vector<16xi32>
        %parallel_loop3A_230 = arith.addi %broadcast_in_dim3A_5, %parallel_loop3A_229 : vector<16xi32>
        tpu.vector_store_idx %arg8[%parallel_loop3A_228], %parallel_loop3A_230 masked %parallel_loop3A_226 : memref<32768xi32, #tpu.memory_space<vmem>>[vector<16xi32>], vector<16xi32>, vector<16xi1>
        %parallel_loop3A_231 = arith.extui %parallel_loop3A_226 : vector<16xi1> to vector<16xi32>
        %parallel_loop3A_232 = arith.addi %parallel_loop3A_216, %parallel_loop3A_231 : vector<16xi32>
        %parallel_loop3A_233 = arith.constant 5 : i32
        %parallel_loop3A_234 = arith.addi %parallel_loop3A_151, %parallel_loop3A_233 : i32
        %parallel_loop3A_235 = vector.broadcast %parallel_loop3A_234 : i32 to vector<16xi32>
        %parallel_loop3A_236 = arith.addi %broadcast_in_dim3A_5, %parallel_loop3A_235 : vector<16xi32>
        %parallel_loop3A_237 = tpu.vector_load_idx %arg5[%iota3A, %parallel_loop3A_236] : memref<16x2048xf32, #tpu.memory_space<vmem>>[vector<16xi32>, vector<16xi32>], vector<16xf32>,
        %parallel_loop3A_238 = tpu.bitcast %parallel_loop3A_237 : vector<16xf32> -> vector<16xi32>
        %parallel_loop3A_239 = arith.constant 22 : i32
        %parallel_loop3A_240 = vector.broadcast %parallel_loop3A_239 : i32 to vector<16xi32>
        %parallel_loop3A_241 = arith.shrui %parallel_loop3A_238, %parallel_loop3A_240 : vector<16xi32>
        %parallel_loop3A_242 = arith.cmpi eq, %parallel_loop3A_241, %parallel_loop3A_33#2 : vector<16xi32>
        %parallel_loop3A_243 = arith.addi %mul3A_8, %parallel_loop3A_232 : vector<16xi32>
        tpu.vector_store_idx %arg7[%parallel_loop3A_243], %parallel_loop3A_238 masked %parallel_loop3A_242 : memref<32768xi32, #tpu.memory_space<vmem>>[vector<16xi32>], vector<16xi32>, vector<16xi1>
        %parallel_loop3A_244 = arith.addi %mul3A_8, %parallel_loop3A_232 : vector<16xi32>
        %parallel_loop3A_245 = vector.broadcast %parallel_loop3A_234 : i32 to vector<16xi32>
        %parallel_loop3A_246 = arith.addi %broadcast_in_dim3A_5, %parallel_loop3A_245 : vector<16xi32>
        tpu.vector_store_idx %arg8[%parallel_loop3A_244], %parallel_loop3A_246 masked %parallel_loop3A_242 : memref<32768xi32, #tpu.memory_space<vmem>>[vector<16xi32>], vector<16xi32>, vector<16xi1>
        %parallel_loop3A_247 = arith.extui %parallel_loop3A_242 : vector<16xi1> to vector<16xi32>
        %parallel_loop3A_248 = arith.addi %parallel_loop3A_232, %parallel_loop3A_247 : vector<16xi32>
        %parallel_loop3A_249 = arith.constant 6 : i32
        %parallel_loop3A_250 = arith.addi %parallel_loop3A_151, %parallel_loop3A_249 : i32
        %parallel_loop3A_251 = vector.broadcast %parallel_loop3A_250 : i32 to vector<16xi32>
        %parallel_loop3A_252 = arith.addi %broadcast_in_dim3A_5, %parallel_loop3A_251 : vector<16xi32>
        %parallel_loop3A_253 = tpu.vector_load_idx %arg5[%iota3A, %parallel_loop3A_252] : memref<16x2048xf32, #tpu.memory_space<vmem>>[vector<16xi32>, vector<16xi32>], vector<16xf32>,
        %parallel_loop3A_254 = tpu.bitcast %parallel_loop3A_253 : vector<16xf32> -> vector<16xi32>
        %parallel_loop3A_255 = arith.constant 22 : i32
        %parallel_loop3A_256 = vector.broadcast %parallel_loop3A_255 : i32 to vector<16xi32>
        %parallel_loop3A_257 = arith.shrui %parallel_loop3A_254, %parallel_loop3A_256 : vector<16xi32>
        %parallel_loop3A_258 = arith.cmpi eq, %parallel_loop3A_257, %parallel_loop3A_33#2 : vector<16xi32>
        %parallel_loop3A_259 = arith.addi %mul3A_8, %parallel_loop3A_248 : vector<16xi32>
        tpu.vector_store_idx %arg7[%parallel_loop3A_259], %parallel_loop3A_254 masked %parallel_loop3A_258 : memref<32768xi32, #tpu.memory_space<vmem>>[vector<16xi32>], vector<16xi32>, vector<16xi1>
        %parallel_loop3A_260 = arith.addi %mul3A_8, %parallel_loop3A_248 : vector<16xi32>
        %parallel_loop3A_261 = vector.broadcast %parallel_loop3A_250 : i32 to vector<16xi32>
        %parallel_loop3A_262 = arith.addi %broadcast_in_dim3A_5, %parallel_loop3A_261 : vector<16xi32>
        tpu.vector_store_idx %arg8[%parallel_loop3A_260], %parallel_loop3A_262 masked %parallel_loop3A_258 : memref<32768xi32, #tpu.memory_space<vmem>>[vector<16xi32>], vector<16xi32>, vector<16xi1>
        %parallel_loop3A_263 = arith.extui %parallel_loop3A_258 : vector<16xi1> to vector<16xi32>
        %parallel_loop3A_264 = arith.addi %parallel_loop3A_248, %parallel_loop3A_263 : vector<16xi32>
        %parallel_loop3A_265 = arith.constant 7 : i32
        %parallel_loop3A_266 = arith.addi %parallel_loop3A_151, %parallel_loop3A_265 : i32
        %parallel_loop3A_267 = vector.broadcast %parallel_loop3A_266 : i32 to vector<16xi32>
        %parallel_loop3A_268 = arith.addi %broadcast_in_dim3A_5, %parallel_loop3A_267 : vector<16xi32>
        %parallel_loop3A_269 = tpu.vector_load_idx %arg5[%iota3A, %parallel_loop3A_268] : memref<16x2048xf32, #tpu.memory_space<vmem>>[vector<16xi32>, vector<16xi32>], vector<16xf32>,
        %parallel_loop3A_270 = tpu.bitcast %parallel_loop3A_269 : vector<16xf32> -> vector<16xi32>
        %parallel_loop3A_271 = arith.constant 22 : i32
        %parallel_loop3A_272 = vector.broadcast %parallel_loop3A_271 : i32 to vector<16xi32>
        %parallel_loop3A_273 = arith.shrui %parallel_loop3A_270, %parallel_loop3A_272 : vector<16xi32>
        %parallel_loop3A_274 = arith.cmpi eq, %parallel_loop3A_273, %parallel_loop3A_33#2 : vector<16xi32>
        %parallel_loop3A_275 = arith.addi %mul3A_8, %parallel_loop3A_264 : vector<16xi32>
        tpu.vector_store_idx %arg7[%parallel_loop3A_275], %parallel_loop3A_270 masked %parallel_loop3A_274 : memref<32768xi32, #tpu.memory_space<vmem>>[vector<16xi32>], vector<16xi32>, vector<16xi1>
        %parallel_loop3A_276 = arith.addi %mul3A_8, %parallel_loop3A_264 : vector<16xi32>
        %parallel_loop3A_277 = vector.broadcast %parallel_loop3A_266 : i32 to vector<16xi32>
        %parallel_loop3A_278 = arith.addi %broadcast_in_dim3A_5, %parallel_loop3A_277 : vector<16xi32>
        tpu.vector_store_idx %arg8[%parallel_loop3A_276], %parallel_loop3A_278 masked %parallel_loop3A_274 : memref<32768xi32, #tpu.memory_space<vmem>>[vector<16xi32>], vector<16xi32>, vector<16xi1>
        %parallel_loop3A_279 = arith.extui %parallel_loop3A_274 : vector<16xi1> to vector<16xi32>
        %parallel_loop3A_280 = arith.addi %parallel_loop3A_264, %parallel_loop3A_279 : vector<16xi32>
        scf.yield %parallel_loop3A_280 : vector<16xi32>
      } {sc.loop_unroll_factor = 1 : i64, sc.parallel_access}
      %reduce_max3A = arith.constant true
      %reduce_max3A_43 = vector.broadcast %reduce_max3A : i1 to vector<16xi1>
      %reduce_max3A_44 = arith.constant -2147483648 : i32
      %reduce_max3A_45 = vector.broadcast %reduce_max3A_44 : i32 to vector<16xi32>
      %reduce_max3A_46 = arith.xori %parallel_loop3A_42, %reduce_max3A_45 : vector<16xi32>
      %reduce_max3A_47 = tpu.scan <max>, %reduce_max3A_46 masked %reduce_max3A_43 : vector<16xi32>, vector<16xi1> -> vector<16xi32>
      %reduce_max3A_48 = arith.xori %reduce_max3A_47, %reduce_max3A_45 : vector<16xi32>
      %reduce_max3A_49 = vector.extract %reduce_max3A_48[15] : i32 from vector<16xi32>
      %and3A = arith.constant -4194304 : i32
      %and3A_50 = vector.broadcast %and3A : i32 to vector<16xi32>
      %and3A_51 = arith.andi %shift_left3A_35, %and3A_50 : vector<16xi32>
      %parallel_loop3A_52 = arith.constant 0 : i32
      %parallel_loop3A_53 = arith.constant 256 : i32
      %parallel_loop3A_54 = arith.constant 8 : i32
      scf.for %parallel_loop3A_151 = %parallel_loop3A_52 to %parallel_loop3A_53 step %parallel_loop3A_54  : i32 {
        %parallel_loop3A_152 = arith.constant 0 : i32
        %parallel_loop3A_153 = arith.addi %parallel_loop3A_151, %parallel_loop3A_152 : i32
        %parallel_loop3A_154 = arith.constant 16 : i32
        %parallel_loop3A_155 = arith.muli %parallel_loop3A_153, %parallel_loop3A_154 : i32
        %parallel_loop3A_156 = arith.index_cast %parallel_loop3A_155 : i32 to index
        %parallel_loop3A_157 = tpu.vector_load %arg6[%parallel_loop3A_156] {strides = array<i32>} : memref<16384xi32, #tpu.memory_space<vmem>>, vector<16xi32>,
        tpu.vector_store %arg6[%parallel_loop3A_156], %broadcast_in_dim3A_5 {strides = array<i32>} : memref<16384xi32, #tpu.memory_space<vmem>>, vector<16xi32>,
        %parallel_loop3A_158 = arith.constant 1 : i32
        %parallel_loop3A_159 = arith.addi %parallel_loop3A_151, %parallel_loop3A_158 : i32
        %parallel_loop3A_160 = arith.constant 16 : i32
        %parallel_loop3A_161 = arith.muli %parallel_loop3A_159, %parallel_loop3A_160 : i32
        %parallel_loop3A_162 = arith.index_cast %parallel_loop3A_161 : i32 to index
        %parallel_loop3A_163 = tpu.vector_load %arg6[%parallel_loop3A_162] {strides = array<i32>} : memref<16384xi32, #tpu.memory_space<vmem>>, vector<16xi32>,
        tpu.vector_store %arg6[%parallel_loop3A_162], %broadcast_in_dim3A_5 {strides = array<i32>} : memref<16384xi32, #tpu.memory_space<vmem>>, vector<16xi32>,
        %parallel_loop3A_164 = arith.constant 2 : i32
        %parallel_loop3A_165 = arith.addi %parallel_loop3A_151, %parallel_loop3A_164 : i32
        %parallel_loop3A_166 = arith.constant 16 : i32
        %parallel_loop3A_167 = arith.muli %parallel_loop3A_165, %parallel_loop3A_166 : i32
        %parallel_loop3A_168 = arith.index_cast %parallel_loop3A_167 : i32 to index
        %parallel_loop3A_169 = tpu.vector_load %arg6[%parallel_loop3A_168] {strides = array<i32>} : memref<16384xi32, #tpu.memory_space<vmem>>, vector<16xi32>,
        tpu.vector_store %arg6[%parallel_loop3A_168], %broadcast_in_dim3A_5 {strides = array<i32>} : memref<16384xi32, #tpu.memory_space<vmem>>, vector<16xi32>,
        %parallel_loop3A_170 = arith.constant 3 : i32
        %parallel_loop3A_171 = arith.addi %parallel_loop3A_151, %parallel_loop3A_170 : i32
        %parallel_loop3A_172 = arith.constant 16 : i32
        %parallel_loop3A_173 = arith.muli %parallel_loop3A_171, %parallel_loop3A_172 : i32
        %parallel_loop3A_174 = arith.index_cast %parallel_loop3A_173 : i32 to index
        %parallel_loop3A_175 = tpu.vector_load %arg6[%parallel_loop3A_174] {strides = array<i32>} : memref<16384xi32, #tpu.memory_space<vmem>>, vector<16xi32>,
        tpu.vector_store %arg6[%parallel_loop3A_174], %broadcast_in_dim3A_5 {strides = array<i32>} : memref<16384xi32, #tpu.memory_space<vmem>>, vector<16xi32>,
        %parallel_loop3A_176 = arith.constant 4 : i32
        %parallel_loop3A_177 = arith.addi %parallel_loop3A_151, %parallel_loop3A_176 : i32
        %parallel_loop3A_178 = arith.constant 16 : i32
        %parallel_loop3A_179 = arith.muli %parallel_loop3A_177, %parallel_loop3A_178 : i32
        %parallel_loop3A_180 = arith.index_cast %parallel_loop3A_179 : i32 to index
        %parallel_loop3A_181 = tpu.vector_load %arg6[%parallel_loop3A_180] {strides = array<i32>} : memref<16384xi32, #tpu.memory_space<vmem>>, vector<16xi32>,
        tpu.vector_store %arg6[%parallel_loop3A_180], %broadcast_in_dim3A_5 {strides = array<i32>} : memref<16384xi32, #tpu.memory_space<vmem>>, vector<16xi32>,
        %parallel_loop3A_182 = arith.constant 5 : i32
        %parallel_loop3A_183 = arith.addi %parallel_loop3A_151, %parallel_loop3A_182 : i32
        %parallel_loop3A_184 = arith.constant 16 : i32
        %parallel_loop3A_185 = arith.muli %parallel_loop3A_183, %parallel_loop3A_184 : i32
        %parallel_loop3A_186 = arith.index_cast %parallel_loop3A_185 : i32 to index
        %parallel_loop3A_187 = tpu.vector_load %arg6[%parallel_loop3A_186] {strides = array<i32>} : memref<16384xi32, #tpu.memory_space<vmem>>, vector<16xi32>,
        tpu.vector_store %arg6[%parallel_loop3A_186], %broadcast_in_dim3A_5 {strides = array<i32>} : memref<16384xi32, #tpu.memory_space<vmem>>, vector<16xi32>,
        %parallel_loop3A_188 = arith.constant 6 : i32
        %parallel_loop3A_189 = arith.addi %parallel_loop3A_151, %parallel_loop3A_188 : i32
        %parallel_loop3A_190 = arith.constant 16 : i32
        %parallel_loop3A_191 = arith.muli %parallel_loop3A_189, %parallel_loop3A_190 : i32
        %parallel_loop3A_192 = arith.index_cast %parallel_loop3A_191 : i32 to index
        %parallel_loop3A_193 = tpu.vector_load %arg6[%parallel_loop3A_192] {strides = array<i32>} : memref<16384xi32, #tpu.memory_space<vmem>>, vector<16xi32>,
        tpu.vector_store %arg6[%parallel_loop3A_192], %broadcast_in_dim3A_5 {strides = array<i32>} : memref<16384xi32, #tpu.memory_space<vmem>>, vector<16xi32>,
        %parallel_loop3A_194 = arith.constant 7 : i32
        %parallel_loop3A_195 = arith.addi %parallel_loop3A_151, %parallel_loop3A_194 : i32
        %parallel_loop3A_196 = arith.constant 16 : i32
        %parallel_loop3A_197 = arith.muli %parallel_loop3A_195, %parallel_loop3A_196 : i32
        %parallel_loop3A_198 = arith.index_cast %parallel_loop3A_197 : i32 to index
        %parallel_loop3A_199 = tpu.vector_load %arg6[%parallel_loop3A_198] {strides = array<i32>} : memref<16384xi32, #tpu.memory_space<vmem>>, vector<16xi32>,
        tpu.vector_store %arg6[%parallel_loop3A_198], %broadcast_in_dim3A_5 {strides = array<i32>} : memref<16384xi32, #tpu.memory_space<vmem>>, vector<16xi32>,
      } {sc.loop_unroll_factor = 1 : i64, sc.parallel_access}
      %while3A = arith.constant -4194304 : i32
      %while3A_55 = arith.constant 0 : i32
      %while3A_56 = arith.constant 0 : i32
      %while3A_57 = arith.subi %reduce_max3A_49, %while3A_55 : i32
      %while3A_58 = arith.addi %while3A_55, %while3A_57 : i32
      %while3A_59 = arith.constant 1 : i32
      %while3A_60 = arith.divsi %while3A_57, %while3A_59 : i32
      %while3A_61 = arith.muli %while3A_60, %while3A_59 : i32
      %while3A_62 = arith.addi %while3A_55, %while3A_61 : i32
      %while3A_63 = arith.constant 1 : i32
      %while3A_64 = scf.for %while3A_151 = %while3A_55 to %while3A_62 step %while3A_63 iter_args(%while3A_152 = %while3A_56) -> (i32)  : i32 {
        %add3A_153 = vector.broadcast %while3A_151 : i32 to vector<16xi32>
        %add3A_154 = arith.addi %mul3A_8, %add3A_153 : vector<16xi32>
        %gather3A = tpu.vector_load_idx %arg7[%add3A_154] : memref<32768xi32, #tpu.memory_space<vmem>>[vector<16xi32>], vector<16xi32>,
        %and3A_155 = vector.broadcast %while3A : i32 to vector<16xi32>
        %and3A_156 = arith.andi %gather3A, %and3A_155 : vector<16xi32>
        %eq3A = arith.cmpi eq, %and3A_156, %and3A_51 : vector<16xi32>
        %lt3A = vector.broadcast %while3A_151 : i32 to vector<16xi32>
        %lt3A_157 = arith.cmpi slt, %lt3A, %parallel_loop3A_42 : vector<16xi32>
        %and3A_158 = arith.andi %eq3A, %lt3A_157 : vector<16xi1>
        %shift_right_arithmetic3A = arith.constant 14 : i32
        %shift_right_arithmetic3A_159 = vector.broadcast %shift_right_arithmetic3A : i32 to vector<16xi32>
        %shift_right_arithmetic3A_160 = arith.shrsi %gather3A, %shift_right_arithmetic3A_159 : vector<16xi32>
        %and3A_161 = arith.constant 255 : i32
        %and3A_162 = vector.broadcast %and3A_161 : i32 to vector<16xi32>
        %and3A_163 = arith.andi %shift_right_arithmetic3A_160, %and3A_162 : vector<16xi32>
        %mul3A_164 = arith.constant 16 : i32
        %mul3A_165 = vector.broadcast %mul3A_164 : i32 to vector<16xi32>
        %mul3A_166 = arith.muli %and3A_163, %mul3A_165 : vector<16xi32>
        %add3A_167 = arith.addi %mul3A_166, %iota3A : vector<16xi32>
        tpu.vector_store_idx %arg6[%add3A_167], %broadcast_in_dim3A_3 masked %and3A_158 {add = true} : memref<16384xi32, #tpu.memory_space<vmem>>[vector<16xi32>], vector<16xi32>, vector<16xi1>
        %while3A_168 = arith.constant 0 : i32
        scf.yield %while3A_168 : i32
      }
      %while3A_65 = arith.constant 1 : i32
      %while3A_66 = scf.for %while3A_151 = %while3A_62 to %while3A_58 step %while3A_65 iter_args(%while3A_152 = %while3A_64) -> (i32)  : i32 {
        %add3A_153 = vector.broadcast %while3A_151 : i32 to vector<16xi32>
        %add3A_154 = arith.addi %mul3A_8, %add3A_153 : vector<16xi32>
        %gather3A = tpu.vector_load_idx %arg7[%add3A_154] : memref<32768xi32, #tpu.memory_space<vmem>>[vector<16xi32>], vector<16xi32>,
        %and3A_155 = vector.broadcast %while3A : i32 to vector<16xi32>
        %and3A_156 = arith.andi %gather3A, %and3A_155 : vector<16xi32>
        %eq3A = arith.cmpi eq, %and3A_156, %and3A_51 : vector<16xi32>
        %lt3A = vector.broadcast %while3A_151 : i32 to vector<16xi32>
        %lt3A_157 = arith.cmpi slt, %lt3A, %parallel_loop3A_42 : vector<16xi32>
        %and3A_158 = arith.andi %eq3A, %lt3A_157 : vector<16xi1>
        %shift_right_arithmetic3A = arith.constant 14 : i32
        %shift_right_arithmetic3A_159 = vector.broadcast %shift_right_arithmetic3A : i32 to vector<16xi32>
        %shift_right_arithmetic3A_160 = arith.shrsi %gather3A, %shift_right_arithmetic3A_159 : vector<16xi32>
        %and3A_161 = arith.constant 255 : i32
        %and3A_162 = vector.broadcast %and3A_161 : i32 to vector<16xi32>
        %and3A_163 = arith.andi %shift_right_arithmetic3A_160, %and3A_162 : vector<16xi32>
        %mul3A_164 = arith.constant 16 : i32
        %mul3A_165 = vector.broadcast %mul3A_164 : i32 to vector<16xi32>
        %mul3A_166 = arith.muli %and3A_163, %mul3A_165 : vector<16xi32>
        %add3A_167 = arith.addi %mul3A_166, %iota3A : vector<16xi32>
        tpu.vector_store_idx %arg6[%add3A_167], %broadcast_in_dim3A_3 masked %and3A_158 {add = true} : memref<16384xi32, #tpu.memory_space<vmem>>[vector<16xi32>], vector<16xi32>, vector<16xi1>
        %while3A_168 = arith.constant 0 : i32
        scf.yield %while3A_168 : i32
      }
      %gt3A_67 = arith.constant 0 : i32
      %gt3A_68 = vector.broadcast %gt3A_67 : i32 to vector<16xi32>
      %gt3A_69 = arith.cmpi sgt, %broadcast_in_dim3A_5, %gt3A_68 : vector<16xi32>
      %parallel_loop3A_70 = arith.constant 0 : i32
      %parallel_loop3A_71 = arith.constant 256 : i32
      %parallel_loop3A_72 = arith.constant 1 : i32
      %parallel_loop3A_73:4 = scf.for %parallel_loop3A_151 = %parallel_loop3A_70 to %parallel_loop3A_71 step %parallel_loop3A_72 iter_args(%parallel_loop3A_152 = %broadcast_in_dim3A_5, %parallel_loop3A_153 = %gt3A_69, %parallel_loop3A_154 = %broadcast_in_dim3A_5, %parallel_loop3A_155 = %broadcast_in_dim3A_5) -> (vector<16xi32>, vector<16xi1>, vector<16xi32>, vector<16xi32>)  : i32 {
        %parallel_loop3A_156 = arith.constant 16 : i32
        %parallel_loop3A_157 = arith.muli %parallel_loop3A_151, %parallel_loop3A_156 : i32
        %parallel_loop3A_158 = arith.index_cast %parallel_loop3A_157 : i32 to index
        %parallel_loop3A_159 = tpu.vector_load %arg6[%parallel_loop3A_158] {strides = array<i32>} : memref<16384xi32, #tpu.memory_space<vmem>>, vector<16xi32>,
        %parallel_loop3A_160 = arith.addi %parallel_loop3A_152, %parallel_loop3A_159 : vector<16xi32>
        %parallel_loop3A_161 = arith.constant dense<true> : vector<16xi1>
        %parallel_loop3A_162 = arith.xori %parallel_loop3A_153, %parallel_loop3A_161 : vector<16xi1>
        %parallel_loop3A_163 = arith.cmpi sge, %parallel_loop3A_160, %sub3A : vector<16xi32>
        %parallel_loop3A_164 = arith.andi %parallel_loop3A_162, %parallel_loop3A_163 : vector<16xi1>
        %parallel_loop3A_165 = vector.broadcast %parallel_loop3A_151 : i32 to vector<16xi32>
        %parallel_loop3A_166 = arith.addi %broadcast_in_dim3A_5, %parallel_loop3A_165 : vector<16xi32>
        %parallel_loop3A_167 = arith.select %parallel_loop3A_164, %parallel_loop3A_166, %parallel_loop3A_154 : vector<16xi1>, vector<16xi32>
        %parallel_loop3A_168 = arith.select %parallel_loop3A_164, %parallel_loop3A_152, %parallel_loop3A_155 : vector<16xi1>, vector<16xi32>
        %parallel_loop3A_169 = arith.ori %parallel_loop3A_153, %parallel_loop3A_164 : vector<16xi1>
        scf.yield %parallel_loop3A_160, %parallel_loop3A_169, %parallel_loop3A_167, %parallel_loop3A_168 : vector<16xi32>, vector<16xi1>, vector<16xi32>, vector<16xi32>
      } {sc.loop_unroll_factor = 4 : i64, sc.parallel_access}
      %shift_left3A_74 = arith.constant 14 : i32
      %shift_left3A_75 = vector.broadcast %shift_left3A_74 : i32 to vector<16xi32>
      %shift_left3A_76 = arith.shli %parallel_loop3A_73#2, %shift_left3A_75 : vector<16xi32>
      %or3A = arith.ori %shift_left3A_35, %shift_left3A_76 : vector<16xi32>
      %sub3A_77 = arith.subi %sub3A, %parallel_loop3A_73#3 : vector<16xi32>
      %and3A_78 = arith.constant -16384 : i32
      %and3A_79 = vector.broadcast %and3A_78 : i32 to vector<16xi32>
      %and3A_80 = arith.andi %or3A, %and3A_79 : vector<16xi32>
      %parallel_loop3A_81 = arith.constant 0 : i32
      %parallel_loop3A_82 = arith.constant 256 : i32
      %parallel_loop3A_83 = arith.constant 8 : i32
      scf.for %parallel_loop3A_151 = %parallel_loop3A_81 to %parallel_loop3A_82 step %parallel_loop3A_83  : i32 {
        %parallel_loop3A_152 = arith.constant 0 : i32
        %parallel_loop3A_153 = arith.addi %parallel_loop3A_151, %parallel_loop3A_152 : i32
        %parallel_loop3A_154 = arith.constant 16 : i32
        %parallel_loop3A_155 = arith.muli %parallel_loop3A_153, %parallel_loop3A_154 : i32
        %parallel_loop3A_156 = arith.index_cast %parallel_loop3A_155 : i32 to index
        %parallel_loop3A_157 = tpu.vector_load %arg6[%parallel_loop3A_156] {strides = array<i32>} : memref<16384xi32, #tpu.memory_space<vmem>>, vector<16xi32>,
        tpu.vector_store %arg6[%parallel_loop3A_156], %broadcast_in_dim3A_5 {strides = array<i32>} : memref<16384xi32, #tpu.memory_space<vmem>>, vector<16xi32>,
        %parallel_loop3A_158 = arith.constant 1 : i32
        %parallel_loop3A_159 = arith.addi %parallel_loop3A_151, %parallel_loop3A_158 : i32
        %parallel_loop3A_160 = arith.constant 16 : i32
        %parallel_loop3A_161 = arith.muli %parallel_loop3A_159, %parallel_loop3A_160 : i32
        %parallel_loop3A_162 = arith.index_cast %parallel_loop3A_161 : i32 to index
        %parallel_loop3A_163 = tpu.vector_load %arg6[%parallel_loop3A_162] {strides = array<i32>} : memref<16384xi32, #tpu.memory_space<vmem>>, vector<16xi32>,
        tpu.vector_store %arg6[%parallel_loop3A_162], %broadcast_in_dim3A_5 {strides = array<i32>} : memref<16384xi32, #tpu.memory_space<vmem>>, vector<16xi32>,
        %parallel_loop3A_164 = arith.constant 2 : i32
        %parallel_loop3A_165 = arith.addi %parallel_loop3A_151, %parallel_loop3A_164 : i32
        %parallel_loop3A_166 = arith.constant 16 : i32
        %parallel_loop3A_167 = arith.muli %parallel_loop3A_165, %parallel_loop3A_166 : i32
        %parallel_loop3A_168 = arith.index_cast %parallel_loop3A_167 : i32 to index
        %parallel_loop3A_169 = tpu.vector_load %arg6[%parallel_loop3A_168] {strides = array<i32>} : memref<16384xi32, #tpu.memory_space<vmem>>, vector<16xi32>,
        tpu.vector_store %arg6[%parallel_loop3A_168], %broadcast_in_dim3A_5 {strides = array<i32>} : memref<16384xi32, #tpu.memory_space<vmem>>, vector<16xi32>,
        %parallel_loop3A_170 = arith.constant 3 : i32
        %parallel_loop3A_171 = arith.addi %parallel_loop3A_151, %parallel_loop3A_170 : i32
        %parallel_loop3A_172 = arith.constant 16 : i32
        %parallel_loop3A_173 = arith.muli %parallel_loop3A_171, %parallel_loop3A_172 : i32
        %parallel_loop3A_174 = arith.index_cast %parallel_loop3A_173 : i32 to index
        %parallel_loop3A_175 = tpu.vector_load %arg6[%parallel_loop3A_174] {strides = array<i32>} : memref<16384xi32, #tpu.memory_space<vmem>>, vector<16xi32>,
        tpu.vector_store %arg6[%parallel_loop3A_174], %broadcast_in_dim3A_5 {strides = array<i32>} : memref<16384xi32, #tpu.memory_space<vmem>>, vector<16xi32>,
        %parallel_loop3A_176 = arith.constant 4 : i32
        %parallel_loop3A_177 = arith.addi %parallel_loop3A_151, %parallel_loop3A_176 : i32
        %parallel_loop3A_178 = arith.constant 16 : i32
        %parallel_loop3A_179 = arith.muli %parallel_loop3A_177, %parallel_loop3A_178 : i32
        %parallel_loop3A_180 = arith.index_cast %parallel_loop3A_179 : i32 to index
        %parallel_loop3A_181 = tpu.vector_load %arg6[%parallel_loop3A_180] {strides = array<i32>} : memref<16384xi32, #tpu.memory_space<vmem>>, vector<16xi32>,
        tpu.vector_store %arg6[%parallel_loop3A_180], %broadcast_in_dim3A_5 {strides = array<i32>} : memref<16384xi32, #tpu.memory_space<vmem>>, vector<16xi32>,
        %parallel_loop3A_182 = arith.constant 5 : i32
        %parallel_loop3A_183 = arith.addi %parallel_loop3A_151, %parallel_loop3A_182 : i32
        %parallel_loop3A_184 = arith.constant 16 : i32
        %parallel_loop3A_185 = arith.muli %parallel_loop3A_183, %parallel_loop3A_184 : i32
        %parallel_loop3A_186 = arith.index_cast %parallel_loop3A_185 : i32 to index
        %parallel_loop3A_187 = tpu.vector_load %arg6[%parallel_loop3A_186] {strides = array<i32>} : memref<16384xi32, #tpu.memory_space<vmem>>, vector<16xi32>,
        tpu.vector_store %arg6[%parallel_loop3A_186], %broadcast_in_dim3A_5 {strides = array<i32>} : memref<16384xi32, #tpu.memory_space<vmem>>, vector<16xi32>,
        %parallel_loop3A_188 = arith.constant 6 : i32
        %parallel_loop3A_189 = arith.addi %parallel_loop3A_151, %parallel_loop3A_188 : i32
        %parallel_loop3A_190 = arith.constant 16 : i32
        %parallel_loop3A_191 = arith.muli %parallel_loop3A_189, %parallel_loop3A_190 : i32
        %parallel_loop3A_192 = arith.index_cast %parallel_loop3A_191 : i32 to index
        %parallel_loop3A_193 = tpu.vector_load %arg6[%parallel_loop3A_192] {strides = array<i32>} : memref<16384xi32, #tpu.memory_space<vmem>>, vector<16xi32>,
        tpu.vector_store %arg6[%parallel_loop3A_192], %broadcast_in_dim3A_5 {strides = array<i32>} : memref<16384xi32, #tpu.memory_space<vmem>>, vector<16xi32>,
        %parallel_loop3A_194 = arith.constant 7 : i32
        %parallel_loop3A_195 = arith.addi %parallel_loop3A_151, %parallel_loop3A_194 : i32
        %parallel_loop3A_196 = arith.constant 16 : i32
        %parallel_loop3A_197 = arith.muli %parallel_loop3A_195, %parallel_loop3A_196 : i32
        %parallel_loop3A_198 = arith.index_cast %parallel_loop3A_197 : i32 to index
        %parallel_loop3A_199 = tpu.vector_load %arg6[%parallel_loop3A_198] {strides = array<i32>} : memref<16384xi32, #tpu.memory_space<vmem>>, vector<16xi32>,
        tpu.vector_store %arg6[%parallel_loop3A_198], %broadcast_in_dim3A_5 {strides = array<i32>} : memref<16384xi32, #tpu.memory_space<vmem>>, vector<16xi32>,
      } {sc.loop_unroll_factor = 1 : i64, sc.parallel_access}
      %while3A_84 = arith.constant -16384 : i32
      %while3A_85 = arith.constant 0 : i32
      %while3A_86 = arith.constant 0 : i32
      %while3A_87 = arith.subi %reduce_max3A_49, %while3A_85 : i32
      %while3A_88 = arith.addi %while3A_85, %while3A_87 : i32
      %while3A_89 = arith.constant 1 : i32
      %while3A_90 = arith.divsi %while3A_87, %while3A_89 : i32
      %while3A_91 = arith.muli %while3A_90, %while3A_89 : i32
      %while3A_92 = arith.addi %while3A_85, %while3A_91 : i32
      %while3A_93 = arith.constant 1 : i32
      %while3A_94 = scf.for %while3A_151 = %while3A_85 to %while3A_92 step %while3A_93 iter_args(%while3A_152 = %while3A_86) -> (i32)  : i32 {
        %add3A_153 = vector.broadcast %while3A_151 : i32 to vector<16xi32>
        %add3A_154 = arith.addi %mul3A_8, %add3A_153 : vector<16xi32>
        %gather3A = tpu.vector_load_idx %arg7[%add3A_154] : memref<32768xi32, #tpu.memory_space<vmem>>[vector<16xi32>], vector<16xi32>,
        %and3A_155 = vector.broadcast %while3A_84 : i32 to vector<16xi32>
        %and3A_156 = arith.andi %gather3A, %and3A_155 : vector<16xi32>
        %eq3A = arith.cmpi eq, %and3A_156, %and3A_80 : vector<16xi32>
        %lt3A = vector.broadcast %while3A_151 : i32 to vector<16xi32>
        %lt3A_157 = arith.cmpi slt, %lt3A, %parallel_loop3A_42 : vector<16xi32>
        %and3A_158 = arith.andi %eq3A, %lt3A_157 : vector<16xi1>
        %shift_right_arithmetic3A = arith.constant 6 : i32
        %shift_right_arithmetic3A_159 = vector.broadcast %shift_right_arithmetic3A : i32 to vector<16xi32>
        %shift_right_arithmetic3A_160 = arith.shrsi %gather3A, %shift_right_arithmetic3A_159 : vector<16xi32>
        %and3A_161 = arith.constant 255 : i32
        %and3A_162 = vector.broadcast %and3A_161 : i32 to vector<16xi32>
        %and3A_163 = arith.andi %shift_right_arithmetic3A_160, %and3A_162 : vector<16xi32>
        %mul3A_164 = arith.constant 16 : i32
        %mul3A_165 = vector.broadcast %mul3A_164 : i32 to vector<16xi32>
        %mul3A_166 = arith.muli %and3A_163, %mul3A_165 : vector<16xi32>
        %add3A_167 = arith.addi %mul3A_166, %iota3A : vector<16xi32>
        tpu.vector_store_idx %arg6[%add3A_167], %broadcast_in_dim3A_3 masked %and3A_158 {add = true} : memref<16384xi32, #tpu.memory_space<vmem>>[vector<16xi32>], vector<16xi32>, vector<16xi1>
        %while3A_168 = arith.constant 0 : i32
        scf.yield %while3A_168 : i32
      }
      %while3A_95 = arith.constant 1 : i32
      %while3A_96 = scf.for %while3A_151 = %while3A_92 to %while3A_88 step %while3A_95 iter_args(%while3A_152 = %while3A_94) -> (i32)  : i32 {
        %add3A_153 = vector.broadcast %while3A_151 : i32 to vector<16xi32>
        %add3A_154 = arith.addi %mul3A_8, %add3A_153 : vector<16xi32>
        %gather3A = tpu.vector_load_idx %arg7[%add3A_154] : memref<32768xi32, #tpu.memory_space<vmem>>[vector<16xi32>], vector<16xi32>,
        %and3A_155 = vector.broadcast %while3A_84 : i32 to vector<16xi32>
        %and3A_156 = arith.andi %gather3A, %and3A_155 : vector<16xi32>
        %eq3A = arith.cmpi eq, %and3A_156, %and3A_80 : vector<16xi32>
        %lt3A = vector.broadcast %while3A_151 : i32 to vector<16xi32>
        %lt3A_157 = arith.cmpi slt, %lt3A, %parallel_loop3A_42 : vector<16xi32>
        %and3A_158 = arith.andi %eq3A, %lt3A_157 : vector<16xi1>
        %shift_right_arithmetic3A = arith.constant 6 : i32
        %shift_right_arithmetic3A_159 = vector.broadcast %shift_right_arithmetic3A : i32 to vector<16xi32>
        %shift_right_arithmetic3A_160 = arith.shrsi %gather3A, %shift_right_arithmetic3A_159 : vector<16xi32>
        %and3A_161 = arith.constant 255 : i32
        %and3A_162 = vector.broadcast %and3A_161 : i32 to vector<16xi32>
        %and3A_163 = arith.andi %shift_right_arithmetic3A_160, %and3A_162 : vector<16xi32>
        %mul3A_164 = arith.constant 16 : i32
        %mul3A_165 = vector.broadcast %mul3A_164 : i32 to vector<16xi32>
        %mul3A_166 = arith.muli %and3A_163, %mul3A_165 : vector<16xi32>
        %add3A_167 = arith.addi %mul3A_166, %iota3A : vector<16xi32>
        tpu.vector_store_idx %arg6[%add3A_167], %broadcast_in_dim3A_3 masked %and3A_158 {add = true} : memref<16384xi32, #tpu.memory_space<vmem>>[vector<16xi32>], vector<16xi32>, vector<16xi1>
        %while3A_168 = arith.constant 0 : i32
        scf.yield %while3A_168 : i32
      }
      %gt3A_97 = arith.constant 0 : i32
      %gt3A_98 = vector.broadcast %gt3A_97 : i32 to vector<16xi32>
      %gt3A_99 = arith.cmpi sgt, %broadcast_in_dim3A_5, %gt3A_98 : vector<16xi32>
      %parallel_loop3A_100 = arith.constant 0 : i32
      %parallel_loop3A_101 = arith.constant 256 : i32
      %parallel_loop3A_102 = arith.constant 1 : i32
      %parallel_loop3A_103:4 = scf.for %parallel_loop3A_151 = %parallel_loop3A_100 to %parallel_loop3A_101 step %parallel_loop3A_102 iter_args(%parallel_loop3A_152 = %broadcast_in_dim3A_5, %parallel_loop3A_153 = %gt3A_99, %parallel_loop3A_154 = %broadcast_in_dim3A_5, %parallel_loop3A_155 = %broadcast_in_dim3A_5) -> (vector<16xi32>, vector<16xi1>, vector<16xi32>, vector<16xi32>)  : i32 {
        %parallel_loop3A_156 = arith.constant 16 : i32
        %parallel_loop3A_157 = arith.muli %parallel_loop3A_151, %parallel_loop3A_156 : i32
        %parallel_loop3A_158 = arith.index_cast %parallel_loop3A_157 : i32 to index
        %parallel_loop3A_159 = tpu.vector_load %arg6[%parallel_loop3A_158] {strides = array<i32>} : memref<16384xi32, #tpu.memory_space<vmem>>, vector<16xi32>,
        %parallel_loop3A_160 = arith.addi %parallel_loop3A_152, %parallel_loop3A_159 : vector<16xi32>
        %parallel_loop3A_161 = arith.constant dense<true> : vector<16xi1>
        %parallel_loop3A_162 = arith.xori %parallel_loop3A_153, %parallel_loop3A_161 : vector<16xi1>
        %parallel_loop3A_163 = arith.cmpi sge, %parallel_loop3A_160, %sub3A_77 : vector<16xi32>
        %parallel_loop3A_164 = arith.andi %parallel_loop3A_162, %parallel_loop3A_163 : vector<16xi1>
        %parallel_loop3A_165 = vector.broadcast %parallel_loop3A_151 : i32 to vector<16xi32>
        %parallel_loop3A_166 = arith.addi %broadcast_in_dim3A_5, %parallel_loop3A_165 : vector<16xi32>
        %parallel_loop3A_167 = arith.select %parallel_loop3A_164, %parallel_loop3A_166, %parallel_loop3A_154 : vector<16xi1>, vector<16xi32>
        %parallel_loop3A_168 = arith.select %parallel_loop3A_164, %parallel_loop3A_152, %parallel_loop3A_155 : vector<16xi1>, vector<16xi32>
        %parallel_loop3A_169 = arith.ori %parallel_loop3A_153, %parallel_loop3A_164 : vector<16xi1>
        scf.yield %parallel_loop3A_160, %parallel_loop3A_169, %parallel_loop3A_167, %parallel_loop3A_168 : vector<16xi32>, vector<16xi1>, vector<16xi32>, vector<16xi32>
      } {sc.loop_unroll_factor = 4 : i64, sc.parallel_access}
      %shift_left3A_104 = arith.constant 6 : i32
      %shift_left3A_105 = vector.broadcast %shift_left3A_104 : i32 to vector<16xi32>
      %shift_left3A_106 = arith.shli %parallel_loop3A_103#2, %shift_left3A_105 : vector<16xi32>
      %or3A_107 = arith.ori %or3A, %shift_left3A_106 : vector<16xi32>
      %sub3A_108 = arith.subi %sub3A_77, %parallel_loop3A_103#3 : vector<16xi32>
      %and3A_109 = arith.constant -64 : i32
      %and3A_110 = vector.broadcast %and3A_109 : i32 to vector<16xi32>
      %and3A_111 = arith.andi %or3A_107, %and3A_110 : vector<16xi32>
      %parallel_loop3A_112 = arith.constant 0 : i32
      %parallel_loop3A_113 = arith.constant 64 : i32
      %parallel_loop3A_114 = arith.constant 8 : i32
      scf.for %parallel_loop3A_151 = %parallel_loop3A_112 to %parallel_loop3A_113 step %parallel_loop3A_114  : i32 {
        %parallel_loop3A_152 = arith.constant 0 : i32
        %parallel_loop3A_153 = arith.addi %parallel_loop3A_151, %parallel_loop3A_152 : i32
        %parallel_loop3A_154 = arith.constant 16 : i32
        %parallel_loop3A_155 = arith.muli %parallel_loop3A_153, %parallel_loop3A_154 : i32
        %parallel_loop3A_156 = arith.index_cast %parallel_loop3A_155 : i32 to index
        %parallel_loop3A_157 = tpu.vector_load %arg6[%parallel_loop3A_156] {strides = array<i32>} : memref<16384xi32, #tpu.memory_space<vmem>>, vector<16xi32>,
        tpu.vector_store %arg6[%parallel_loop3A_156], %broadcast_in_dim3A_5 {strides = array<i32>} : memref<16384xi32, #tpu.memory_space<vmem>>, vector<16xi32>,
        %parallel_loop3A_158 = arith.constant 1 : i32
        %parallel_loop3A_159 = arith.addi %parallel_loop3A_151, %parallel_loop3A_158 : i32
        %parallel_loop3A_160 = arith.constant 16 : i32
        %parallel_loop3A_161 = arith.muli %parallel_loop3A_159, %parallel_loop3A_160 : i32
        %parallel_loop3A_162 = arith.index_cast %parallel_loop3A_161 : i32 to index
        %parallel_loop3A_163 = tpu.vector_load %arg6[%parallel_loop3A_162] {strides = array<i32>} : memref<16384xi32, #tpu.memory_space<vmem>>, vector<16xi32>,
        tpu.vector_store %arg6[%parallel_loop3A_162], %broadcast_in_dim3A_5 {strides = array<i32>} : memref<16384xi32, #tpu.memory_space<vmem>>, vector<16xi32>,
        %parallel_loop3A_164 = arith.constant 2 : i32
        %parallel_loop3A_165 = arith.addi %parallel_loop3A_151, %parallel_loop3A_164 : i32
        %parallel_loop3A_166 = arith.constant 16 : i32
        %parallel_loop3A_167 = arith.muli %parallel_loop3A_165, %parallel_loop3A_166 : i32
        %parallel_loop3A_168 = arith.index_cast %parallel_loop3A_167 : i32 to index
        %parallel_loop3A_169 = tpu.vector_load %arg6[%parallel_loop3A_168] {strides = array<i32>} : memref<16384xi32, #tpu.memory_space<vmem>>, vector<16xi32>,
        tpu.vector_store %arg6[%parallel_loop3A_168], %broadcast_in_dim3A_5 {strides = array<i32>} : memref<16384xi32, #tpu.memory_space<vmem>>, vector<16xi32>,
        %parallel_loop3A_170 = arith.constant 3 : i32
        %parallel_loop3A_171 = arith.addi %parallel_loop3A_151, %parallel_loop3A_170 : i32
        %parallel_loop3A_172 = arith.constant 16 : i32
        %parallel_loop3A_173 = arith.muli %parallel_loop3A_171, %parallel_loop3A_172 : i32
        %parallel_loop3A_174 = arith.index_cast %parallel_loop3A_173 : i32 to index
        %parallel_loop3A_175 = tpu.vector_load %arg6[%parallel_loop3A_174] {strides = array<i32>} : memref<16384xi32, #tpu.memory_space<vmem>>, vector<16xi32>,
        tpu.vector_store %arg6[%parallel_loop3A_174], %broadcast_in_dim3A_5 {strides = array<i32>} : memref<16384xi32, #tpu.memory_space<vmem>>, vector<16xi32>,
        %parallel_loop3A_176 = arith.constant 4 : i32
        %parallel_loop3A_177 = arith.addi %parallel_loop3A_151, %parallel_loop3A_176 : i32
        %parallel_loop3A_178 = arith.constant 16 : i32
        %parallel_loop3A_179 = arith.muli %parallel_loop3A_177, %parallel_loop3A_178 : i32
        %parallel_loop3A_180 = arith.index_cast %parallel_loop3A_179 : i32 to index
        %parallel_loop3A_181 = tpu.vector_load %arg6[%parallel_loop3A_180] {strides = array<i32>} : memref<16384xi32, #tpu.memory_space<vmem>>, vector<16xi32>,
        tpu.vector_store %arg6[%parallel_loop3A_180], %broadcast_in_dim3A_5 {strides = array<i32>} : memref<16384xi32, #tpu.memory_space<vmem>>, vector<16xi32>,
        %parallel_loop3A_182 = arith.constant 5 : i32
        %parallel_loop3A_183 = arith.addi %parallel_loop3A_151, %parallel_loop3A_182 : i32
        %parallel_loop3A_184 = arith.constant 16 : i32
        %parallel_loop3A_185 = arith.muli %parallel_loop3A_183, %parallel_loop3A_184 : i32
        %parallel_loop3A_186 = arith.index_cast %parallel_loop3A_185 : i32 to index
        %parallel_loop3A_187 = tpu.vector_load %arg6[%parallel_loop3A_186] {strides = array<i32>} : memref<16384xi32, #tpu.memory_space<vmem>>, vector<16xi32>,
        tpu.vector_store %arg6[%parallel_loop3A_186], %broadcast_in_dim3A_5 {strides = array<i32>} : memref<16384xi32, #tpu.memory_space<vmem>>, vector<16xi32>,
        %parallel_loop3A_188 = arith.constant 6 : i32
        %parallel_loop3A_189 = arith.addi %parallel_loop3A_151, %parallel_loop3A_188 : i32
        %parallel_loop3A_190 = arith.constant 16 : i32
        %parallel_loop3A_191 = arith.muli %parallel_loop3A_189, %parallel_loop3A_190 : i32
        %parallel_loop3A_192 = arith.index_cast %parallel_loop3A_191 : i32 to index
        %parallel_loop3A_193 = tpu.vector_load %arg6[%parallel_loop3A_192] {strides = array<i32>} : memref<16384xi32, #tpu.memory_space<vmem>>, vector<16xi32>,
        tpu.vector_store %arg6[%parallel_loop3A_192], %broadcast_in_dim3A_5 {strides = array<i32>} : memref<16384xi32, #tpu.memory_space<vmem>>, vector<16xi32>,
        %parallel_loop3A_194 = arith.constant 7 : i32
        %parallel_loop3A_195 = arith.addi %parallel_loop3A_151, %parallel_loop3A_194 : i32
        %parallel_loop3A_196 = arith.constant 16 : i32
        %parallel_loop3A_197 = arith.muli %parallel_loop3A_195, %parallel_loop3A_196 : i32
        %parallel_loop3A_198 = arith.index_cast %parallel_loop3A_197 : i32 to index
        %parallel_loop3A_199 = tpu.vector_load %arg6[%parallel_loop3A_198] {strides = array<i32>} : memref<16384xi32, #tpu.memory_space<vmem>>, vector<16xi32>,
        tpu.vector_store %arg6[%parallel_loop3A_198], %broadcast_in_dim3A_5 {strides = array<i32>} : memref<16384xi32, #tpu.memory_space<vmem>>, vector<16xi32>,
      } {sc.loop_unroll_factor = 1 : i64, sc.parallel_access}
      %while3A_115 = arith.constant -64 : i32
      %while3A_116 = arith.constant 0 : i32
      %while3A_117 = arith.constant 0 : i32
      %while3A_118 = arith.subi %reduce_max3A_49, %while3A_116 : i32
      %while3A_119 = arith.addi %while3A_116, %while3A_118 : i32
      %while3A_120 = arith.constant 1 : i32
      %while3A_121 = arith.divsi %while3A_118, %while3A_120 : i32
      %while3A_122 = arith.muli %while3A_121, %while3A_120 : i32
      %while3A_123 = arith.addi %while3A_116, %while3A_122 : i32
      %while3A_124 = arith.constant 1 : i32
      %while3A_125 = scf.for %while3A_151 = %while3A_116 to %while3A_123 step %while3A_124 iter_args(%while3A_152 = %while3A_117) -> (i32)  : i32 {
        %add3A_153 = vector.broadcast %while3A_151 : i32 to vector<16xi32>
        %add3A_154 = arith.addi %mul3A_8, %add3A_153 : vector<16xi32>
        %gather3A = tpu.vector_load_idx %arg7[%add3A_154] : memref<32768xi32, #tpu.memory_space<vmem>>[vector<16xi32>], vector<16xi32>,
        %and3A_155 = vector.broadcast %while3A_115 : i32 to vector<16xi32>
        %and3A_156 = arith.andi %gather3A, %and3A_155 : vector<16xi32>
        %eq3A = arith.cmpi eq, %and3A_156, %and3A_111 : vector<16xi32>
        %lt3A = vector.broadcast %while3A_151 : i32 to vector<16xi32>
        %lt3A_157 = arith.cmpi slt, %lt3A, %parallel_loop3A_42 : vector<16xi32>
        %and3A_158 = arith.andi %eq3A, %lt3A_157 : vector<16xi1>
        %shift_right_arithmetic3A = arith.constant 0 : i32
        %shift_right_arithmetic3A_159 = vector.broadcast %shift_right_arithmetic3A : i32 to vector<16xi32>
        %shift_right_arithmetic3A_160 = arith.shrsi %gather3A, %shift_right_arithmetic3A_159 : vector<16xi32>
        %and3A_161 = arith.constant 63 : i32
        %and3A_162 = vector.broadcast %and3A_161 : i32 to vector<16xi32>
        %and3A_163 = arith.andi %shift_right_arithmetic3A_160, %and3A_162 : vector<16xi32>
        %mul3A_164 = arith.constant 16 : i32
        %mul3A_165 = vector.broadcast %mul3A_164 : i32 to vector<16xi32>
        %mul3A_166 = arith.muli %and3A_163, %mul3A_165 : vector<16xi32>
        %add3A_167 = arith.addi %mul3A_166, %iota3A : vector<16xi32>
        tpu.vector_store_idx %arg6[%add3A_167], %broadcast_in_dim3A_3 masked %and3A_158 {add = true} : memref<16384xi32, #tpu.memory_space<vmem>>[vector<16xi32>], vector<16xi32>, vector<16xi1>
        %while3A_168 = arith.constant 0 : i32
        scf.yield %while3A_168 : i32
      }
      %while3A_126 = arith.constant 1 : i32
      %while3A_127 = scf.for %while3A_151 = %while3A_123 to %while3A_119 step %while3A_126 iter_args(%while3A_152 = %while3A_125) -> (i32)  : i32 {
        %add3A_153 = vector.broadcast %while3A_151 : i32 to vector<16xi32>
        %add3A_154 = arith.addi %mul3A_8, %add3A_153 : vector<16xi32>
        %gather3A = tpu.vector_load_idx %arg7[%add3A_154] : memref<32768xi32, #tpu.memory_space<vmem>>[vector<16xi32>], vector<16xi32>,
        %and3A_155 = vector.broadcast %while3A_115 : i32 to vector<16xi32>
        %and3A_156 = arith.andi %gather3A, %and3A_155 : vector<16xi32>
        %eq3A = arith.cmpi eq, %and3A_156, %and3A_111 : vector<16xi32>
        %lt3A = vector.broadcast %while3A_151 : i32 to vector<16xi32>
        %lt3A_157 = arith.cmpi slt, %lt3A, %parallel_loop3A_42 : vector<16xi32>
        %and3A_158 = arith.andi %eq3A, %lt3A_157 : vector<16xi1>
        %shift_right_arithmetic3A = arith.constant 0 : i32
        %shift_right_arithmetic3A_159 = vector.broadcast %shift_right_arithmetic3A : i32 to vector<16xi32>
        %shift_right_arithmetic3A_160 = arith.shrsi %gather3A, %shift_right_arithmetic3A_159 : vector<16xi32>
        %and3A_161 = arith.constant 63 : i32
        %and3A_162 = vector.broadcast %and3A_161 : i32 to vector<16xi32>
        %and3A_163 = arith.andi %shift_right_arithmetic3A_160, %and3A_162 : vector<16xi32>
        %mul3A_164 = arith.constant 16 : i32
        %mul3A_165 = vector.broadcast %mul3A_164 : i32 to vector<16xi32>
        %mul3A_166 = arith.muli %and3A_163, %mul3A_165 : vector<16xi32>
        %add3A_167 = arith.addi %mul3A_166, %iota3A : vector<16xi32>
        tpu.vector_store_idx %arg6[%add3A_167], %broadcast_in_dim3A_3 masked %and3A_158 {add = true} : memref<16384xi32, #tpu.memory_space<vmem>>[vector<16xi32>], vector<16xi32>, vector<16xi1>
        %while3A_168 = arith.constant 0 : i32
        scf.yield %while3A_168 : i32
      }
      %gt3A_128 = arith.constant 0 : i32
      %gt3A_129 = vector.broadcast %gt3A_128 : i32 to vector<16xi32>
      %gt3A_130 = arith.cmpi sgt, %broadcast_in_dim3A_5, %gt3A_129 : vector<16xi32>
      %parallel_loop3A_131 = arith.constant 0 : i32
      %parallel_loop3A_132 = arith.constant 64 : i32
      %parallel_loop3A_133 = arith.constant 1 : i32
      %parallel_loop3A_134:4 = scf.for %parallel_loop3A_151 = %parallel_loop3A_131 to %parallel_loop3A_132 step %parallel_loop3A_133 iter_args(%parallel_loop3A_152 = %broadcast_in_dim3A_5, %parallel_loop3A_153 = %gt3A_130, %parallel_loop3A_154 = %broadcast_in_dim3A_5, %parallel_loop3A_155 = %broadcast_in_dim3A_5) -> (vector<16xi32>, vector<16xi1>, vector<16xi32>, vector<16xi32>)  : i32 {
        %parallel_loop3A_156 = arith.constant 16 : i32
        %parallel_loop3A_157 = arith.muli %parallel_loop3A_151, %parallel_loop3A_156 : i32
        %parallel_loop3A_158 = arith.index_cast %parallel_loop3A_157 : i32 to index
        %parallel_loop3A_159 = tpu.vector_load %arg6[%parallel_loop3A_158] {strides = array<i32>} : memref<16384xi32, #tpu.memory_space<vmem>>, vector<16xi32>,
        %parallel_loop3A_160 = arith.addi %parallel_loop3A_152, %parallel_loop3A_159 : vector<16xi32>
        %parallel_loop3A_161 = arith.constant dense<true> : vector<16xi1>
        %parallel_loop3A_162 = arith.xori %parallel_loop3A_153, %parallel_loop3A_161 : vector<16xi1>
        %parallel_loop3A_163 = arith.cmpi sge, %parallel_loop3A_160, %sub3A_108 : vector<16xi32>
        %parallel_loop3A_164 = arith.andi %parallel_loop3A_162, %parallel_loop3A_163 : vector<16xi1>
        %parallel_loop3A_165 = vector.broadcast %parallel_loop3A_151 : i32 to vector<16xi32>
        %parallel_loop3A_166 = arith.addi %broadcast_in_dim3A_5, %parallel_loop3A_165 : vector<16xi32>
        %parallel_loop3A_167 = arith.select %parallel_loop3A_164, %parallel_loop3A_166, %parallel_loop3A_154 : vector<16xi1>, vector<16xi32>
        %parallel_loop3A_168 = arith.select %parallel_loop3A_164, %parallel_loop3A_152, %parallel_loop3A_155 : vector<16xi1>, vector<16xi32>
        %parallel_loop3A_169 = arith.ori %parallel_loop3A_153, %parallel_loop3A_164 : vector<16xi1>
        scf.yield %parallel_loop3A_160, %parallel_loop3A_169, %parallel_loop3A_167, %parallel_loop3A_168 : vector<16xi32>, vector<16xi1>, vector<16xi32>, vector<16xi32>
      } {sc.loop_unroll_factor = 4 : i64, sc.parallel_access}
      %shift_left3A_135 = arith.constant 0 : i32
      %shift_left3A_136 = vector.broadcast %shift_left3A_135 : i32 to vector<16xi32>
      %shift_left3A_137 = arith.shli %parallel_loop3A_134#2, %shift_left3A_136 : vector<16xi32>
      %or3A_138 = arith.ori %or3A_107, %shift_left3A_137 : vector<16xi32>
      %sub3A_139 = arith.subi %sub3A_108, %parallel_loop3A_134#3 : vector<16xi32>
      %parallel_loop3A_140 = arith.constant 0 : i32
      %parallel_loop3A_141 = arith.constant 1 : i32
      %parallel_loop3A_142:2 = scf.for %parallel_loop3A_151 = %parallel_loop3A_140 to %reduce_max3A_49 step %parallel_loop3A_141 iter_args(%parallel_loop3A_152 = %broadcast_in_dim3A_5, %parallel_loop3A_153 = %broadcast_in_dim3A_5) -> (vector<16xi32>, vector<16xi32>)  : i32 {
        %parallel_loop3A_154 = vector.broadcast %parallel_loop3A_151 : i32 to vector<16xi32>
        %parallel_loop3A_155 = arith.addi %mul3A_8, %parallel_loop3A_154 : vector<16xi32>
        %parallel_loop3A_156 = tpu.vector_load_idx %arg7[%parallel_loop3A_155] : memref<32768xi32, #tpu.memory_space<vmem>>[vector<16xi32>], vector<16xi32>,
        %parallel_loop3A_157 = arith.cmpi eq, %parallel_loop3A_156, %or3A_138 : vector<16xi32>
        %parallel_loop3A_158 = vector.broadcast %parallel_loop3A_151 : i32 to vector<16xi32>
        %parallel_loop3A_159 = arith.cmpi slt, %parallel_loop3A_158, %parallel_loop3A_42 : vector<16xi32>
        %parallel_loop3A_160 = arith.andi %parallel_loop3A_157, %parallel_loop3A_159 : vector<16xi1>
        %parallel_loop3A_161 = arith.extui %parallel_loop3A_160 : vector<16xi1> to vector<16xi32>
        %parallel_loop3A_162 = arith.addi %parallel_loop3A_152, %parallel_loop3A_161 : vector<16xi32>
        %parallel_loop3A_163 = arith.cmpi eq, %parallel_loop3A_162, %sub3A_139 : vector<16xi32>
        %parallel_loop3A_164 = arith.andi %parallel_loop3A_160, %parallel_loop3A_163 : vector<16xi1>
        %parallel_loop3A_165 = vector.broadcast %parallel_loop3A_151 : i32 to vector<16xi32>
        %parallel_loop3A_166 = arith.addi %mul3A_8, %parallel_loop3A_165 : vector<16xi32>
        %parallel_loop3A_167 = tpu.vector_load_idx %arg8[%parallel_loop3A_166] : memref<32768xi32, #tpu.memory_space<vmem>>[vector<16xi32>], vector<16xi32>,
        %parallel_loop3A_168 = arith.select %parallel_loop3A_164, %parallel_loop3A_167, %parallel_loop3A_153 : vector<16xi1>, vector<16xi32>
        scf.yield %parallel_loop3A_162, %parallel_loop3A_168 : vector<16xi32>, vector<16xi32>
      } {sc.loop_unroll_factor = 2 : i64, sc.parallel_access}
      %mul3A_143 = arith.constant 16 : i32
      %mul3A_144 = arith.muli %scan3A_15, %mul3A_143 : i32
      %swap3A = arith.index_cast %mul3A_144 : i32 to index
      %swap3A_145 = tpu.vector_load %arg9[%swap3A] {strides = array<i32>} : memref<96xi32, #tpu.memory_space<vmem>>, vector<16xi32>,
      tpu.vector_store %arg9[%swap3A], %or3A_138 {strides = array<i32>} : memref<96xi32, #tpu.memory_space<vmem>>, vector<16xi32>,
      %mul3A_146 = arith.constant 16 : i32
      %mul3A_147 = arith.muli %scan3A_15, %mul3A_146 : i32
      %swap3A_148 = arith.index_cast %mul3A_147 : i32 to index
      %swap3A_149 = tpu.vector_load %arg10[%swap3A_148] {strides = array<i32>} : memref<96xi32, #tpu.memory_space<vmem>>, vector<16xi32>,
      tpu.vector_store %arg10[%swap3A_148], %parallel_loop3A_142#1 {strides = array<i32>} : memref<96xi32, #tpu.memory_space<vmem>>, vector<16xi32>,
      %scan3A_150 = arith.constant 0 : i32
      scf.yield %scan3A_150 : i32
    }
    %scan3A_14 = arith.constant 6 : i32
    "tpu.region"() ({
      %run_scoped3A = tpu.sem_alloc : memref<!tpu.dma_semaphore, #tpu.memory_space<semaphore_mem>>
      %dma_start3A = tpu.memref_slice %arg3[%mul3A_2] : memref<3072xi32, #tpu.memory_space<hbm>> -> memref<96xi32, #tpu.memory_space<hbm>>
      %dma_start3A_15 = tpu.memref_slice %arg3[%mul3A_2] : memref<3072xi32, #tpu.memory_space<hbm>> -> memref<96xi32, #tpu.memory_space<hbm>>
      tpu.enqueue_dma source(%arg9 : memref<96xi32, #tpu.memory_space<vmem>>) target(%dma_start3A_15 : memref<96xi32, #tpu.memory_space<hbm>>) target_semaphore(%run_scoped3A : memref<!tpu.dma_semaphore, #tpu.memory_space<semaphore_mem>>)
      %dma_wait3A = tpu.memref_slice %arg3[%mul3A_2] : memref<3072xi32, #tpu.memory_space<hbm>> -> memref<96xi32, #tpu.memory_space<hbm>>
      %dma_wait3A_16 = tpu.memref_slice %arg3[%mul3A_2] : memref<3072xi32, #tpu.memory_space<hbm>> -> memref<96xi32, #tpu.memory_space<hbm>>
      tpu.wait_dma2 semaphore(%run_scoped3A : memref<!tpu.dma_semaphore, #tpu.memory_space<semaphore_mem>>) src(%arg9 : memref<96xi32, #tpu.memory_space<vmem>>) dst(%dma_wait3A_16 : memref<96xi32, #tpu.memory_space<hbm>>)
      tpu.yield
    }) : () -> ()
    "tpu.region"() ({
      %run_scoped3A = tpu.sem_alloc : memref<!tpu.dma_semaphore, #tpu.memory_space<semaphore_mem>>
      %dma_start3A = tpu.memref_slice %arg4[%mul3A_2] : memref<3072xi32, #tpu.memory_space<hbm>> -> memref<96xi32, #tpu.memory_space<hbm>>
      %dma_start3A_15 = tpu.memref_slice %arg4[%mul3A_2] : memref<3072xi32, #tpu.memory_space<hbm>> -> memref<96xi32, #tpu.memory_space<hbm>>
      tpu.enqueue_dma source(%arg10 : memref<96xi32, #tpu.memory_space<vmem>>) target(%dma_start3A_15 : memref<96xi32, #tpu.memory_space<hbm>>) target_semaphore(%run_scoped3A : memref<!tpu.dma_semaphore, #tpu.memory_space<semaphore_mem>>)
      %dma_wait3A = tpu.memref_slice %arg4[%mul3A_2] : memref<3072xi32, #tpu.memory_space<hbm>> -> memref<96xi32, #tpu.memory_space<hbm>>
      %dma_wait3A_16 = tpu.memref_slice %arg4[%mul3A_2] : memref<3072xi32, #tpu.memory_space<hbm>> -> memref<96xi32, #tpu.memory_space<hbm>>
      tpu.wait_dma2 semaphore(%run_scoped3A : memref<!tpu.dma_semaphore, #tpu.memory_space<semaphore_mem>>) src(%arg10 : memref<96xi32, #tpu.memory_space<vmem>>) dst(%dma_wait3A_16 : memref<96xi32, #tpu.memory_space<hbm>>)
      tpu.yield
    }) : () -> ()
    return
  }
}

module attributes {stable_mosaic.version = 14 : i64} {
  func.func @_tc_full_body(%arg0: i32, %arg1: memref<256x2048xf32, #tpu.memory_space<vmem>>, %arg2: memref<256x2048xf32, #tpu.memory_space<vmem>>, %arg3: memref<256x2xf32, #tpu.memory_space<vmem>>, %arg4: memref<2x128xf32, #tpu.memory_space<vmem>>, %arg5: memref<1x128xf32, #tpu.memory_space<vmem>>, %arg6: memref<1x132xf32, #tpu.memory_space<vmem>>, %arg7: memref<1x1xf32, #tpu.memory_space<vmem>>, %arg8: memref<256x2048xf32, #tpu.memory_space<vmem>>) attributes {dimension_semantics = [#tpu.dimension_semantics<arbitrary>], iteration_bounds = array<i64: 20>, scalar_prefetch = 0 : i64, scratch_operands = 0 : i64, tpu.core_type = #tpu.core_type<tc>, window_params = [{transform_indices = @transform_0, window_bounds = array<i64: 256, 2048>}, {transform_indices = @transform_1, window_bounds = array<i64: 256, 2048>}, {transform_indices = @transform_2, window_bounds = array<i64: 256, 2>}, {pipeline_mode = #tpu.pipeline_mode<synchronous>, transform_indices = @transform_3, window_bounds = array<i64: 2, 128>}, {pipeline_mode = #tpu.pipeline_mode<synchronous>, transform_indices = @transform_4, window_bounds = array<i64: 1, 128>}, {pipeline_mode = #tpu.pipeline_mode<synchronous>, transform_indices = @transform_5, window_bounds = array<i64: 1, 132>}, {pipeline_mode = #tpu.pipeline_mode<synchronous>, transform_indices = @transform_6, window_bounds = array<i64: 1, 1>}, {transform_indices = @transform_7, window_bounds = array<i64: 256, 2048>}]} {
    %get3A = arith.constant 0 : index
    %get3A_0 = arith.constant 0 : index
    %get3A_1 = vector.load %arg1[%get3A, %get3A_0] : memref<256x2048xf32, #tpu.memory_space<vmem>>, vector<256x2048xf32>
    %get3A_2 = arith.constant 0 : index
    %get3A_3 = arith.constant 0 : index
    %get3A_4 = vector.load %arg2[%get3A_2, %get3A_3] : memref<256x2048xf32, #tpu.memory_space<vmem>>, vector<256x2048xf32>
    %get3A_5 = arith.constant 0 : index
    %get3A_6 = arith.constant 0 : index
    %get3A_7 = vector.load %arg6[%get3A_5, %get3A_6] : memref<1x132xf32, #tpu.memory_space<vmem>>, vector<1x132xf32>
    %get3A_8 = arith.constant 0 : index
    %get3A_9 = arith.constant 0 : index
    %get3A_10 = vector.load %arg4[%get3A_8, %get3A_9] : memref<2x128xf32, #tpu.memory_space<vmem>>, vector<2x128xf32>
    %get3A_11 = arith.constant 0 : index
    %get3A_12 = arith.constant 0 : index
    %get3A_13 = vector.load %arg5[%get3A_11, %get3A_12] : memref<1x128xf32, #tpu.memory_space<vmem>>, vector<1x128xf32>
    %slice3A = vector.extract_strided_slice %get3A_7 {offsets = [0, 2], sizes = [1, 128], strides = [1, 1]} : vector<1x132xf32> to vector<1x128xf32>
    %slice3A_14 = vector.extract_strided_slice %get3A_10 {offsets = [0, 0], sizes = [1, 128], strides = [1, 1]} : vector<2x128xf32> to vector<1x128xf32>
    %mul3A = arith.mulf %slice3A_14, %slice3A : vector<1x128xf32>
    %reduce_sum3A = vector.shape_cast %mul3A : vector<1x128xf32> to vector<1x1x128xf32>
    %reduce_sum3A_15 = arith.constant dense<0.000000e+00> : vector<1xf32>
    %reduce_sum3A_16 = vector.multi_reduction <add>, %reduce_sum3A, %reduce_sum3A_15 [1, 2] : vector<1x1x128xf32> to vector<1xf32>
    %reduce_sum3A_17 = vector.shape_cast %reduce_sum3A_16 : vector<1xf32> to vector<1x1x1xf32>
    %reduce_sum3A_18 = vector.extract %reduce_sum3A_17[0, 0, 0] : f32 from vector<1x1x1xf32>
    %div3A = arith.constant 5.100000e+01 : f32
    %div3A_19 = arith.divf %reduce_sum3A_18, %div3A : f32
    %slice3A_20 = vector.extract_strided_slice %get3A_10 {offsets = [1, 0], sizes = [1, 128], strides = [1, 1]} : vector<2x128xf32> to vector<1x128xf32>
    %mul3A_21 = arith.mulf %slice3A_20, %slice3A : vector<1x128xf32>
    %reduce_sum3A_22 = vector.shape_cast %mul3A_21 : vector<1x128xf32> to vector<1x1x128xf32>
    %reduce_sum3A_23 = arith.constant dense<0.000000e+00> : vector<1xf32>
    %reduce_sum3A_24 = vector.multi_reduction <add>, %reduce_sum3A_22, %reduce_sum3A_23 [1, 2] : vector<1x1x128xf32> to vector<1xf32>
    %reduce_sum3A_25 = vector.shape_cast %reduce_sum3A_24 : vector<1xf32> to vector<1x1x1xf32>
    %reduce_sum3A_26 = vector.extract %reduce_sum3A_25[0, 0, 0] : f32 from vector<1x1x1xf32>
    %div3A_27 = arith.constant 5.100000e+01 : f32
    %div3A_28 = arith.divf %reduce_sum3A_26, %div3A_27 : f32
    %mul3A_29 = arith.mulf %get3A_13, %slice3A : vector<1x128xf32>
    %reduce_sum3A_30 = vector.shape_cast %mul3A_29 : vector<1x128xf32> to vector<1x1x128xf32>
    %reduce_sum3A_31 = arith.constant dense<0.000000e+00> : vector<1xf32>
    %reduce_sum3A_32 = vector.multi_reduction <add>, %reduce_sum3A_30, %reduce_sum3A_31 [1, 2] : vector<1x1x128xf32> to vector<1xf32>
    %reduce_sum3A_33 = vector.shape_cast %reduce_sum3A_32 : vector<1xf32> to vector<1x1x1xf32>
    %reduce_sum3A_34 = vector.extract %reduce_sum3A_33[0, 0, 0] : f32 from vector<1x1x1xf32>
    %slice3A_35 = vector.extract_strided_slice %get3A_7 {offsets = [0, 0], sizes = [1, 1], strides = [1, 1]} : vector<1x132xf32> to vector<1x1xf32>
    %squeeze3A = vector.extract %slice3A_35[0, 0] : f32 from vector<1x1xf32>
    %slice3A_36 = vector.extract_strided_slice %get3A_7 {offsets = [0, 1], sizes = [1, 1], strides = [1, 1]} : vector<1x132xf32> to vector<1x1xf32>
    %squeeze3A_37 = vector.extract %slice3A_36[0, 0] : f32 from vector<1x1xf32>
    %slice3A_38 = vector.extract_strided_slice %get3A_7 {offsets = [0, 130], sizes = [1, 1], strides = [1, 1]} : vector<1x132xf32> to vector<1x1xf32>
    %squeeze3A_39 = vector.extract %slice3A_38[0, 0] : f32 from vector<1x1xf32>
    %slice3A_40 = vector.extract_strided_slice %get3A_7 {offsets = [0, 131], sizes = [1, 1], strides = [1, 1]} : vector<1x132xf32> to vector<1x1xf32>
    %squeeze3A_41 = vector.extract %slice3A_40[0, 0] : f32 from vector<1x1xf32>
    %get3A_42 = arith.constant 0 : index
    %get3A_43 = arith.constant 0 : index
    %get3A_44 = vector.load %arg7[%get3A_42, %get3A_43] : memref<1x1xf32, #tpu.memory_space<vmem>>, vector<1x1xf32>
    %get3A_45 = vector.extract %get3A_44[0, 0] : f32 from vector<1x1xf32>
    %bitcast_convert_type3A = tpu.bitcast %get3A_1 : vector<256x2048xf32> -> vector<256x2048xi32>
    %broadcast_in_dim3A = arith.constant 0 : i32
    %broadcast_in_dim3A_46 = vector.broadcast %broadcast_in_dim3A : i32 to vector<256x1xi32>
    %broadcast_in_dim3A_47 = arith.constant 1065353216 : i32
    %broadcast_in_dim3A_48 = vector.broadcast %broadcast_in_dim3A_47 : i32 to vector<256x1xi32>
    %scan3A = arith.constant 0 : i32
    %scan3A_49 = arith.constant 30 : i32
    %scan3A_50 = arith.addi %scan3A, %scan3A_49 : i32
    %scan3A_51 = arith.constant 1 : i32
    %scan3A_52:2 = scf.for %scan3A_112 = %scan3A to %scan3A_50 step %scan3A_51 iter_args(%scan3A_113 = %broadcast_in_dim3A_46, %scan3A_114 = %broadcast_in_dim3A_48) -> (vector<256x1xi32>, vector<256x1xi32>)  : i32 {
      %add3A_115 = arith.addi %scan3A_113, %scan3A_114 : vector<256x1xi32>
      %shift_right_logical3A = arith.constant 1 : i32
      %shift_right_logical3A_116 = vector.broadcast %shift_right_logical3A : i32 to vector<256x1xi32>
      %shift_right_logical3A_117 = arith.shrui %add3A_115, %shift_right_logical3A_116 : vector<256x1xi32>
      %le3A_118 = vector.broadcast %shift_right_logical3A_117 : vector<256x1xi32> to vector<256x2048xi32>
      %le3A_119 = arith.cmpi sle, %bitcast_convert_type3A, %le3A_118 : vector<256x2048xi32>
      %convert_element_type3A_120 = arith.extui %le3A_119 : vector<256x2048xi1> to vector<256x2048xi32>
      %reduce_sum3A_121 = arith.constant dense<0> : vector<256xi32>
      %reduce_sum3A_122 = vector.multi_reduction <add>, %convert_element_type3A_120, %reduce_sum3A_121 [1] : vector<256x2048xi32> to vector<256xi32>
      %broadcast_in_dim3A_123 = vector.shape_cast %reduce_sum3A_122 : vector<256xi32> to vector<256x1xi32>
      %ge3A = arith.constant 51 : i32
      %ge3A_124 = vector.broadcast %ge3A : i32 to vector<256x1xi32>
      %ge3A_125 = arith.cmpi sge, %broadcast_in_dim3A_123, %ge3A_124 : vector<256x1xi32>
      %add3A_126 = arith.constant 1 : i32
      %add3A_127 = vector.broadcast %add3A_126 : i32 to vector<256x1xi32>
      %add3A_128 = arith.addi %shift_right_logical3A_117, %add3A_127 : vector<256x1xi32>
      %select_n3A_129 = arith.select %ge3A_125, %scan3A_113, %add3A_128 : vector<256x1xi1>, vector<256x1xi32>
      %select_n3A_130 = arith.select %ge3A_125, %shift_right_logical3A_117, %scan3A_114 : vector<256x1xi1>, vector<256x1xi32>
      scf.yield %select_n3A_129, %select_n3A_130 : vector<256x1xi32>, vector<256x1xi32>
    }
    %bitcast_convert_type3A_53 = tpu.bitcast %scan3A_52#1 : vector<256x1xi32> -> vector<256x1xf32>
    %lt3A = vector.broadcast %bitcast_convert_type3A_53 : vector<256x1xf32> to vector<256x2048xf32>
    %lt3A_54 = arith.cmpf olt, %get3A_1, %lt3A : vector<256x2048xf32>
    %eq3A = vector.broadcast %scan3A_52#1 : vector<256x1xi32> to vector<256x2048xi32>
    %eq3A_55 = arith.cmpi eq, %bitcast_convert_type3A, %eq3A : vector<256x2048xi32>
    %convert_element_type3A = arith.extui %lt3A_54 : vector<256x2048xi1> to vector<256x2048xi32>
    %reduce_sum3A_56 = arith.constant dense<0> : vector<256xi32>
    %reduce_sum3A_57 = vector.multi_reduction <add>, %convert_element_type3A, %reduce_sum3A_56 [1] : vector<256x2048xi32> to vector<256xi32>
    %broadcast_in_dim3A_58 = vector.shape_cast %reduce_sum3A_57 : vector<256xi32> to vector<256x1xi32>
    %sub3A = arith.constant 51 : i32
    %sub3A_59 = vector.broadcast %sub3A : i32 to vector<256x1xi32>
    %sub3A_60 = arith.subi %sub3A_59, %broadcast_in_dim3A_58 : vector<256x1xi32>
    %iota3A = tpu.iota {dimensions = array<i32: 1>} : vector<256x2048xi32>
    %broadcast_in_dim3A_61 = arith.constant 0 : i32
    %broadcast_in_dim3A_62 = vector.broadcast %broadcast_in_dim3A_61 : i32 to vector<256x1xi32>
    %broadcast_in_dim3A_63 = arith.constant 2047 : i32
    %broadcast_in_dim3A_64 = vector.broadcast %broadcast_in_dim3A_63 : i32 to vector<256x1xi32>
    %scan3A_65 = arith.constant 0 : i32
    %scan3A_66 = arith.constant 11 : i32
    %scan3A_67 = arith.addi %scan3A_65, %scan3A_66 : i32
    %scan3A_68 = arith.constant 1 : i32
    %scan3A_69:2 = scf.for %scan3A_112 = %scan3A_65 to %scan3A_67 step %scan3A_68 iter_args(%scan3A_113 = %broadcast_in_dim3A_62, %scan3A_114 = %broadcast_in_dim3A_64) -> (vector<256x1xi32>, vector<256x1xi32>)  : i32 {
      %add3A_115 = arith.addi %scan3A_113, %scan3A_114 : vector<256x1xi32>
      %shift_right_logical3A = arith.constant 1 : i32
      %shift_right_logical3A_116 = vector.broadcast %shift_right_logical3A : i32 to vector<256x1xi32>
      %shift_right_logical3A_117 = arith.shrui %add3A_115, %shift_right_logical3A_116 : vector<256x1xi32>
      %le3A_118 = vector.broadcast %shift_right_logical3A_117 : vector<256x1xi32> to vector<256x2048xi32>
      %le3A_119 = arith.cmpi sle, %iota3A, %le3A_118 : vector<256x2048xi32>
      %and3A_120 = arith.andi %eq3A_55, %le3A_119 : vector<256x2048xi1>
      %convert_element_type3A_121 = arith.extui %and3A_120 : vector<256x2048xi1> to vector<256x2048xi32>
      %reduce_sum3A_122 = arith.constant dense<0> : vector<256xi32>
      %reduce_sum3A_123 = vector.multi_reduction <add>, %convert_element_type3A_121, %reduce_sum3A_122 [1] : vector<256x2048xi32> to vector<256xi32>
      %broadcast_in_dim3A_124 = vector.shape_cast %reduce_sum3A_123 : vector<256xi32> to vector<256x1xi32>
      %ge3A = arith.cmpi sge, %broadcast_in_dim3A_124, %sub3A_60 : vector<256x1xi32>
      %add3A_125 = arith.constant 1 : i32
      %add3A_126 = vector.broadcast %add3A_125 : i32 to vector<256x1xi32>
      %add3A_127 = arith.addi %shift_right_logical3A_117, %add3A_126 : vector<256x1xi32>
      %select_n3A_128 = arith.select %ge3A, %scan3A_113, %add3A_127 : vector<256x1xi1>, vector<256x1xi32>
      %select_n3A_129 = arith.select %ge3A, %shift_right_logical3A_117, %scan3A_114 : vector<256x1xi1>, vector<256x1xi32>
      scf.yield %select_n3A_128, %select_n3A_129 : vector<256x1xi32>, vector<256x1xi32>
    }
    %le3A = vector.broadcast %scan3A_69#1 : vector<256x1xi32> to vector<256x2048xi32>
    %le3A_70 = arith.cmpi sle, %iota3A, %le3A : vector<256x2048xi32>
    %and3A = arith.andi %eq3A_55, %le3A_70 : vector<256x2048xi1>
    %or3A = arith.ori %lt3A_54, %and3A : vector<256x2048xi1>
    %get3A_71 = arith.constant 0 : index
    %get3A_72 = arith.constant 0 : index
    %get3A_73 = vector.load %arg3[%get3A_71, %get3A_72] : memref<256x2xf32, #tpu.memory_space<vmem>>, vector<256x2xf32>
    %convert_element_type3A_74 = arith.extui %or3A : vector<256x2048xi1> to vector<256x2048xi32>
    %convert_element_type3A_75 = arith.sitofp %convert_element_type3A_74 : vector<256x2048xi32> to vector<256x2048xf32>
    %mul3A_76 = arith.mulf %get3A_4, %convert_element_type3A_75 : vector<256x2048xf32>
    %reduce_sum3A_77 = arith.constant dense<0.000000e+00> : vector<256xf32>
    %reduce_sum3A_78 = vector.multi_reduction <add>, %mul3A_76, %reduce_sum3A_77 [1] : vector<256x2048xf32> to vector<256xf32>
    %broadcast_in_dim3A_79 = vector.shape_cast %reduce_sum3A_78 : vector<256xf32> to vector<256x1xf32>
    %mul3A_80 = arith.mulf %get3A_1, %convert_element_type3A_75 : vector<256x2048xf32>
    %reduce_sum3A_81 = arith.constant dense<0.000000e+00> : vector<256xf32>
    %reduce_sum3A_82 = vector.multi_reduction <add>, %mul3A_80, %reduce_sum3A_81 [1] : vector<256x2048xf32> to vector<256xf32>
    %broadcast_in_dim3A_83 = vector.shape_cast %reduce_sum3A_82 : vector<256xf32> to vector<256x1xf32>
    %mul3A_84 = vector.broadcast %div3A_19 : f32 to vector<256x1xf32>
    %mul3A_85 = arith.mulf %broadcast_in_dim3A_79, %mul3A_84 : vector<256x1xf32>
    %mul3A_86 = vector.broadcast %div3A_28 : f32 to vector<256x1xf32>
    %mul3A_87 = arith.mulf %broadcast_in_dim3A_83, %mul3A_86 : vector<256x1xf32>
    %add3A = arith.addf %mul3A_85, %mul3A_87 : vector<256x1xf32>
    %add3A_88 = vector.broadcast %reduce_sum3A_34 : f32 to vector<256x1xf32>
    %add3A_89 = arith.addf %add3A, %add3A_88 : vector<256x1xf32>
    %add3A_90 = vector.broadcast %get3A_45 : f32 to vector<256x1xf32>
    %add3A_91 = arith.addf %add3A_89, %add3A_90 : vector<256x1xf32>
    %slice3A_92 = vector.extract_strided_slice %get3A_73 {offsets = [0, 0], sizes = [256, 1], strides = [1, 1]} : vector<256x2xf32> to vector<256x1xf32>
    %mul3A_93 = vector.broadcast %squeeze3A_39 : f32 to vector<256x1xf32>
    %mul3A_94 = arith.mulf %slice3A_92, %mul3A_93 : vector<256x1xf32>
    %add3A_95 = arith.addf %add3A_91, %mul3A_94 : vector<256x1xf32>
    %slice3A_96 = vector.extract_strided_slice %get3A_73 {offsets = [0, 1], sizes = [256, 1], strides = [1, 1]} : vector<256x2xf32> to vector<256x1xf32>
    %mul3A_97 = vector.broadcast %squeeze3A_41 : f32 to vector<256x1xf32>
    %mul3A_98 = arith.mulf %slice3A_96, %mul3A_97 : vector<256x1xf32>
    %add3A_99 = arith.addf %add3A_95, %mul3A_98 : vector<256x1xf32>
    %mul3A_100 = vector.broadcast %squeeze3A : f32 to vector<256x2048xf32>
    %mul3A_101 = arith.mulf %get3A_4, %mul3A_100 : vector<256x2048xf32>
    %sub3A_102 = arith.constant 1.000000e+00 : f32
    %sub3A_103 = arith.subf %squeeze3A_37, %sub3A_102 : f32
    %mul3A_104 = vector.broadcast %sub3A_103 : f32 to vector<256x2048xf32>
    %mul3A_105 = arith.mulf %get3A_1, %mul3A_104 : vector<256x2048xf32>
    %add3A_106 = arith.addf %mul3A_101, %mul3A_105 : vector<256x2048xf32>
    %add3A_107 = vector.broadcast %add3A_99 : vector<256x1xf32> to vector<256x2048xf32>
    %add3A_108 = arith.addf %add3A_106, %add3A_107 : vector<256x2048xf32>
    %jit3A = arith.constant 1.000000e+01 : f32
    %broadcast_in_dim3A_109 = vector.broadcast %jit3A : f32 to vector<256x2048xf32>
    %select_n3A = arith.select %or3A, %add3A_108, %broadcast_in_dim3A_109 : vector<256x2048xi1>, vector<256x2048xf32>
    %swap3A = arith.constant 0 : index
    %swap3A_110 = arith.constant 0 : index
    %swap3A_111 = vector.load %arg8[%swap3A, %swap3A_110] : memref<256x2048xf32, #tpu.memory_space<vmem>>, vector<256x2048xf32>
    tpu.vector_store %arg8[%swap3A, %swap3A_110], %select_n3A {strides = array<i32>} : memref<256x2048xf32, #tpu.memory_space<vmem>>, vector<256x2048xf32>,
    return
  }
  func.func @transform_0(%arg0: i32) -> (i32, i32) {
    %add3A = arith.constant 12 : i32
    %add3A_0 = arith.addi %arg0, %add3A : i32
    %c0_i32 = arith.constant 0 : i32
    %c0_i32_1 = arith.constant 0 : i32
    return %add3A_0, %c0_i32 : i32, i32
  }
  func.func @transform_1(%arg0: i32) -> (i32, i32) {
    %add3A = arith.constant 12 : i32
    %add3A_0 = arith.addi %arg0, %add3A : i32
    %c0_i32 = arith.constant 0 : i32
    %c0_i32_1 = arith.constant 0 : i32
    return %add3A_0, %c0_i32 : i32, i32
  }
  func.func @transform_2(%arg0: i32) -> (i32, i32) {
    %add3A = arith.constant 12 : i32
    %add3A_0 = arith.addi %arg0, %add3A : i32
    %c0_i32 = arith.constant 0 : i32
    %c0_i32_1 = arith.constant 0 : i32
    return %add3A_0, %c0_i32 : i32, i32
  }
  func.func @transform_3(%arg0: i32) -> (i32, i32) {
    %c0_i32 = arith.constant 0 : i32
    %c0_i32_0 = arith.constant 0 : i32
    %c0_i32_1 = arith.constant 0 : i32
    return %c0_i32, %c0_i32_0 : i32, i32
  }
  func.func @transform_4(%arg0: i32) -> (i32, i32) {
    %c0_i32 = arith.constant 0 : i32
    %c0_i32_0 = arith.constant 0 : i32
    %c0_i32_1 = arith.constant 0 : i32
    return %c0_i32, %c0_i32_0 : i32, i32
  }
  func.func @transform_5(%arg0: i32) -> (i32, i32) {
    %c0_i32 = arith.constant 0 : i32
    %c0_i32_0 = arith.constant 0 : i32
    %c0_i32_1 = arith.constant 0 : i32
    return %c0_i32, %c0_i32_0 : i32, i32
  }
  func.func @transform_6(%arg0: i32) -> (i32, i32) {
    %c0_i32 = arith.constant 0 : i32
    %c0_i32_0 = arith.constant 0 : i32
    %c0_i32_1 = arith.constant 0 : i32
    return %c0_i32, %c0_i32_0 : i32, i32
  }
  func.func @transform_7(%arg0: i32) -> (i32, i32) {
    %add3A = arith.constant 12 : i32
    %add3A_0 = arith.addi %arg0, %add3A : i32
    %c0_i32 = arith.constant 0 : i32
    %c0_i32_1 = arith.constant 0 : i32
    return %add3A_0, %c0_i32 : i32, i32
  }
}

module attributes {stable_mosaic.version = 14 : i64} {
  func.func @_tc_body(%arg0: i32, %arg1: memref<256x2048xf32, #tpu.memory_space<vmem>>, %arg2: memref<256x2048xf32, #tpu.memory_space<vmem>>, %arg3: memref<256x2xf32, #tpu.memory_space<vmem>>, %arg4: memref<256x1xi32, #tpu.memory_space<vmem>>, %arg5: memref<256x1xi32, #tpu.memory_space<vmem>>, %arg6: memref<2x128xf32, #tpu.memory_space<vmem>>, %arg7: memref<1x128xf32, #tpu.memory_space<vmem>>, %arg8: memref<1x132xf32, #tpu.memory_space<vmem>>, %arg9: memref<1x1xf32, #tpu.memory_space<vmem>>, %arg10: memref<8x128xf32, #tpu.memory_space<vmem>>, %arg11: memref<256x2048xf32, #tpu.memory_space<vmem>>) attributes {dimension_semantics = [#tpu.dimension_semantics<arbitrary>], iteration_bounds = array<i64: 12>, scalar_prefetch = 0 : i64, scratch_operands = 0 : i64, tpu.core_type = #tpu.core_type<tc>, window_params = [{transform_indices = @transform_0, window_bounds = array<i64: 256, 2048>}, {transform_indices = @transform_1, window_bounds = array<i64: 256, 2048>}, {transform_indices = @transform_2, window_bounds = array<i64: 256, 2>}, {transform_indices = @transform_3, window_bounds = array<i64: 256, 1>}, {transform_indices = @transform_4, window_bounds = array<i64: 256, 1>}, {pipeline_mode = #tpu.pipeline_mode<synchronous>, transform_indices = @transform_5, window_bounds = array<i64: 2, 128>}, {pipeline_mode = #tpu.pipeline_mode<synchronous>, transform_indices = @transform_6, window_bounds = array<i64: 1, 128>}, {pipeline_mode = #tpu.pipeline_mode<synchronous>, transform_indices = @transform_7, window_bounds = array<i64: 1, 132>}, {pipeline_mode = #tpu.pipeline_mode<synchronous>, transform_indices = @transform_8, window_bounds = array<i64: 1, 1>}, {transform_indices = @transform_9, window_bounds = array<i64: 8, 128>}, {transform_indices = @transform_10, window_bounds = array<i64: 256, 2048>}]} {
    %get3A = arith.constant 0 : index
    %get3A_0 = arith.constant 0 : index
    %get3A_1 = vector.load %arg1[%get3A, %get3A_0] : memref<256x2048xf32, #tpu.memory_space<vmem>>, vector<256x2048xf32>
    %get3A_2 = arith.constant 0 : index
    %get3A_3 = arith.constant 0 : index
    %get3A_4 = vector.load %arg2[%get3A_2, %get3A_3] : memref<256x2048xf32, #tpu.memory_space<vmem>>, vector<256x2048xf32>
    %get3A_5 = arith.constant 0 : index
    %get3A_6 = arith.constant 0 : index
    %get3A_7 = vector.load %arg8[%get3A_5, %get3A_6] : memref<1x132xf32, #tpu.memory_space<vmem>>, vector<1x132xf32>
    %get3A_8 = arith.constant 0 : index
    %get3A_9 = arith.constant 0 : index
    %get3A_10 = vector.load %arg6[%get3A_8, %get3A_9] : memref<2x128xf32, #tpu.memory_space<vmem>>, vector<2x128xf32>
    %get3A_11 = arith.constant 0 : index
    %get3A_12 = arith.constant 0 : index
    %get3A_13 = vector.load %arg7[%get3A_11, %get3A_12] : memref<1x128xf32, #tpu.memory_space<vmem>>, vector<1x128xf32>
    %slice3A = vector.extract_strided_slice %get3A_7 {offsets = [0, 2], sizes = [1, 128], strides = [1, 1]} : vector<1x132xf32> to vector<1x128xf32>
    %slice3A_14 = vector.extract_strided_slice %get3A_10 {offsets = [0, 0], sizes = [1, 128], strides = [1, 1]} : vector<2x128xf32> to vector<1x128xf32>
    %mul3A = arith.mulf %slice3A_14, %slice3A : vector<1x128xf32>
    %reduce_sum3A = vector.shape_cast %mul3A : vector<1x128xf32> to vector<1x1x128xf32>
    %reduce_sum3A_15 = arith.constant dense<0.000000e+00> : vector<1xf32>
    %reduce_sum3A_16 = vector.multi_reduction <add>, %reduce_sum3A, %reduce_sum3A_15 [1, 2] : vector<1x1x128xf32> to vector<1xf32>
    %reduce_sum3A_17 = vector.shape_cast %reduce_sum3A_16 : vector<1xf32> to vector<1x1x1xf32>
    %reduce_sum3A_18 = vector.extract %reduce_sum3A_17[0, 0, 0] : f32 from vector<1x1x1xf32>
    %div3A = arith.constant 5.100000e+01 : f32
    %div3A_19 = arith.divf %reduce_sum3A_18, %div3A : f32
    %slice3A_20 = vector.extract_strided_slice %get3A_10 {offsets = [1, 0], sizes = [1, 128], strides = [1, 1]} : vector<2x128xf32> to vector<1x128xf32>
    %mul3A_21 = arith.mulf %slice3A_20, %slice3A : vector<1x128xf32>
    %reduce_sum3A_22 = vector.shape_cast %mul3A_21 : vector<1x128xf32> to vector<1x1x128xf32>
    %reduce_sum3A_23 = arith.constant dense<0.000000e+00> : vector<1xf32>
    %reduce_sum3A_24 = vector.multi_reduction <add>, %reduce_sum3A_22, %reduce_sum3A_23 [1, 2] : vector<1x1x128xf32> to vector<1xf32>
    %reduce_sum3A_25 = vector.shape_cast %reduce_sum3A_24 : vector<1xf32> to vector<1x1x1xf32>
    %reduce_sum3A_26 = vector.extract %reduce_sum3A_25[0, 0, 0] : f32 from vector<1x1x1xf32>
    %div3A_27 = arith.constant 5.100000e+01 : f32
    %div3A_28 = arith.divf %reduce_sum3A_26, %div3A_27 : f32
    %mul3A_29 = arith.mulf %get3A_13, %slice3A : vector<1x128xf32>
    %reduce_sum3A_30 = vector.shape_cast %mul3A_29 : vector<1x128xf32> to vector<1x1x128xf32>
    %reduce_sum3A_31 = arith.constant dense<0.000000e+00> : vector<1xf32>
    %reduce_sum3A_32 = vector.multi_reduction <add>, %reduce_sum3A_30, %reduce_sum3A_31 [1, 2] : vector<1x1x128xf32> to vector<1xf32>
    %reduce_sum3A_33 = vector.shape_cast %reduce_sum3A_32 : vector<1xf32> to vector<1x1x1xf32>
    %reduce_sum3A_34 = vector.extract %reduce_sum3A_33[0, 0, 0] : f32 from vector<1x1x1xf32>
    %slice3A_35 = vector.extract_strided_slice %get3A_7 {offsets = [0, 0], sizes = [1, 1], strides = [1, 1]} : vector<1x132xf32> to vector<1x1xf32>
    %squeeze3A = vector.extract %slice3A_35[0, 0] : f32 from vector<1x1xf32>
    %slice3A_36 = vector.extract_strided_slice %get3A_7 {offsets = [0, 1], sizes = [1, 1], strides = [1, 1]} : vector<1x132xf32> to vector<1x1xf32>
    %squeeze3A_37 = vector.extract %slice3A_36[0, 0] : f32 from vector<1x1xf32>
    %slice3A_38 = vector.extract_strided_slice %get3A_7 {offsets = [0, 130], sizes = [1, 1], strides = [1, 1]} : vector<1x132xf32> to vector<1x1xf32>
    %squeeze3A_39 = vector.extract %slice3A_38[0, 0] : f32 from vector<1x1xf32>
    %slice3A_40 = vector.extract_strided_slice %get3A_7 {offsets = [0, 131], sizes = [1, 1], strides = [1, 1]} : vector<1x132xf32> to vector<1x1xf32>
    %squeeze3A_41 = vector.extract %slice3A_40[0, 0] : f32 from vector<1x1xf32>
    %get3A_42 = arith.constant 0 : index
    %get3A_43 = arith.constant 0 : index
    %get3A_44 = vector.load %arg9[%get3A_42, %get3A_43] : memref<1x1xf32, #tpu.memory_space<vmem>>, vector<1x1xf32>
    %get3A_45 = vector.extract %get3A_44[0, 0] : f32 from vector<1x1xf32>
    %get3A_46 = arith.constant 0 : index
    %get3A_47 = arith.constant 0 : index
    %get3A_48 = vector.load %arg4[%get3A_46, %get3A_47] : memref<256x1xi32, #tpu.memory_space<vmem>>, vector<256x1xi32>
    %bitcast_convert_type3A = tpu.bitcast %get3A_48 : vector<256x1xi32> -> vector<256x1xf32>
    %get3A_49 = arith.constant 0 : index
    %get3A_50 = arith.constant 0 : index
    %get3A_51 = vector.load %arg5[%get3A_49, %get3A_50] : memref<256x1xi32, #tpu.memory_space<vmem>>, vector<256x1xi32>
    %iota3A = tpu.iota {dimensions = array<i32: 1>} : vector<256x2048xi32>
    %lt3A = vector.broadcast %bitcast_convert_type3A : vector<256x1xf32> to vector<256x2048xf32>
    %lt3A_52 = arith.cmpf olt, %get3A_1, %lt3A : vector<256x2048xf32>
    %eq3A = vector.broadcast %bitcast_convert_type3A : vector<256x1xf32> to vector<256x2048xf32>
    %eq3A_53 = arith.cmpf oeq, %get3A_1, %eq3A : vector<256x2048xf32>
    %le3A = vector.broadcast %get3A_51 : vector<256x1xi32> to vector<256x2048xi32>
    %le3A_54 = arith.cmpi sle, %iota3A, %le3A : vector<256x2048xi32>
    %and3A = arith.andi %eq3A_53, %le3A_54 : vector<256x2048xi1>
    %or3A = arith.ori %lt3A_52, %and3A : vector<256x2048xi1>
    %get3A_55 = arith.constant 0 : index
    %get3A_56 = arith.constant 0 : index
    %get3A_57 = vector.load %arg3[%get3A_55, %get3A_56] : memref<256x2xf32, #tpu.memory_space<vmem>>, vector<256x2xf32>
    %convert_element_type3A = arith.extui %or3A : vector<256x2048xi1> to vector<256x2048xi32>
    %convert_element_type3A_58 = arith.sitofp %convert_element_type3A : vector<256x2048xi32> to vector<256x2048xf32>
    %mul3A_59 = arith.mulf %get3A_4, %convert_element_type3A_58 : vector<256x2048xf32>
    %reduce_sum3A_60 = arith.constant dense<0.000000e+00> : vector<256xf32>
    %reduce_sum3A_61 = vector.multi_reduction <add>, %mul3A_59, %reduce_sum3A_60 [1] : vector<256x2048xf32> to vector<256xf32>
    %broadcast_in_dim3A = vector.shape_cast %reduce_sum3A_61 : vector<256xf32> to vector<256x1xf32>
    %mul3A_62 = arith.mulf %get3A_1, %convert_element_type3A_58 : vector<256x2048xf32>
    %reduce_sum3A_63 = arith.constant dense<0.000000e+00> : vector<256xf32>
    %reduce_sum3A_64 = vector.multi_reduction <add>, %mul3A_62, %reduce_sum3A_63 [1] : vector<256x2048xf32> to vector<256xf32>
    %broadcast_in_dim3A_65 = vector.shape_cast %reduce_sum3A_64 : vector<256xf32> to vector<256x1xf32>
    %mul3A_66 = vector.broadcast %div3A_19 : f32 to vector<256x1xf32>
    %mul3A_67 = arith.mulf %broadcast_in_dim3A, %mul3A_66 : vector<256x1xf32>
    %mul3A_68 = vector.broadcast %div3A_28 : f32 to vector<256x1xf32>
    %mul3A_69 = arith.mulf %broadcast_in_dim3A_65, %mul3A_68 : vector<256x1xf32>
    %add3A = arith.addf %mul3A_67, %mul3A_69 : vector<256x1xf32>
    %add3A_70 = vector.broadcast %reduce_sum3A_34 : f32 to vector<256x1xf32>
    %add3A_71 = arith.addf %add3A, %add3A_70 : vector<256x1xf32>
    %add3A_72 = vector.broadcast %get3A_45 : f32 to vector<256x1xf32>
    %add3A_73 = arith.addf %add3A_71, %add3A_72 : vector<256x1xf32>
    %slice3A_74 = vector.extract_strided_slice %get3A_57 {offsets = [0, 0], sizes = [256, 1], strides = [1, 1]} : vector<256x2xf32> to vector<256x1xf32>
    %mul3A_75 = vector.broadcast %squeeze3A_39 : f32 to vector<256x1xf32>
    %mul3A_76 = arith.mulf %slice3A_74, %mul3A_75 : vector<256x1xf32>
    %add3A_77 = arith.addf %add3A_73, %mul3A_76 : vector<256x1xf32>
    %slice3A_78 = vector.extract_strided_slice %get3A_57 {offsets = [0, 1], sizes = [256, 1], strides = [1, 1]} : vector<256x2xf32> to vector<256x1xf32>
    %mul3A_79 = vector.broadcast %squeeze3A_41 : f32 to vector<256x1xf32>
    %mul3A_80 = arith.mulf %slice3A_78, %mul3A_79 : vector<256x1xf32>
    %add3A_81 = arith.addf %add3A_77, %mul3A_80 : vector<256x1xf32>
    %mul3A_82 = vector.broadcast %squeeze3A : f32 to vector<256x2048xf32>
    %mul3A_83 = arith.mulf %get3A_4, %mul3A_82 : vector<256x2048xf32>
    %sub3A = arith.constant 1.000000e+00 : f32
    %sub3A_84 = arith.subf %squeeze3A_37, %sub3A : f32
    %mul3A_85 = vector.broadcast %sub3A_84 : f32 to vector<256x2048xf32>
    %mul3A_86 = arith.mulf %get3A_1, %mul3A_85 : vector<256x2048xf32>
    %add3A_87 = arith.addf %mul3A_83, %mul3A_86 : vector<256x2048xf32>
    %add3A_88 = vector.broadcast %add3A_81 : vector<256x1xf32> to vector<256x2048xf32>
    %add3A_89 = arith.addf %add3A_87, %add3A_88 : vector<256x2048xf32>
    %jit3A = arith.constant 1.000000e+01 : f32
    %broadcast_in_dim3A_90 = vector.broadcast %jit3A : f32 to vector<256x2048xf32>
    %select_n3A = arith.select %or3A, %add3A_89, %broadcast_in_dim3A_90 : vector<256x2048xi1>, vector<256x2048xf32>
    %swap3A = arith.constant 0 : index
    %swap3A_91 = arith.constant 0 : index
    %swap3A_92 = vector.load %arg11[%swap3A, %swap3A_91] : memref<256x2048xf32, #tpu.memory_space<vmem>>, vector<256x2048xf32>
    tpu.vector_store %arg11[%swap3A, %swap3A_91], %select_n3A {strides = array<i32>} : memref<256x2048xf32, #tpu.memory_space<vmem>>, vector<256x2048xf32>,
    return
  }
  func.func @transform_0(%arg0: i32) -> (i32, i32) {
    %c0_i32 = arith.constant 0 : i32
    %c0_i32_0 = arith.constant 0 : i32
    return %arg0, %c0_i32 : i32, i32
  }
  func.func @transform_1(%arg0: i32) -> (i32, i32) {
    %c0_i32 = arith.constant 0 : i32
    %c0_i32_0 = arith.constant 0 : i32
    return %arg0, %c0_i32 : i32, i32
  }
  func.func @transform_2(%arg0: i32) -> (i32, i32) {
    %c0_i32 = arith.constant 0 : i32
    %c0_i32_0 = arith.constant 0 : i32
    return %arg0, %c0_i32 : i32, i32
  }
  func.func @transform_3(%arg0: i32) -> (i32, i32) {
    %c0_i32 = arith.constant 0 : i32
    %c0_i32_0 = arith.constant 0 : i32
    return %arg0, %c0_i32 : i32, i32
  }
  func.func @transform_4(%arg0: i32) -> (i32, i32) {
    %c0_i32 = arith.constant 0 : i32
    %c0_i32_0 = arith.constant 0 : i32
    return %arg0, %c0_i32 : i32, i32
  }
  func.func @transform_5(%arg0: i32) -> (i32, i32) {
    %c0_i32 = arith.constant 0 : i32
    %c0_i32_0 = arith.constant 0 : i32
    %c0_i32_1 = arith.constant 0 : i32
    return %c0_i32, %c0_i32_0 : i32, i32
  }
  func.func @transform_6(%arg0: i32) -> (i32, i32) {
    %c0_i32 = arith.constant 0 : i32
    %c0_i32_0 = arith.constant 0 : i32
    %c0_i32_1 = arith.constant 0 : i32
    return %c0_i32, %c0_i32_0 : i32, i32
  }
  func.func @transform_7(%arg0: i32) -> (i32, i32) {
    %c0_i32 = arith.constant 0 : i32
    %c0_i32_0 = arith.constant 0 : i32
    %c0_i32_1 = arith.constant 0 : i32
    return %c0_i32, %c0_i32_0 : i32, i32
  }
  func.func @transform_8(%arg0: i32) -> (i32, i32) {
    %c0_i32 = arith.constant 0 : i32
    %c0_i32_0 = arith.constant 0 : i32
    %c0_i32_1 = arith.constant 0 : i32
    return %c0_i32, %c0_i32_0 : i32, i32
  }
  func.func @transform_9(%arg0: i32) -> (i32, i32) {
    %c0_i32 = arith.constant 0 : i32
    %c0_i32_0 = arith.constant 0 : i32
    %c0_i32_1 = arith.constant 0 : i32
    return %c0_i32, %c0_i32_0 : i32, i32
  }
  func.func @transform_10(%arg0: i32) -> (i32, i32) {
    %c0_i32 = arith.constant 0 : i32
    %c0_i32_0 = arith.constant 0 : i32
    return %arg0, %c0_i32 : i32, i32
  }
}

</mosaic_0001>

<sc_bundles>
// kernel: kernel.5.cloned.1.call-start
scs
__scs_entry_jumppad:
0x0: {  	(pc) =	sbr.rel $0x88, $3  }
0x1: {  	(tag) =	ssettag $0x0;
	lr =	simm.s32 $0x1  }
0x2: {  	[smem:$0x3F9A] =	sst lr;
	_ =	strace $0xD0000000  }
0x3: {  	_ = 	snop  }
0x4: {  	_ = 	snop  }
0x5: {  	_ = 	snop  }
0x6: {  	_ = 	snop  }
0x7: {  	_ = 	snop  }
__scs_overlays_trampoline_lowered:
0x8: {  	[smem:$0x3FA9] =	sst s0  }
0x9: {  	[smem:$0x3FAA] =	sst s1  }
0xa: {  	[smem:$0x3FAB] =	sst s2  }
0xb: {  	[smem:$0x3FAC] =	sst s3  }
0xc: {  	[smem:$0x3FAD] =	sst s4  }
0xd: {  	[smem:$0x3FAE] =	sst s5  }
0xe: {  	[smem:$0x3FAF] =	sst s6  }
0xf: {  	[smem:$0x3FB0] =	sst s7  }
0x10: {  	[smem:$0x3FB1] =	sst s8  }
0x11: {  	[smem:$0x3FB2] =	sst s9;
	s0 =	simm.s32 @!p0 $0x0  }
0x12: {  	s1 =	sld [smem:$0x3F98];
	s0 =	simm.s32 @p0 $0x1  }
0x13: {  	[smem:$0x3FB3] =	sst s0;
	s0 =	simm.s32 @!p1 $0x0  }
0x14: {  	s2 =	sld [smem:$0x3F97];
	s0 =	simm.s32 @p1 $0x1  }
0x15: {  	[smem:$0x3FB4] =	sst s0;
	s0 =	simm.s32 @!p2 $0x0  }
0x16: {  	s3 =	sld [smem:$0x3FDB];
	s0 =	simm.s32 @p2 $0x1  }
0x17: {  	s4 =	simm.s32 $0x1BF5;
	[smem:$0x3FB6] =	sst s0  }
0x18: {  	s0 =	sld [smem:$0x3F99];
	_ =	swait.ge [sflag:s4], $0x0  }
0x19: {  	s7 =	sld [smem:$0x3F9A]  }
0x1a: {  	s8 =	sadd.s32 $0xFFFFE003, lr  }
0x1b: {  	s9 =	sadd.s32 $0xFFFFFEF7, lr;
	s5 =	simm.s32 $0xFFFFFFFF;
	p2 =	slt.u32 s8, $0xFFFFF086  }
0x1c: {  	p1 =	slt.u32 s9, $0xF7A;
	s5 =	simm.s32 @!p2 $0x0  }
0x1d: {  	s5 =	simm.s32 @p1 $0x1;
	p0 =	seq.s32 s7, s2  }
0x1e: {  	s7 =	smul.u32 @!p0 $0xF7A, s2;
	p2 =	seq.s32 @!p0 s5, $0x0  }
0x1f: {  	s9 =	smul.u32 $0xF7A, s1;
	s8 =	simm.s32 @!p0 $0x1BF5;
	p2 =	por !p2, p0  }
0x20: {  	[sflag:s8] =	ssyncset.s32 @!p0 $0xFFFFF086;
	s6 =	sadd.s32 @!p0 s3, s7;
	s7 =	simm.s32 @!p0 $0x108  }
0x21: {  	s3 =	sadd.s32 s3, s9;
	s6 =	sadd.s32 @!p0 $0x88, s6;
	s7 =	simm.s32 @p2 $0x1082  }
0x22: {  	[simem:s7], [sflag:s8] =	dma.local @!p0 [hbm:s6], $0xF7A  }
0x23: {  	s9 =	sor.u32 $0xD0000000, s2;
	s6 =	simm.s32 $0x108;
	_ =	swait.ge @!p0 [sflag:s8], $0x0  }
0x24: {  	s3 =	sadd.s32 $0x88, s3;
	s6 =	simm.s32 @!p1 $0x1082;
	[sflag:s4] =	ssyncset.s32 $0xFFFFF086  }
0x25: {  	[simem:s6], [sflag:s4] =	dma.local [hbm:s3], $0xF7A  }
0x26: {  	[smem:$0x3F9A] =	sst s1;
	(tag) =	ssettag s2;
	_ =	strace s9  }
0x27: {  	s1 =	sld [smem:$0x3FAA]  }
0x28: {  	s2 =	sld [smem:$0x3FAB]  }
0x29: {  	s4 =	sld [smem:$0x3FAD]  }
0x2a: {  	p0 =	seq.s32 s5, $0x0;
	s5 =	sld [smem:$0x3FAE]  }
0x2b: {  	s6 =	sld [smem:$0x3FAF]  }
0x2c: {  	s7 =	sld [smem:$0x3FB0]  }
0x2d: {  	s3 =	simm.s32 $0x108;
	s8 =	sld [smem:$0x3FB1]  }
0x2e: {  	s3 =	simm.s32 @!p0 $0x1082;
	s9 =	sld [smem:$0x3FB2]  }
0x2f: {  	lr =	sadd.s32 s0, s3;
	s0 =	sld [smem:$0x3FA9]  }
0x30: {  	s3 =	sld [smem:$0x3FAC]  }
0x31: {  	[smem:$0x3FB5] =	sst s10  }
0x32: {  	s10 =	sld [smem:$0x3FB3];
	_ =	sdelay $0x3  }
0x33: {  	p0 =	seq.s32 s10, $0x1;
	s10 =	sld [smem:$0x3FB5];
	_ =	sdelay $0x3  }
0x34: {  	[smem:$0x3FB5] =	sst s10  }
0x35: {  	s10 =	sld [smem:$0x3FB4];
	_ =	sdelay $0x3  }
0x36: {  	p1 =	seq.s32 s10, $0x1;
	s10 =	sld [smem:$0x3FB5];
	_ =	sdelay $0x3  }
0x37: {  	[smem:$0x3FB5] =	sst s10  }
0x38: {  	s10 =	sld [smem:$0x3FB6]  }
0x39: {  	_ = 	snop;
	(pc) =	sbr.ind lr, $3  }
0x3a: {  	_ = 	snop  }
0x3b: {  	_ = 	snop  }
0x3c: {  	p2 =	seq.s32 s10, $0x1;
	s10 =	sld [smem:$0x3FB5]  }
0x3d: {  	_ =	shalt  }
0x3e: {  	_ =	shalt  }
0x3f: {  	_ =	shalt  }
0x40: {  	_ =	shalt  }
0x41: {  	_ =	shalt  }
0x42: {  	_ =	shalt  }
0x43: {  	_ =	shalt  }
0x44: {  	_ =	shalt  }
0x45: {  	_ =	shalt  }
0x46: {  	_ =	shalt  }
0x47: {  	_ =	shalt  }
0x48: {  	_ =	shalt  }
0x49: {  	_ =	shalt  }
0x4a: {  	_ =	shalt  }
0x4b: {  	_ =	shalt  }
0x4c: {  	_ =	shalt  }
0x4d: {  	_ =	shalt  }
0x4e: {  	_ =	shalt  }
0x4f: {  	_ =	shalt  }
0x50: {  	_ =	shalt  }
0x51: {  	_ =	shalt  }
0x52: {  	_ =	shalt  }
0x53: {  	_ =	shalt  }
0x54: {  	_ =	shalt  }
0x55: {  	_ =	shalt  }
0x56: {  	_ =	shalt  }
0x57: {  	_ =	shalt  }
0x58: {  	_ =	shalt  }
0x59: {  	_ =	shalt  }
0x5a: {  	_ =	shalt  }
0x5b: {  	_ =	shalt  }
0x5c: {  	_ =	shalt  }
0x5d: {  	_ =	shalt  }
0x5e: {  	_ =	shalt  }
0x5f: {  	_ =	shalt  }
0x60: {  	_ =	shalt  }
0x61: {  	_ =	shalt  }
0x62: {  	_ =	shalt  }
0x63: {  	_ =	shalt  }
0x64: {  	_ =	shalt  }
0x65: {  	_ =	shalt  }
0x66: {  	_ =	shalt  }
0x67: {  	_ =	shalt  }
0x68: {  	_ =	shalt  }
0x69: {  	_ =	shalt  }
0x6a: {  	_ =	shalt  }
0x6b: {  	_ =	shalt  }
0x6c: {  	_ =	shalt  }
0x6d: {  	_ =	shalt  }
0x6e: {  	_ =	shalt  }
0x6f: {  	_ =	shalt  }
0x70: {  	_ =	shalt  }
0x71: {  	_ =	shalt  }
0x72: {  	_ =	shalt  }
0x73: {  	_ =	shalt  }
0x74: {  	_ =	shalt  }
0x75: {  	_ =	shalt  }
0x76: {  	_ =	shalt  }
0x77: {  	_ =	shalt  }
0x78: {  	_ =	shalt  }
0x79: {  	_ =	shalt  }
0x7a: {  	_ =	shalt  }
0x7b: {  	_ =	shalt  }
0x7c: {  	_ =	shalt  }
0x7d: {  	_ =	shalt  }
0x7e: {  	_ =	shalt  }
0x7f: {  	_ =	shalt  }
0x80: {  	_ =	shalt  }
0x81: {  	_ =	shalt  }
0x82: {  	_ =	shalt  }
0x83: {  	_ =	shalt  }
0x84: {  	_ =	shalt  }
0x85: {  	_ =	shalt  }
0x86: {  	_ =	shalt  }
0x87: {  	_ =	shalt  }
.Lfunc_end0:
.L_simem_size_0:
called_computation_lowered:
.L_overlay_start_0:
0x88: {  	s2 =	sld [smem:$0x3FD9]  }
0x89: {  	s3 =	sld [smem:$0x3FFE];
	_ =	sdelay $0x1  }
0x8a: {  	s1 =	srdreg.scid  }
0x8b: {  	s0 =	sand.u32 $0x1, s1  }
0x8c: {  	s16 =	sshll.u32 s0, $0xA;
	s2 =	sadd.s32 s3, s2  }
0x8d: {  	s2 =	sadd.s32 s2, s16  }
0x8e: {  	[smem:$0x3FC1] =	sst s2  }
0x8f: {  	_ = 	snop  }
0x90: {  	(tm) =	ssettm $0x1  }
0x91: {  	s17 =	sld [smem:$0x3FFB];
	_ =	sdelay $0x3  }
0x92: {  	_ =	strace s17  }
0x93: {  	s2 =	sld [smem:$0x3FFC];
	_ =	sdelay $0x3  }
0x94: {  	_ =	strace s2  }
0x95: {  	s2 =	sld [smem:$0x3FFD];
	_ =	sdelay $0x3  }
0x96: {  	_ =	strace s2  }
0x97: {  	_ =	strace $0x8FFFFFFF  }
0x98: {  	s18 =	sld [smem:$0x3FDB];
	_ =	sdelay $0x1  }
0x99: {  	s19 =	simm.s32 $_scs_section_size  }
0x9a: {  	s4 =	simm.s32 $_size__tile_overlayer_lowered;
	s5 =	simm.s32 $_tile_overlayer_lowered  }
0x9b: {  	s22 =	simm.s32 $0x1BFF;
	s21 =	sshll.u32 s5, $0x1;
	s2 =	sadd.s32 s19, s18  }
0x9c: {  	s6 =	simm.s32 $0x0;
	s20 =	sshll.u32 s4, $0x1;
	s4 =	sadd.s32 s21, s2  }
0x9d: {  	[timem:s6], [sflag:s22] =	dma.local [hbm:s4], s20  }
0x9e: {  	_ =	swait.ge [sflag:s22], s20  }
0x9f: {  	s3 =	ssub.s32 $0x0, s20;
	[sflag:s22] =	ssyncset.done $0x0  }
0xa0: {  	[sflag:s22] =	ssyncadd.s32 s3;
	_ =	sdelay $0x1  }
0xa1: {  	s23 =	simm.s32 $0x1B8B  }
0xa2: {  	_ =	swait.ge [sflag:s23], $0x1  }
0xa3: {  	[sflag:s23] =	ssyncset.done $0x0  }
0xa4: {  	s25 =	simm.s32 $0x1B8E;
	s24 =	sld [smem:$0x3FFE];
	[sflag:s23] =	ssyncadd.s32 $0xFFFFFFFF  }
0xa5: {  	s26 =	simm.s32 $execute0_lowered;
	[smem:$0x3FD2] =	sst s25  }
0xa6: {  	s4 =	sshll.u32 s26, $0x1;
	_ =	strace $0x80000046;
	[dreg:$0x1] =	wrdreg $0xFFFFFFFF  }
0xa7: {  	s28 =	simm.s32 $_size_execute0_lowered;
	s2 =	sadd.s32 s2, s4;
	[dreg:$0x0] =	wrdreg $0x0  }
0xa8: {  	s4 =	sshll.u32 s28, $0x1;
	[dreg:$0x2] =	wrdreg s2  }
0xa9: {  	[dreg:$0x3] =	wrdreg s4  }
0xaa: {  	[dreg:$0x4] =	wrdreg $0xC0  }
0xab: {  	_ =	task [dreg:s6], $0x5FFFF  }
0xac: {  	[dreg:$0x1] =	wrdreg $0xFFFFFFFF  }
0xad: {  	[dreg:$0x0] =	wrdreg $0x60  }
0xae: {  	[dreg:$0x2] =	wrdreg s24  }
0xaf: {  	[dreg:$0x3] =	wrdreg $0x9  }
0xb0: {  	_ =	task.clear_ibuf [dreg:s6], $0x4FFFF;
	_ =	strace $0x90000046  }
0xb1: {  	s29 =	simm.s32 $0x9;
	_ =	strace $0x80000048  }
0xb2: {  	_ =	swait.ge [sflag:s29], $0x1  }
0xb3: {  	[sflag:s29] =	ssyncadd.s32 $0xFFFFFFFF  }
0xb4: {  	_ =	strace $0x90000048  }
0xb5: {  	_ =	sfence  }
0xb6: {  	s30 =	sld [smem:$0x0];
	_ =	sdelay $0x2  }
0xb7: {  	s31 =	sshll.u32 s1, $0xD;
	s1 =	sshrl.u32 s1, $0x2  }
0xb8: {  	s3 =	sand.u32 $0x4000, s31;
	s1 =	sadd.s32 s1, s30  }
0xb9: {  	s0 =	sor.u32 s3, s0;
	s1 =	sshll.u32 s1, $0x11  }
0xba: {  	s0 =	sor.u32 s1, s0  }
0xbb: {  	s0 =	sadd.s32 $0x8F2B, s0  }
0xbc: {  	[sflag:s0] =	ssyncadd.remote.s32 $0x1  }
0xbd: {  	_ =	sfence.sel $0xFFFF  }
0xbe: {  	[dreg:$0x0] =	wrdreg $0xFFFFFFFF;
	(pc) =	sbr.abs _section_cstart, $3  }
0xbf: {  	[dreg:$0x1] =	wrdreg $0xFFFFFFFF  }
0xc0: {  	_ =	task.clear_ibuf [dreg:s6], $0x2FFFF;
	_ =	strace $0x9FFFFFFF  }
0xc1: {  	(tm) =	ssettm $0x7FFFFFFF  }
tec
execute0_lowered:
.L_overlay_start_1:
0x0: {  	(tag) =	ssettag $0x1  }
0x1: {  	s1 =	srdreg.scid  }
0x2: {  	s0 =	stileid.u32;
	s5 =	rddreg [dreg:$0x0];
	s3 =	simm.s32 $0x0  }
0x3: {  	s9 =	simm.s32 $0x8000;
	s4 =	sand.u32 $0x1, s1;
	s31 =	sshll.u32 s0, $0x1  }
0x4: {  	s10 =	simm.s32 $0xC000;
	s11 =	simm.s32 $0x14000;
	s1 =	sor.u32 s4, s31  }
0x5: {  	v0 =	vlaneseq.u32;
	s12 =	simm.s32 $0x1C000;
	s13 =	simm.s32 $0x1C060;
	s2 =	smul.u32 $0x60, s1  }
.Ltmp0:
0x6: {  	v2 =	vimm.s32 $0x0;
	v3 =	vimm.s32 $0x1;
	s14 =	simm.s32 $0x0;
	[smem:$0x7FF] =	sst s3;
	v1 =	vmul.u32 $0x800, v0;
	(pc) =	sbr.rel .LBB2_1-.Ltmp0, $4  }
0x7: {  	vm0 =	vmxor vm0, vm0;
	v5 =	vor.u32 $0x1000, v0;
	v6 =	vand.u32 $0x7, v0;
	s7 =	ssub.s32 $0x2, s4;
	s4 =	sadd.s32 $0x1200, s5;
	s1 =	rddreg [dreg:$0x1]  }
0x8: {  	v8 =	vor.u32 $0x2000, v0;
	v10 =	vor.u32 $0x3000, v0;
	_ =	strace $0x80000047;
	s8 =	sshrl.u32 s7, $0x1;
	v4 =	vor.u32 $0x1, v1;
	s6 =	sshrl.u32 s2, $0x3  }
0x9: {  	v7 =	vor.u32 $0x2, v1;
	v9 =	vor.u32 $0x3, v1;
	v11 =	vor.u32 $0x4, v1;
	s7 =	ssub.s32 s7, s8;
	s8 =	simm.s32 $0x1;
	s6 =	sadd.s32 s6, s5  }
0xa: {  	v12 =	vor.u32 $0x5, v1;
	v13 =	vor.u32 $0x6, v1;
	v14 =	vor.u32 $0x7, v1;
	s7 =	smax.u32 s7, $0x1;
	s5 =	sadd.s32 $0xC1400, s6;
	s6 =	sadd.s32 $0xC1200, s6  }
.LBB2_44:
0xb: {  	[hbm4b:s5+s3] =	stream.linear.scatter [tilespmem:s12], [sflag:$0x1], $0x60, $0x38;
	[tilespmem:$0x1C0C0] =	vst v63  }
0xc: {  	s14 =	sadd.s32 $0x1, s14;
	_ =	swait.ge [sflag:s8], $0x60  }
0xd: {  	p0 =	sne.s32 s14, s7;
	[sflag:s8] =	ssyncset.done $0x0  }
.Ltmp1:
0xe: {  	[sflag:s8] =	ssyncadd.s32 $0xFFFFFFA0;
	(pc) =	sbr.rel @!p0 .LBB2_45-.Ltmp1, $4  }
0xf: {  	[hbm4b:s6+s3] =	stream.linear.scatter [tilespmem:s13], [sflag:$0x1], $0x60, $0x38;
	[tilespmem:$0x1C0C0] =	vst v63  }
0x10: {  	_ =	swait.ge [sflag:s8], $0x60  }
0x11: {  	[sflag:s8] =	ssyncset.done $0x0  }
0x12: {  	[sflag:s8] =	ssyncadd.s32 $0xFFFFFFA0  }
.LBB2_1:
.Ltmp2:
0x13: {  	(pc) =	sbr.rel .LBB2_2-.Ltmp2, $2  }
0x14: {  	_ =	sdelay $0x2  }
0x15: {  	s15 =	simm.s32 $0x0  }
.LBB2_43:
0x16: {  	s15 =	sadd.s32 $0x1, s15  }
0x17: {  	p0 =	sne.s32 s15, $0x6  }
.Ltmp3:
0x18: {  	_ = 	snop;
	(pc) =	sbr.rel @!p0 .LBB2_44-.Ltmp3, $3  }
0x19: {  	_ =	sdelay $0x1  }
0x1a: {  	[tilespmem:s16+$0x1C000] =	vst v16  }
0x1b: {  	[tilespmem:s16+$0x1C060] =	vst v18  }
.LBB2_2:
0x1c: {  	s16 =	sshll.u32 s15, $0x4  }
0x1d: {  	s17 =	sadd.s32 s2, s16  }
0x1e: {  	s17 =	sshll.u32 s17, $0x8  }
0x1f: {  	s17 =	sadd.s32 s4, s17  }
0x20: {  	[tilespmem:s3], [sflag:$0x1] =	stream.linear.gather [hbm4b:s17+s3], $0x8000, $0x38;
	[tilespmem:$0x1C0C0] =	vst v63  }
0x21: {  	_ =	swait.ge [sflag:s8], $0x8000  }
0x22: {  	[sflag:s8] =	ssyncset.done $0x0  }
0x23: {  	s17 =	simm.s32 $0x8040;
	[sflag:s8] =	ssyncadd.s32 $0xFFFF8000  }
0x24: {  	[tilespmem:s17+$0xFFFFFFC0] =	vst v2  }
0x25: {  	[tilespmem:s17+$0x30] =	vst v2  }
0x26: {  	[tilespmem:s17+$0x20] =	vst v2  }
0x27: {  	[tilespmem:s17+$0x10] =	vst v2  }
0x28: {  	[tilespmem:s17+$0x0] =	vst v2  }
0x29: {  	[tilespmem:s17+$0xFFFFFFF0] =	vst v2  }
0x2a: {  	s18 =	simm.s32 $0x0;
	[tilespmem:s17+$0xFFFFFFE0] =	vst v2  }
.LBB2_3:
0x2b: {  	s18 =	sadd.s32 $0x8, s18;
	[tilespmem:s17+$0xFFFFFFD0] =	vst v2;
	s17 =	sadd.s32 $0x80, s17  }
0x2c: {  	[tilespmem:s17+$0xFFFFFFC0] =	vst v2;
	p0 =	slt.u32 s18, $0x3F8  }
0x2d: {  	[tilespmem:s17+$0x30] =	vst v2  }
.Ltmp4:
0x2e: {  	[tilespmem:s17+$0x20] =	vst v2;
	(pc) =	sbr.rel @p0 .LBB2_3-.Ltmp4, $4  }
0x2f: {  	[tilespmem:s17+$0x10] =	vst v2  }
0x30: {  	[tilespmem:s17+$0x0] =	vst v2  }
0x31: {  	[tilespmem:s17+$0xFFFFFFF0] =	vst v2  }
0x32: {  	[tilespmem:s17+$0xFFFFFFE0] =	vst v2  }
0x33: {  	s18 =	simm.s32 $0x0  }
0x34: {  	v15 =	vmov s18  }
0x35: {  	v15 =	vshrl.u32 v15, $0x3  }
0x36: {  	v15 =	vshll.u32 v15, $0x3  }
0x37: {  	v22 =	vbroadcast v15, $0x0;
	_ =	sdelay $0x1  }
0x38: {  	v15 =	vor.u32 v1, v22;
	_ =	sdelay $0x3  }
0x39: {  	[tilespmem:s17+$0xFFFFFFD0] =	vst v2;
	s17 =	simm.s32 $0x0  }
0x3a: {  	s24 =	simm.s32 $0x8;
	v16 =	vld.idx.msk [tilespmem:v15+s17+$0x0], $0xffff  }
0x3b: {  	v15 =	vmov s24  }
0x3c: {  	v15 =	vshrl.u32 v15, $0x3  }
0x3d: {  	v15 =	vshll.u32 v15, $0x3  }
0x3e: {  	v15 =	vbroadcast v15, $0x0  }
0x3f: {  	v16 =	vshrl.u32 v16, $0x12  }
0x40: {  	v17 =	vor.u32 v1, v15;
	v16 =	vand.u32 $0x3FF0, v16  }
0x41: {  	v16 =	vor.u32 v0, v16  }
0x42: {  	v18 =	vor.u32 v4, v22;
	_ =	sdelay $0x2  }
0x43: {  	s25 =	simm.s32 $0x10;
	v17 =	vld.idx.msk [tilespmem:v17+s17+$0x0], $0xffff  }
0x44: {  	[tilespmem:v16+s9+$0x0] =	vst.idx.add.s32.msk $0xffff, v3;
	v16 =	vmov s25  }
0x45: {  	v18 =	vld.idx.msk [tilespmem:v18+s17+$0x0], $0xffff;
	v16 =	vshrl.u32 v16, $0x3  }
0x46: {  	v16 =	vshll.u32 v16, $0x3  }
0x47: {  	v16 =	vbroadcast v16, $0x0  }
0x48: {  	v17 =	vshrl.u32 v17, $0x12  }
0x49: {  	v17 =	vand.u32 $0x3FF0, v17;
	v19 =	vor.u32 v1, v16  }
0x4a: {  	v17 =	vor.u32 v0, v17;
	v18 =	vshrl.u32 v18, $0x12  }
0x4b: {  	v20 =	vor.u32 v4, v15;
	v18 =	vand.u32 $0x3FF0, v18  }
0x4c: {  	v18 =	vadd.s32 v5, v18  }
0x4d: {  	v18 =	vand.u32 $0x7FF8, v18  }
0x4e: {  	v18 =	vor.u32 v6, v18;
	v19 =	vld.idx.msk [tilespmem:v19+s17+$0x0], $0xffff  }
0x4f: {  	v21 =	vor.u32 v7, v22;
	[tilespmem:v17+s9+$0x0] =	vst.idx.add.s32.msk $0xffff, v3  }
0x50: {  	s26 =	simm.s32 $0x18;
	v20 =	vld.idx.msk [tilespmem:v20+s17+$0x0], $0xffff  }
0x51: {  	v17 =	vmov s26  }
0x52: {  	v17 =	vshrl.u32 v17, $0x3  }
0x53: {  	v17 =	vshll.u32 v17, $0x3;
	[tilespmem:v18+s9+$0x0] =	vst.idx.add.s32.msk $0xffff, v3  }
0x54: {  	v17 =	vbroadcast v17, $0x0;
	v18 =	vld.idx.msk [tilespmem:v21+s17+$0x0], $0xffff  }
0x55: {  	v19 =	vshrl.u32 v19, $0x12;
	v20 =	vshrl.u32 v20, $0x12  }
0x56: {  	v21 =	vor.u32 v1, v17;
	v19 =	vand.u32 $0x3FF0, v19;
	v20 =	vand.u32 $0x3FF0, v20  }
0x57: {  	v19 =	vor.u32 v0, v19;
	v20 =	vadd.s32 v5, v20  }
0x58: {  	v23 =	vor.u32 v4, v16;
	v20 =	vand.u32 $0x7FF8, v20  }
0x59: {  	v20 =	vor.u32 v6, v20;
	v18 =	vshrl.u32 v18, $0x12  }
0x5a: {  	v24 =	vor.u32 v7, v15;
	v18 =	vand.u32 $0x3FF0, v18  }
0x5b: {  	v21 =	vld.idx.msk [tilespmem:v21+s17+$0x0], $0xffff;
	v18 =	vadd.s32 v8, v18  }
0x5c: {  	[tilespmem:v19+s9+$0x0] =	vst.idx.add.s32.msk $0xffff, v3;
	v18 =	vand.u32 $0x7FF8, v18  }
0x5d: {  	s28 =	simm.s32 $0x20;
	v23 =	vld.idx.msk [tilespmem:v23+s17+$0x0], $0xffff;
	v19 =	vor.u32 v6, v18  }
0x5e: {  	v25 =	vor.u32 v9, v22;
	[tilespmem:v20+s9+$0x0] =	vst.idx.add.s32.msk $0xffff, v3;
	v18 =	vmov s28  }
0x5f: {  	v20 =	vld.idx.msk [tilespmem:v24+s17+$0x0], $0xffff;
	v18 =	vshrl.u32 v18, $0x3  }
0x60: {  	v18 =	vshll.u32 v18, $0x3  }
0x61: {  	v18 =	vbroadcast v18, $0x0  }
0x62: {  	[tilespmem:v19+s9+$0x0] =	vst.idx.add.s32.msk $0xffff, v3;
	v19 =	vshrl.u32 v21, $0x12;
	v21 =	vshrl.u32 v23, $0x12  }
0x63: {  	v24 =	vor.u32 v1, v18;
	v23 =	vld.idx.msk [tilespmem:v25+s17+$0x0], $0xffff;
	v19 =	vand.u32 $0x3FF0, v19;
	v21 =	vand.u32 $0x3FF0, v21  }
0x64: {  	v20 =	vshrl.u32 v20, $0x12;
	v19 =	vor.u32 v0, v19;
	v21 =	vadd.s32 v5, v21  }
0x65: {  	v25 =	vor.u32 v4, v17;
	v20 =	vand.u32 $0x3FF0, v20;
	v21 =	vand.u32 $0x7FF8, v21  }
0x66: {  	v20 =	vadd.s32 v8, v20;
	v21 =	vor.u32 v6, v21  }
0x67: {  	v26 =	vor.u32 v7, v16;
	v20 =	vand.u32 $0x7FF8, v20  }
0x68: {  	v24 =	vld.idx.msk [tilespmem:v24+s17+$0x0], $0xffff;
	v20 =	vor.u32 v6, v20;
	v23 =	vshrl.u32 v23, $0x12  }
0x69: {  	v23 =	vand.u32 $0x3FF0, v23;
	[tilespmem:v19+s9+$0x0] =	vst.idx.add.s32.msk $0xffff, v3;
	v19 =	vor.u32 v9, v15  }
0x6a: {  	s29 =	simm.s32 $0x28;
	v23 =	vadd.s32 v10, v23;
	v25 =	vld.idx.msk [tilespmem:v25+s17+$0x0], $0xffff  }
0x6b: {  	v23 =	vand.u32 $0x7FF8, v23;
	[tilespmem:v21+s9+$0x0] =	vst.idx.add.s32.msk $0xffff, v3;
	v21 =	vmov s29  }
0x6c: {  	v23 =	vor.u32 v6, v23;
	v26 =	vld.idx.msk [tilespmem:v26+s17+$0x0], $0xffff;
	v21 =	vshrl.u32 v21, $0x3  }
0x6d: {  	v27 =	vor.u32 v11, v22;
	[tilespmem:v20+s9+$0x0] =	vst.idx.add.s32.msk $0xffff, v3;
	v20 =	vshll.u32 v21, $0x3  }
0x6e: {  	v21 =	vld.idx.msk [tilespmem:v19+s17+$0x0], $0xffff;
	v19 =	vbroadcast v20, $0x0  }
0x6f: {  	v20 =	vshrl.u32 v24, $0x12;
	v24 =	vshrl.u32 v25, $0x12  }
0x70: {  	v20 =	vand.u32 $0x3FF0, v20;
	v25 =	vor.u32 v1, v19;
	v24 =	vand.u32 $0x3FF0, v24  }
0x71: {  	v20 =	vor.u32 v0, v20;
	[tilespmem:v23+s9+$0x0] =	vst.idx.add.s32.msk $0xffff, v3;
	v23 =	vadd.s32 v5, v24;
	v24 =	vshrl.u32 v26, $0x12  }
0x72: {  	v26 =	vld.idx.msk [tilespmem:v27+s17+$0x0], $0xffff;
	v27 =	vor.u32 v4, v18;
	v23 =	vand.u32 $0x7FF8, v23;
	v24 =	vand.u32 $0x3FF0, v24  }
0x73: {  	v23 =	vor.u32 v6, v23;
	v24 =	vadd.s32 v8, v24;
	v21 =	vshrl.u32 v21, $0x12  }
0x74: {  	v28 =	vor.u32 v7, v17;
	v24 =	vand.u32 $0x7FF8, v24;
	v21 =	vand.u32 $0x3FF0, v21  }
0x75: {  	v25 =	vld.idx.msk [tilespmem:v25+s17+$0x0], $0xffff;
	v24 =	vor.u32 v6, v24;
	v21 =	vadd.s32 v10, v21  }
0x76: {  	[tilespmem:v20+s9+$0x0] =	vst.idx.add.s32.msk $0xffff, v3;
	v20 =	vor.u32 v9, v16;
	v21 =	vand.u32 $0x7FF8, v21  }
0x77: {  	s30 =	simm.s32 $0x30;
	v26 =	vshrl.u32 v26, $0x12;
	v27 =	vld.idx.msk [tilespmem:v27+s17+$0x0], $0xffff;
	v21 =	vor.u32 v6, v21  }
0x78: {  	v29 =	vor.u32 v11, v15;
	v26 =	vand.u32 $0x3FF0, v26;
	[tilespmem:v23+s9+$0x0] =	vst.idx.add.s32.msk $0xffff, v3;
	v23 =	vmov s30  }
0x79: {  	v26 =	vor.u32 v0, v26;
	v28 =	vld.idx.msk [tilespmem:v28+s17+$0x0], $0xffff;
	v23 =	vshrl.u32 v23, $0x3  }
0x7a: {  	v30 =	vor.u32 v12, v22;
	[tilespmem:v24+s9+$0x0] =	vst.idx.add.s32.msk $0xffff, v3;
	v23 =	vshll.u32 v23, $0x3  }
0x7b: {  	v24 =	vld.idx.msk [tilespmem:v20+s17+$0x0], $0xffff;
	v20 =	vbroadcast v23, $0x0  }
0x7c: {  	[tilespmem:v21+s9+$0x0] =	vst.idx.add.s32.msk $0xffff, v3;
	v21 =	vshrl.u32 v25, $0x12;
	v23 =	vshrl.u32 v27, $0x12  }
0x7d: {  	v25 =	vld.idx.msk [tilespmem:v29+s17+$0x0], $0xffff;
	v27 =	vor.u32 v1, v20;
	v21 =	vand.u32 $0x3FF0, v21;
	v23 =	vand.u32 $0x3FF0, v23  }
0x7e: {  	[tilespmem:v26+s9+$0x0] =	vst.idx.add.s32.msk $0xffff, v3;
	v21 =	vor.u32 v0, v21;
	v23 =	vadd.s32 v5, v23;
	v26 =	vshrl.u32 v28, $0x12  }
0x7f: {  	v29 =	vor.u32 v4, v19;
	v28 =	vld.idx.msk [tilespmem:v30+s17+$0x0], $0xffff;
	v23 =	vand.u32 $0x7FF8, v23;
	v26 =	vand.u32 $0x3FF0, v26  }
0x80: {  	v23 =	vor.u32 v6, v23;
	v26 =	vadd.s32 v8, v26;
	v24 =	vshrl.u32 v24, $0x12  }
0x81: {  	v30 =	vor.u32 v7, v18;
	v26 =	vand.u32 $0x7FF8, v26;
	v24 =	vand.u32 $0x3FF0, v24  }
0x82: {  	v27 =	vld.idx.msk [tilespmem:v27+s17+$0x0], $0xffff;
	v26 =	vor.u32 v6, v26;
	v24 =	vadd.s32 v10, v24  }
0x83: {  	v25 =	vshrl.u32 v25, $0x12;
	[tilespmem:v21+s9+$0x0] =	vst.idx.add.s32.msk $0xffff, v3;
	v21 =	vor.u32 v9, v17;
	v24 =	vand.u32 $0x7FF8, v24  }
0x84: {  	v25 =	vand.u32 $0x3FF0, v25;
	v29 =	vld.idx.msk [tilespmem:v29+s17+$0x0], $0xffff;
	v24 =	vor.u32 v6, v24;
	v28 =	vshrl.u32 v28, $0x12  }
0x85: {  	v25 =	vor.u32 v0, v25;
	[tilespmem:v23+s9+$0x0] =	vst.idx.add.s32.msk $0xffff, v3;
	v23 =	vand.u32 $0x3FF0, v28  }
0x86: {  	s31 =	simm.s32 $0x38;
	v31 =	vor.u32 v11, v16;
	v28 =	vld.idx.msk [tilespmem:v30+s17+$0x0], $0xffff;
	v23 =	vadd.s32 v5, v23  }
0x87: {  	v32 =	vor.u32 v12, v15;
	v30 =	vmov s31;
	[tilespmem:v26+s9+$0x0] =	vst.idx.add.s32.msk $0xffff, v3;
	v23 =	vand.u32 $0x7FF8, v23  }
0x88: {  	v26 =	vshrl.u32 v30, $0x3;
	v30 =	vld.idx.msk [tilespmem:v21+s17+$0x0], $0xffff;
	v23 =	vor.u32 v6, v23  }
0x89: {  	v27 =	vshrl.u32 v27, $0x12;
	v21 =	vshll.u32 v26, $0x3;
	[tilespmem:v24+s9+$0x0] =	vst.idx.add.s32.msk $0xffff, v3;
	v24 =	vor.u32 v13, v22  }
0x8a: {  	v27 =	vand.u32 $0x3FF0, v27;
	v21 =	vbroadcast v21, $0x0;
	v29 =	vshrl.u32 v29, $0x12;
	[tilespmem:v25+s9+$0x0] =	vst.idx.add.s32.msk $0xffff, v3  }
0x8b: {  	v33 =	vor.u32 v12, v16;
	v27 =	vor.u32 v0, v27;
	v26 =	vld.idx.msk [tilespmem:v31+s17+$0x0], $0xffff;
	v29 =	vand.u32 $0x3FF0, v29  }
0x8c: {  	v31 =	vld.idx.msk [tilespmem:v32+s17+$0x0], $0xffff;
	v25 =	vor.u32 v1, v21;
	v29 =	vadd.s32 v5, v29;
	v28 =	vshrl.u32 v28, $0x12  }
0x8d: {  	v29 =	vand.u32 $0x7FF8, v29;
	v28 =	vand.u32 $0x3FF0, v28;
	[tilespmem:v23+s9+$0x0] =	vst.idx.add.s32.msk $0xffff, v3;
	v23 =	vor.u32 v4, v20  }
0x8e: {  	v29 =	vor.u32 v6, v29;
	v28 =	vadd.s32 v8, v28;
	v30 =	vshrl.u32 v30, $0x12;
	v24 =	vld.idx.msk [tilespmem:v24+s17+$0x0], $0xffff  }
0x8f: {  	v59 =	vor.u32 v7, v19;
	v28 =	vand.u32 $0x7FF8, v28;
	v30 =	vand.u32 $0x3FF0, v30  }
0x90: {  	[tilespmem:v27+s9+$0x0] =	vst.idx.add.s32.msk $0xffff, v3;
	v28 =	vor.u32 v6, v28;
	v30 =	vadd.s32 v10, v30  }
0x91: {  	v27 =	vor.u32 v9, v18;
	v26 =	vshrl.u32 v26, $0x12;
	v25 =	vld.idx.msk [tilespmem:v25+s17+$0x0], $0xffff;
	v30 =	vand.u32 $0x7FF8, v30  }
0x92: {  	v31 =	vshrl.u32 v31, $0x12;
	v26 =	vand.u32 $0x3FF0, v26;
	v30 =	vor.u32 v6, v30;
	v23 =	vld.idx.msk [tilespmem:v23+s17+$0x0], $0xffff  }
0x93: {  	v26 =	vor.u32 v0, v26;
	[tilespmem:v29+s9+$0x0] =	vst.idx.add.s32.msk $0xffff, v3;
	v29 =	vand.u32 $0x3FF0, v31;
	v24 =	vshrl.u32 v24, $0x12  }
0x94: {  	s26 =	simm.s32 $0x40;
	v34 =	vor.u32 v11, v17;
	v31 =	vld.idx.msk [tilespmem:v59+s17+$0x0], $0xffff;
	v29 =	vadd.s32 v5, v29;
	v24 =	vand.u32 $0x3FF0, v24  }
0x95: {  	[tilespmem:v28+s9+$0x0] =	vst.idx.add.s32.msk $0xffff, v3;
	v28 =	vand.u32 $0x7FF8, v29;
	v29 =	vmov s26;
	v24 =	vadd.s32 v8, v24  }
0x96: {  	v27 =	vld.idx.msk [tilespmem:v27+s17+$0x0], $0xffff;
	v28 =	vor.u32 v6, v28;
	v29 =	vshrl.u32 v29, $0x3;
	v24 =	vand.u32 $0x7FF8, v24  }
0x97: {  	v25 =	vshrl.u32 v25, $0x12;
	[tilespmem:v30+s9+$0x0] =	vst.idx.add.s32.msk $0xffff, v3;
	v29 =	vshll.u32 v29, $0x3;
	v24 =	vor.u32 v6, v24  }
0x98: {  	v30 =	vor.u32 v14, v22;
	[tilespmem:v26+s9+$0x0] =	vst.idx.add.s32.msk $0xffff, v3;
	v25 =	vand.u32 $0x3FF0, v25;
	v26 =	vshrl.u32 v23, $0x12  }
0x99: {  	v60 =	vld.idx.msk [tilespmem:v34+s17+$0x0], $0xffff;
	v22 =	vbroadcast v29, $0x0;
	v29 =	vor.u32 v13, v15;
	v26 =	vand.u32 $0x3FF0, v26  }
0x9a: {  	v37 =	vor.u32 v7, v20;
	v61 =	vld.idx.msk [tilespmem:v33+s17+$0x0], $0xffff;
	v25 =	vor.u32 v0, v25;
	v26 =	vadd.s32 v5, v26  }
0x9b: {  	v62 =	vor.u32 v1, v22;
	[tilespmem:v28+s9+$0x0] =	vst.idx.add.s32.msk $0xffff, v3;
	v28 =	vshrl.u32 v31, $0x12;
	v26 =	vand.u32 $0x7FF8, v26  }
0x9c: {  	v27 =	vshrl.u32 v27, $0x12;
	v28 =	vand.u32 $0x3FF0, v28;
	[tilespmem:v24+s9+$0x0] =	vst.idx.add.s32.msk $0xffff, v3;
	v24 =	vor.u32 v4, v21  }
0x9d: {  	v36 =	vor.u32 v6, v26;
	v27 =	vand.u32 $0x3FF0, v27;
	v26 =	vadd.s32 v8, v28;
	v35 =	vld.idx.msk [tilespmem:v30+s17+$0x0], $0xffff  }
0x9e: {  	v23 =	vor.u32 v12, v17;
	v28 =	vld.idx.msk [tilespmem:v29+s17+$0x0], $0xffff;
	v27 =	vadd.s32 v10, v27;
	v26 =	vand.u32 $0x7FF8, v26  }
0x9f: {  	[tilespmem:v25+s9+$0x0] =	vst.idx.add.s32.msk $0xffff, v3;
	v30 =	vor.u32 v9, v19;
	v38 =	vor.u32 v6, v26  }
0xa0: {  	v25 =	vand.u32 $0x7FF8, v27;
	v27 =	vshrl.u32 v60, $0x12;
	v31 =	vld.idx.msk [tilespmem:v62+s17+$0x0], $0xffff;
	v26 =	vor.u32 v11, v18  }
0xa1: {  	v29 =	vor.u32 v6, v25;
	v33 =	vld.idx.msk [tilespmem:v24+s17+$0x0], $0xffff;
	v24 =	vand.u32 $0x3FF0, v27;
	v27 =	vshrl.u32 v61, $0x12  }
0xa2: {  	s19 =	simm.s32 $0x0;
	[tilespmem:v36+s9+$0x0] =	vst.idx.add.s32.msk $0xffff, v3;
	v25 =	vor.u32 v0, v24;
	v24 =	vand.u32 $0x3FF0, v27;
	v27 =	vshrl.u32 v35, $0x12  }
0xa3: {  	s22 =	simm.s32 $0x0;
	s23 =	simm.s32 $0x0;
	s21 =	simm.s32 $0x0;
	v32 =	vld.idx.msk [tilespmem:v37+s17+$0x0], $0xffff;
	v28 =	vshrl.u32 v28, $0x12;
	v24 =	vadd.s32 v5, v24;
	v63 =	vand.u32 $0x3FF0, v27  }
0xa4: {  	s20 =	simm.s32 $0x0;
	s24 =	simm.s32 $0x0;
	s25 =	simm.s32 $0x0;
	v28 =	vand.u32 $0x3FF0, v28;
	[tilespmem:v38+s9+$0x0] =	vst.idx.add.s32.msk $0xffff, v3;
	v27 =	vand.u32 $0x7FF8, v24;
	v24 =	vadd.s32 v10, v63  }
.LBB2_5:
0xa5: {  	s26 =	sadd.s32 $0x8, s26;
	v30 =	vld.idx.msk [tilespmem:v30+s19+$0x0], $0xffff;
	v27 =	vor.u32 v6, v27;
	v28 =	vadd.s32 v8, v28;
	v24 =	vand.u32 $0x7FF8, v24  }
0xa6: {  	v34 =	vmov s26;
	p0 =	slt.u32 s26, $0x7F8;
	[tilespmem:v29+s9+$0x0] =	vst.idx.add.s32.msk $0xffff, v3;
	v28 =	vand.u32 $0x7FF8, v28;
	v24 =	vor.u32 v6, v24  }
0xa7: {  	v29 =	vshrl.u32 v34, $0x3;
	v34 =	vld.idx.msk [tilespmem:v26+s22+$0x0], $0xffff;
	v26 =	vor.u32 v6, v28  }
0xa8: {  	v28 =	vshll.u32 v29, $0x3;
	[tilespmem:v25+s9+$0x0] =	vst.idx.add.s32.msk $0xffff, v3;
	v25 =	vor.u32 v14, v15;
	v15 =	vmovc v16;
	v16 =	vmov v17  }
0xa9: {  	v17 =	vmovc v18;
	v18 =	vmov v19;
	v28 =	vbroadcast v28, $0x0;
	v35 =	vld.idx.msk [tilespmem:v23+s23+$0x0], $0xffff;
	v29 =	vor.u32 v13, v15  }
0xaa: {  	v31 =	vshrl.u32 v31, $0x12;
	v33 =	vshrl.u32 v33, $0x12;
	v19 =	vmovc v20;
	v23 =	vor.u32 v12, v17;
	[tilespmem:v27+s9+$0x0] =	vst.idx.add.s32.msk $0xffff, v3  }
0xab: {  	s18 =	simm.s32 $0xA000;
	v31 =	vand.u32 $0x3FF0, v31;
	v33 =	vand.u32 $0x3FF0, v33;
	v20 =	vmovc v21;
	v27 =	vor.u32 v1, v28;
	[tilespmem:v24+s9+$0x0] =	vst.idx.add.s32.msk $0xffff, v3  }
0xac: {  	v33 =	vadd.s32 v5, v33;
	v24 =	vor.u32 v0, v31;
	v31 =	vshrl.u32 v32, $0x12;
	[tilespmem:v26+s9+$0x0] =	vst.idx.add.s32.msk $0xffff, v3  }
0xad: {  	v21 =	vmovc v22;
	v32 =	vor.u32 v4, v22;
	v22 =	vmovc v28;
	v26 =	vand.u32 $0x7FF8, v33;
	v31 =	vand.u32 $0x3FF0, v31;
	v36 =	vld.idx.msk [tilespmem:v25+s25+$0x0], $0xffff;
	s25 =	smov.u32 s24;
	s24 =	smov.u32 s23;
	s23 =	smov.u32 s22  }
0xae: {  	v28 =	vshrl.u32 v30, $0x12;
	v25 =	vor.u32 v6, v26;
	v26 =	vadd.s32 v8, v31;
	s22 =	smov.u32 s19;
	s19 =	smov.u32 s21;
	s21 =	smov.u32 s20;
	v37 =	vld.idx.msk [tilespmem:v29+s25+$0x0], $0xffff  }
0xaf: {  	v38 =	vor.u32 v7, v20;
	v28 =	vand.u32 $0x3FF0, v28;
	s20 =	smov.u32 s17;
	v26 =	vand.u32 $0x7FF8, v26  }
0xb0: {  	v28 =	vadd.s32 v10, v28;
	v31 =	vld.idx.msk [tilespmem:v27+s17+$0x0], $0xffff;
	v27 =	vor.u32 v6, v26;
	v26 =	vor.u32 v11, v18  }
.Ltmp5:
0xb1: {  	v30 =	vor.u32 v9, v19;
	[tilespmem:v24+s9+$0x0] =	vst.idx.add.s32.msk $0xffff, v3;
	v24 =	vand.u32 $0x7FF8, v28;
	v28 =	vshrl.u32 v34, $0x12;
	(pc) =	sbr.rel @p0 .LBB2_5-.Ltmp5, $4  }
0xb2: {  	v33 =	vld.idx.msk [tilespmem:v32+s20+$0x0], $0xffff;
	v29 =	vor.u32 v6, v24;
	v24 =	vand.u32 $0x3FF0, v28;
	v28 =	vshrl.u32 v35, $0x12  }
0xb3: {  	[tilespmem:v25+s9+$0x0] =	vst.idx.add.s32.msk $0xffff, v3;
	v25 =	vor.u32 v0, v24;
	v24 =	vand.u32 $0x3FF0, v28;
	v28 =	vshrl.u32 v36, $0x12  }
0xb4: {  	v34 =	vshrl.u32 v37, $0x12;
	v32 =	vld.idx.msk [tilespmem:v38+s21+$0x0], $0xffff;
	v24 =	vadd.s32 v5, v24;
	v35 =	vand.u32 $0x3FF0, v28  }
0xb5: {  	v28 =	vand.u32 $0x3FF0, v34;
	[tilespmem:v27+s9+$0x0] =	vst.idx.add.s32.msk $0xffff, v3;
	v27 =	vand.u32 $0x7FF8, v24;
	v24 =	vadd.s32 v10, v35  }
0xb6: {  	v31 =	vshrl.u32 v31, $0x12  }
0xb7: {  	v31 =	vand.u32 $0x3FF0, v31  }
0xb8: {  	v31 =	vor.u32 v0, v31  }
0xb9: {  	v34 =	vor.u32 v4, v22;
	_ =	sdelay $0x3  }
0xba: {  	[tilespmem:v31+s9+$0x0] =	vst.idx.add.s32.msk $0xffff, v3  }
0xbb: {  	v31 =	vld.idx.msk [tilespmem:v34+s17+$0x0], $0xffff  }
0xbc: {  	v33 =	vshrl.u32 v33, $0x12  }
0xbd: {  	v33 =	vand.u32 $0x3FF0, v33  }
0xbe: {  	v33 =	vadd.s32 v5, v33  }
0xbf: {  	v33 =	vand.u32 $0x7FF8, v33  }
0xc0: {  	v33 =	vor.u32 v6, v33;
	v31 =	vshrl.u32 v31, $0x12  }
0xc1: {  	v46 =	vor.u32 v7, v21;
	v31 =	vand.u32 $0x3FF0, v31  }
0xc2: {  	v31 =	vadd.s32 v5, v31  }
0xc3: {  	v31 =	vand.u32 $0x7FF8, v31  }
0xc4: {  	v31 =	vor.u32 v6, v31  }
0xc5: {  	v35 =	vor.u32 v7, v22;
	[tilespmem:v33+s9+$0x0] =	vst.idx.add.s32.msk $0xffff, v3  }
0xc6: {  	v33 =	vld.idx.msk [tilespmem:v46+s20+$0x0], $0xffff;
	_ =	sdelay $0x1  }
0xc7: {  	v32 =	vshrl.u32 v32, $0x12  }
0xc8: {  	v32 =	vand.u32 $0x3FF0, v32;
	[tilespmem:v31+s9+$0x0] =	vst.idx.add.s32.msk $0xffff, v3  }
0xc9: {  	v32 =	vadd.s32 v8, v32;
	v31 =	vld.idx.msk [tilespmem:v35+s17+$0x0], $0xffff  }
0xca: {  	v32 =	vand.u32 $0x7FF8, v32;
	v33 =	vshrl.u32 v33, $0x12  }
0xcb: {  	v32 =	vor.u32 v6, v32;
	v33 =	vand.u32 $0x3FF0, v33  }
0xcc: {  	v47 =	vor.u32 v9, v20;
	v33 =	vadd.s32 v8, v33  }
0xcd: {  	v33 =	vand.u32 $0x7FF8, v33  }
0xce: {  	v30 =	vld.idx.msk [tilespmem:v30+s19+$0x0], $0xffff;
	v33 =	vor.u32 v6, v33;
	v31 =	vshrl.u32 v31, $0x12  }
0xcf: {  	v48 =	vor.u32 v9, v21;
	v31 =	vand.u32 $0x3FF0, v31  }
0xd0: {  	[tilespmem:v32+s9+$0x0] =	vst.idx.add.s32.msk $0xffff, v3;
	v31 =	vadd.s32 v8, v31  }
0xd1: {  	v34 =	vld.idx.msk [tilespmem:v47+s21+$0x0], $0xffff;
	v31 =	vand.u32 $0x7FF8, v31  }
0xd2: {  	v31 =	vor.u32 v6, v31  }
0xd3: {  	v49 =	vor.u32 v9, v22;
	v30 =	vshrl.u32 v30, $0x12;
	[tilespmem:v33+s9+$0x0] =	vst.idx.add.s32.msk $0xffff, v3  }
0xd4: {  	v30 =	vand.u32 $0x3FF0, v30;
	v33 =	vld.idx.msk [tilespmem:v48+s20+$0x0], $0xffff  }
0xd5: {  	v30 =	vadd.s32 v10, v30  }
0xd6: {  	v30 =	vand.u32 $0x7FF8, v30;
	v50 =	vshrl.u32 v34, $0x12  }
0xd7: {  	v30 =	vor.u32 v6, v30;
	v32 =	vand.u32 $0x3FF0, v50;
	[tilespmem:v31+s9+$0x0] =	vst.idx.add.s32.msk $0xffff, v3  }
0xd8: {  	v51 =	vor.u32 v11, v19;
	v32 =	vadd.s32 v10, v32;
	v31 =	vld.idx.msk [tilespmem:v49+s17+$0x0], $0xffff  }
0xd9: {  	v32 =	vand.u32 $0x7FF8, v32;
	v33 =	vshrl.u32 v33, $0x12  }
0xda: {  	[tilespmem:v29+s9+$0x0] =	vst.idx.add.s32.msk $0xffff, v3;
	v32 =	vor.u32 v6, v32;
	v33 =	vand.u32 $0x3FF0, v33  }
0xdb: {  	v52 =	vor.u32 v11, v20;
	v26 =	vld.idx.msk [tilespmem:v26+s22+$0x0], $0xffff;
	v33 =	vadd.s32 v10, v33  }
0xdc: {  	[tilespmem:v30+s9+$0x0] =	vst.idx.add.s32.msk $0xffff, v3;
	v33 =	vand.u32 $0x7FF8, v33  }
0xdd: {  	v34 =	vld.idx.msk [tilespmem:v51+s19+$0x0], $0xffff;
	v33 =	vor.u32 v6, v33;
	v31 =	vshrl.u32 v31, $0x12  }
0xde: {  	v53 =	vor.u32 v11, v21;
	v31 =	vand.u32 $0x3FF0, v31  }
0xdf: {  	[tilespmem:v32+s9+$0x0] =	vst.idx.add.s32.msk $0xffff, v3;
	v31 =	vadd.s32 v10, v31  }
0xe0: {  	v29 =	vld.idx.msk [tilespmem:v52+s21+$0x0], $0xffff;
	v31 =	vand.u32 $0x7FF8, v31  }
0xe1: {  	[tilespmem:v25+s9+$0x0] =	vst.idx.add.s32.msk $0xffff, v3;
	v26 =	vshrl.u32 v26, $0x12;
	v31 =	vor.u32 v6, v31  }
0xe2: {  	v54 =	vor.u32 v11, v22;
	v26 =	vand.u32 $0x3FF0, v26;
	v55 =	vshrl.u32 v34, $0x12;
	[tilespmem:v33+s9+$0x0] =	vst.idx.add.s32.msk $0xffff, v3  }
0xe3: {  	v26 =	vor.u32 v0, v26;
	v33 =	vand.u32 $0x3FF0, v55;
	v30 =	vld.idx.msk [tilespmem:v53+s20+$0x0], $0xffff  }
0xe4: {  	v23 =	vld.idx.msk [tilespmem:v23+s23+$0x0], $0xffff;
	v33 =	vor.u32 v0, v33  }
0xe5: {  	v25 =	vor.u32 v12, v19;
	v29 =	vshrl.u32 v29, $0x12  }
0xe6: {  	v29 =	vand.u32 $0x3FF0, v29;
	[tilespmem:v31+s9+$0x0] =	vst.idx.add.s32.msk $0xffff, v3  }
0xe7: {  	v29 =	vor.u32 v0, v29;
	v32 =	vld.idx.msk [tilespmem:v54+s17+$0x0], $0xffff  }
0xe8: {  	v56 =	vor.u32 v12, v18;
	[tilespmem:v26+s9+$0x0] =	vst.idx.add.s32.msk $0xffff, v3;
	v30 =	vshrl.u32 v30, $0x12  }
0xe9: {  	v23 =	vshrl.u32 v23, $0x12;
	v26 =	vor.u32 v12, v20;
	[tilespmem:v33+s9+$0x0] =	vst.idx.add.s32.msk $0xffff, v3;
	v30 =	vand.u32 $0x3FF0, v30  }
0xea: {  	v23 =	vand.u32 $0x3FF0, v23;
	v25 =	vld.idx.msk [tilespmem:v25+s19+$0x0], $0xffff;
	v30 =	vor.u32 v0, v30  }
0xeb: {  	v57 =	vor.u32 v12, v21;
	v23 =	vadd.s32 v5, v23  }
0xec: {  	v23 =	vand.u32 $0x7FF8, v23;
	[tilespmem:v29+s9+$0x0] =	vst.idx.add.s32.msk $0xffff, v3;
	v32 =	vshrl.u32 v32, $0x12  }
0xed: {  	v23 =	vor.u32 v6, v23;
	v31 =	vld.idx.msk [tilespmem:v56+s22+$0x0], $0xffff;
	v32 =	vand.u32 $0x3FF0, v32  }
0xee: {  	v26 =	vld.idx.msk [tilespmem:v26+s21+$0x0], $0xffff;
	v32 =	vor.u32 v0, v32  }
0xef: {  	v28 =	vadd.s32 v8, v28;
	v58 =	vor.u32 v12, v22;
	v25 =	vshrl.u32 v25, $0x12;
	[tilespmem:v30+s9+$0x0] =	vst.idx.add.s32.msk $0xffff, v3  }
0xf0: {  	v27 =	vor.u32 v6, v27;
	v28 =	vand.u32 $0x7FF8, v28;
	v25 =	vand.u32 $0x3FF0, v25;
	v33 =	vld.idx.msk [tilespmem:v57+s20+$0x0], $0xffff  }
0xf1: {  	v59 =	vor.u32 v13, v16;
	v28 =	vor.u32 v6, v28;
	v25 =	vadd.s32 v5, v25  }
0xf2: {  	v60 =	vor.u32 v13, v17;
	[tilespmem:v23+s9+$0x0] =	vst.idx.add.s32.msk $0xffff, v3;
	v25 =	vand.u32 $0x7FF8, v25;
	v31 =	vshrl.u32 v31, $0x12  }
0xf3: {  	v26 =	vshrl.u32 v26, $0x12;
	v25 =	vor.u32 v6, v25;
	v31 =	vand.u32 $0x3FF0, v31;
	[tilespmem:v32+s9+$0x0] =	vst.idx.add.s32.msk $0xffff, v3  }
0xf4: {  	v23 =	vor.u32 v13, v19;
	v26 =	vand.u32 $0x3FF0, v26;
	v31 =	vadd.s32 v5, v31;
	v29 =	vld.idx.msk [tilespmem:v58+s17+$0x0], $0xffff  }
0xf5: {  	[tilespmem:v27+s9+$0x0] =	vst.idx.add.s32.msk $0xffff, v3;
	v26 =	vadd.s32 v5, v26;
	v62 =	vshrl.u32 v33, $0x12;
	v31 =	vand.u32 $0x7FF8, v31  }
0xf6: {  	[tilespmem:v28+s9+$0x0] =	vst.idx.add.s32.msk $0xffff, v3;
	v26 =	vand.u32 $0x7FF8, v26;
	v27 =	vor.u32 v6, v31;
	v31 =	vand.u32 $0x3FF0, v62  }
0xf7: {  	v26 =	vor.u32 v6, v26;
	v30 =	vld.idx.msk [tilespmem:v59+s24+$0x0], $0xffff;
	v31 =	vadd.s32 v5, v31  }
0xf8: {  	v61 =	vor.u32 v13, v18;
	[tilespmem:v25+s9+$0x0] =	vst.idx.add.s32.msk $0xffff, v3;
	v31 =	vand.u32 $0x7FF8, v31  }
0xf9: {  	v23 =	vld.idx.msk [tilespmem:v23+s19+$0x0], $0xffff;
	v31 =	vor.u32 v6, v31;
	v29 =	vshrl.u32 v29, $0x12  }
0xfa: {  	v25 =	vor.u32 v13, v21;
	v32 =	vld.idx.msk [tilespmem:v60+s23+$0x0], $0xffff;
	v29 =	vand.u32 $0x3FF0, v29  }
0xfb: {  	[tilespmem:v27+s9+$0x0] =	vst.idx.add.s32.msk $0xffff, v3;
	v27 =	vor.u32 v13, v20;
	v29 =	vadd.s32 v5, v29  }
0xfc: {  	[tilespmem:v26+s9+$0x0] =	vst.idx.add.s32.msk $0xffff, v3;
	v30 =	vshrl.u32 v30, $0x12;
	v29 =	vand.u32 $0x7FF8, v29  }
0xfd: {  	v15 =	vor.u32 v14, v15;
	v30 =	vand.u32 $0x3FF0, v30;
	v28 =	vld.idx.msk [tilespmem:v61+s22+$0x0], $0xffff;
	v29 =	vor.u32 v6, v29  }
0xfe: {  	v26 =	vor.u32 v13, v22;
	v30 =	vadd.s32 v8, v30;
	v23 =	vshrl.u32 v23, $0x12;
	[tilespmem:v31+s9+$0x0] =	vst.idx.add.s32.msk $0xffff, v3  }
0xff: {  	v16 =	vor.u32 v14, v16;
	v30 =	vand.u32 $0x7FF8, v30;
	v23 =	vand.u32 $0x3FF0, v23;
	v25 =	vld.idx.msk [tilespmem:v25+s20+$0x0], $0xffff  }
0x100: {  	v30 =	vor.u32 v6, v30;
	v23 =	vadd.s32 v8, v23;
	v32 =	vshrl.u32 v32, $0x12;
	v27 =	vld.idx.msk [tilespmem:v27+s21+$0x0], $0xffff  }
0x101: {  	v17 =	vor.u32 v14, v17;
	v23 =	vand.u32 $0x7FF8, v23;
	v32 =	vand.u32 $0x3FF0, v32  }
0x102: {  	v23 =	vor.u32 v6, v23;
	v32 =	vadd.s32 v8, v32;
	v28 =	vshrl.u32 v28, $0x12;
	[tilespmem:v29+s9+$0x0] =	vst.idx.add.s32.msk $0xffff, v3  }
0x103: {  	v19 =	vor.u32 v14, v19;
	v63 =	vand.u32 $0x7FF8, v32;
	v28 =	vand.u32 $0x3FF0, v28;
	v26 =	vld.idx.msk [tilespmem:v26+s17+$0x0], $0xffff  }
0x104: {  	v15 =	vld.idx.msk [tilespmem:v15+s25+$0x0], $0xffff;
	v31 =	vor.u32 v6, v63;
	v28 =	vadd.s32 v8, v28;
	v25 =	vshrl.u32 v25, $0x12  }
0x105: {  	[tilespmem:v30+s9+$0x0] =	vst.idx.add.s32.msk $0xffff, v3;
	v28 =	vand.u32 $0x7FF8, v28;
	v27 =	vshrl.u32 v27, $0x12;
	v25 =	vand.u32 $0x3FF0, v25  }
0x106: {  	v16 =	vld.idx.msk [tilespmem:v16+s24+$0x0], $0xffff;
	v28 =	vor.u32 v6, v28;
	v27 =	vand.u32 $0x3FF0, v27;
	v25 =	vadd.s32 v8, v25  }
0x107: {  	v18 =	vor.u32 v14, v18;
	[tilespmem:v23+s9+$0x0] =	vst.idx.add.s32.msk $0xffff, v3;
	v27 =	vadd.s32 v8, v27;
	v25 =	vand.u32 $0x7FF8, v25  }
0x108: {  	v19 =	vld.idx.msk [tilespmem:v19+s19+$0x0], $0xffff;
	v27 =	vand.u32 $0x7FF8, v27;
	v25 =	vor.u32 v6, v25;
	v26 =	vshrl.u32 v26, $0x12  }
0x109: {  	[tilespmem:v31+s9+$0x0] =	vst.idx.add.s32.msk $0xffff, v3;
	v27 =	vor.u32 v6, v27;
	v26 =	vand.u32 $0x3FF0, v26  }
0x10a: {  	v21 =	vor.u32 v14, v21;
	v17 =	vld.idx.msk [tilespmem:v17+s23+$0x0], $0xffff;
	v26 =	vadd.s32 v8, v26  }
0x10b: {  	v20 =	vor.u32 v14, v20;
	[tilespmem:v28+s9+$0x0] =	vst.idx.add.s32.msk $0xffff, v3;
	v23 =	vand.u32 $0x7FF8, v26  }
0x10c: {  	v15 =	vshrl.u32 v15, $0x12;
	v18 =	vld.idx.msk [tilespmem:v18+s22+$0x0], $0xffff;
	v23 =	vor.u32 v6, v23  }
0x10d: {  	v15 =	vand.u32 $0x3FF0, v15;
	v22 =	vor.u32 v14, v22;
	v16 =	vshrl.u32 v16, $0x12;
	[tilespmem:v25+s9+$0x0] =	vst.idx.add.s32.msk $0xffff, v3  }
0x10e: {  	v24 =	vand.u32 $0x7FF8, v24;
	v15 =	vadd.s32 v10, v15;
	v16 =	vand.u32 $0x3FF0, v16;
	[tilespmem:v27+s9+$0x0] =	vst.idx.add.s32.msk $0xffff, v3  }
0x10f: {  	v24 =	vor.u32 v6, v24;
	v15 =	vand.u32 $0x7FF8, v15;
	v16 =	vadd.s32 v10, v16;
	v21 =	vld.idx.msk [tilespmem:v21+s20+$0x0], $0xffff  }
0x110: {  	v15 =	vor.u32 v6, v15;
	v16 =	vand.u32 $0x7FF8, v16;
	v19 =	vshrl.u32 v19, $0x12;
	v20 =	vld.idx.msk [tilespmem:v20+s21+$0x0], $0xffff  }
0x111: {  	v16 =	vor.u32 v6, v16;
	v19 =	vand.u32 $0x3FF0, v19;
	v17 =	vshrl.u32 v17, $0x12;
	[tilespmem:v23+s9+$0x0] =	vst.idx.add.s32.msk $0xffff, v3  }
0x112: {  	v19 =	vadd.s32 v10, v19;
	v17 =	vand.u32 $0x3FF0, v17;
	v18 =	vshrl.u32 v18, $0x12;
	v22 =	vld.idx.msk [tilespmem:v22+s17+$0x0], $0xffff  }
0x113: {  	v19 =	vand.u32 $0x7FF8, v19;
	v17 =	vadd.s32 v10, v17;
	v18 =	vand.u32 $0x3FF0, v18  }
0x114: {  	v19 =	vor.u32 v6, v19;
	v17 =	vand.u32 $0x7FF8, v17;
	v18 =	vadd.s32 v10, v18  }
0x115: {  	v17 =	vor.u32 v6, v17;
	v18 =	vand.u32 $0x7FF8, v18;
	v20 =	vshrl.u32 v20, $0x12  }
0x116: {  	v21 =	vshrl.u32 v21, $0x12;
	v18 =	vor.u32 v6, v18;
	v20 =	vand.u32 $0x3FF0, v20  }
0x117: {  	v21 =	vand.u32 $0x3FF0, v21;
	v20 =	vadd.s32 v10, v20;
	v22 =	vshrl.u32 v22, $0x12  }
0x118: {  	[tilespmem:v24+s9+$0x0] =	vst.idx.add.s32.msk $0xffff, v3;
	v21 =	vadd.s32 v10, v21;
	v20 =	vand.u32 $0x7FF8, v20;
	v22 =	vand.u32 $0x3FF0, v22  }
0x119: {  	[tilespmem:v15+s9+$0x0] =	vst.idx.add.s32.msk $0xffff, v3;
	v15 =	vor.u32 v6, v20;
	v20 =	vand.u32 $0x7FF8, v21;
	v21 =	vadd.s32 v10, v22  }
0x11a: {  	[tilespmem:v16+s9+$0x0] =	vst.idx.add.s32.msk $0xffff, v3;
	v16 =	vor.u32 v6, v20;
	v20 =	vand.u32 $0x7FF8, v21  }
0x11b: {  	[tilespmem:v17+s9+$0x0] =	vst.idx.add.s32.msk $0xffff, v3;
	v17 =	vor.u32 v6, v20  }
0x11c: {  	[tilespmem:v19+s9+$0x0] =	vst.idx.add.s32.msk $0xffff, v3  }
0x11d: {  	[tilespmem:v18+s9+$0x0] =	vst.idx.add.s32.msk $0xffff, v3  }
0x11e: {  	[tilespmem:v15+s9+$0x0] =	vst.idx.add.s32.msk $0xffff, v3  }
0x11f: {  	[tilespmem:v16+s9+$0x0] =	vst.idx.add.s32.msk $0xffff, v3  }
0x120: {  	[tilespmem:v17+s9+$0x0] =	vst.idx.add.s32.msk $0xffff, v3  }
0x121: {  	v22 =	vld [tilespmem:s18+$0xFFFFF030]  }
0x122: {  	v16 =	vld [tilespmem:s18+$0xFFFFF020]  }
0x123: {  	p1 =	por $0x1, $0x1;
	v17 =	vld [tilespmem:s18+$0xFFFFF010]  }
.Ltmp6:
0x124: {  	v18 =	vld [tilespmem:s18+$0xFFFFE010];
	(pc) =	sbr.rel @!p1 .LBB2_7-.Ltmp6, $4  }
0x125: {  	v21 =	vld [tilespmem:s18+$0xFFFFE000]  }
0x126: {  	v24 =	vld [tilespmem:s18+$0xFFFFF000]  }
0x127: {  	v25 =	vld [tilespmem:s18+$0x0]  }
0x128: {  	p0 =	por $0x0, $0x0;
	s19 =	simm.s32 $0x4;
	v15 =	vimm.s32 $0x0;
	v26 =	vld [tilespmem:s18+$0x1000]  }
0x129: {  	v19 =	vld [tilespmem:s18+$0xFFFFE020]  }
0x12a: {  	v20 =	vld [tilespmem:s18+$0x10]  }
0x12b: {  	v23 =	vld [tilespmem:s18+$0x1010];
	v21 =	vadd.s32 v15, v21  }
0x12c: {  	v21 =	vadd.s32 v24, v21;
	v24 =	vld [tilespmem:s18+$0xFFFFE030]  }
0x12d: {  	v28 =	vld [tilespmem:s18+$0x1030];
	v21 =	vadd.s32 v25, v21  }
0x12e: {  	v17 =	vadd.s32 v18, v17;
	vm2 =	vmneg vm0;
	v25 =	vld [tilespmem:s18+$0x20];
	v21 =	vadd.s32 v26, v21  }
0x12f: {  	v26 =	vld [tilespmem:s18+$0x1020];
	v17 =	vadd.s32 v21, v17;
	v18 =	vadd.s32 v19, v16;
	vm1 =	vgt.s32 v21, $0x32  }
0x130: {  	v16 =	vadd.s32 v20, v17;
	v20 =	vld [tilespmem:s18+$0x30];
	vm3 =	vmor vm0, vm1;
	s18 =	simm.s32 $0xA040;
	vm1 =	vmand vm1, vm2  }
0x131: {  	v29 =	vadd.s32 v23, v16;
	v19 =	vld [tilespmem:s18+$0xFFFFF030];
	vm2 =	vmneg vm3;
	v22 =	vadd.s32 v24, v22  }
0x132: {  	v16 =	vld [tilespmem:s18+$0xFFFFF020];
	v23 =	vsel vm1, v15, v15;
	vm4 =	vgt.s32 v29, $0x32;
	v18 =	vadd.s32 v29, v18  }
0x133: {  	p1 =	por $0x1, $0x1;
	v17 =	vld [tilespmem:s18+$0xFFFFF010];
	vm3 =	vmor vm3, vm4;
	vm2 =	vmand vm4, vm2;
	v24 =	vadd.s32 v25, v18  }
.Ltmp7:
0x134: {  	v25 =	vsel vm1, s17, v15;
	v18 =	vld [tilespmem:s18+$0xFFFFE010];
	v30 =	vsel vm2, v21, v23;
	v23 =	vadd.s32 v26, v24;
	(pc) =	sbr.rel @!p1 .LBB2_9-.Ltmp7, $4  }
0x135: {  	s20 =	simm.s32 $0x1;
	v21 =	vld [tilespmem:s18+$0xFFFFE000];
	vm1 =	vmneg vm3;
	vm4 =	vgt.s32 v23, $0x32;
	v22 =	vadd.s32 v23, v22  }
0x136: {  	s31 =	simm.s32 $0x2;
	v26 =	vsel vm2, s20, v25;
	v24 =	vld [tilespmem:s18+$0xFFFFF000];
	vm5 =	vmand vm4, vm1;
	v20 =	vadd.s32 v20, v22  }
0x137: {  	v25 =	vld [tilespmem:s18+$0x0];
	vm1 =	vmor vm3, vm4;
	v27 =	vsel vm5, s31, v26;
	v20 =	vadd.s32 v28, v20  }
0x138: {  	s22 =	simm.s32 $0x3;
	p0 =	por $0x1, $0x1;
	s20 =	simm.s32 $0x8;
	vm2 =	vmneg vm1;
	v26 =	vld [tilespmem:s18+$0x1000];
	v28 =	vsel vm5, v29, v30;
	vm3 =	vgt.s32 v20, $0x32  }
.LBB2_10:
0x139: {  	p1 =	slt.u32 s20, $0xFC;
	v22 =	vld [tilespmem:s18+$0xFFFFE020];
	vm2 =	vmand vm3, vm2;
	vm1 =	vmor vm1, vm3;
	s21 =	smov.u32 s20;
	s20 =	sadd.s32 $0x4, s20  }
0x13a: {  	v21 =	vadd.s32 v20, v21;
	v29 =	vld [tilespmem:s18+$0x10];
	v27 =	vsel vm2, s22, v27;
	v23 =	vsel vm2, v23, v28  }
0x13b: {  	v21 =	vadd.s32 v24, v21;
	v24 =	vld [tilespmem:s18+$0x1010]  }
0x13c: {  	v21 =	vadd.s32 v25, v21;
	v25 =	vld [tilespmem:s18+$0xFFFFE030]  }
0x13d: {  	v17 =	vadd.s32 v18, v17;
	v21 =	vadd.s32 v26, v21;
	v18 =	vld [tilespmem:s18+$0x20]  }
0x13e: {  	v17 =	vadd.s32 v21, v17;
	v22 =	vadd.s32 v22, v16;
	v26 =	vld [tilespmem:s18+$0x1020]  }
0x13f: {  	vm2 =	vmneg vm1;
	vm3 =	vgt.s32 v21, $0x32;
	v16 =	vadd.s32 v29, v17;
	v28 =	vld [tilespmem:s18+$0x1030]  }
0x140: {  	vm2 =	vmand vm3, vm2;
	vm1 =	vmor vm1, vm3;
	v29 =	vadd.s32 v24, v16;
	v30 =	vld [tilespmem:s18+$0x30];
	s18 =	sadd.s32 $0x40, s18  }
0x141: {  	vm3 =	vmneg vm1;
	vm4 =	vgt.s32 v29, $0x32;
	v24 =	vadd.s32 v25, v19;
	v19 =	vld [tilespmem:s18+$0xFFFFF030]  }
0x142: {  	v20 =	vsel vm2, v20, v23;
	v22 =	vadd.s32 v29, v22;
	v16 =	vld [tilespmem:s18+$0xFFFFF020];
	vm1 =	vmor vm1, vm4  }
0x143: {  	s22 =	sadd.s32 $0x1, s19;
	v23 =	vsel vm2, s19, v27;
	vm2 =	vmand vm4, vm3;
	v22 =	vadd.s32 v18, v22;
	v17 =	vld [tilespmem:s18+$0xFFFFF010]  }
.Ltmp8:
0x144: {  	v27 =	vsel vm2, s22, v23;
	v31 =	vsel vm2, v21, v20;
	v23 =	vadd.s32 v26, v22;
	v18 =	vld [tilespmem:s18+$0xFFFFE010];
	(pc) =	sbr.rel @p1 .LBB2_10-.Ltmp8, $4  }
0x145: {  	vm2 =	vmneg vm1;
	vm3 =	vgt.s32 v23, $0x32;
	v20 =	vadd.s32 v23, v24;
	v21 =	vld [tilespmem:s18+$0xFFFFE000]  }
0x146: {  	s22 =	sadd.s32 $0x2, s19;
	vm4 =	vmand vm3, vm2;
	vm1 =	vmor vm1, vm3;
	v20 =	vadd.s32 v30, v20;
	v24 =	vld [tilespmem:s18+$0xFFFFF000]  }
0x147: {  	v27 =	vsel vm4, s22, v27;
	v20 =	vadd.s32 v28, v20;
	vm2 =	vmneg vm1;
	v25 =	vld [tilespmem:s18+$0x0]  }
0x148: {  	v28 =	vsel vm4, v29, v31;
	s22 =	sadd.s32 $0x3, s19;
	s19 =	smov.u32 s21;
	vm3 =	vgt.s32 v20, $0x32;
	v26 =	vld [tilespmem:s18+$0x1000]  }
0x149: {  	v22 =	vmov v19  }
.LBB2_12:
0x14a: {  	v19 =	vld [tilespmem:s18+$0xFFFFE020]  }
0x14b: {  	v21 =	vadd.s32 v20, v21;
	v29 =	vld [tilespmem:s18+$0x10];
	vm2 =	vmand @p0 vm3, vm2;
	vm1 =	vmor @p0 vm1, vm3  }
0x14c: {  	v57 =	vld [tilespmem:s18+$0x1010];
	v17 =	vadd.s32 v18, v17;
	v21 =	vadd.s32 v24, v21;
	v18 =	vsel @p0 vm2, v23, v28  }
0x14d: {  	v58 =	vld [tilespmem:s18+$0xFFFFE030];
	v21 =	vadd.s32 v25, v21;
	v25 =	vsel @p0 vm2, s22, v27;
	vm2 =	vmmov vm0  }
0x14e: {  	v59 =	vld [tilespmem:s18+$0x20];
	v18 =	vpsel p0, v18, v15;
	v21 =	vadd.s32 v26, v21;
	vm2 =	vmmov @p0 vm1  }
0x14f: {  	v62 =	vpsel p0, v25, v15;
	v17 =	vadd.s32 v21, v17;
	v16 =	vadd.s32 v19, v16;
	v19 =	vld [tilespmem:s18+$0x1020]  }
0x150: {  	vm1 =	vgt.s32 v21, $0x32;
	vm3 =	vmneg vm2;
	v17 =	vadd.s32 v29, v17  }
0x151: {  	v60 =	vld [tilespmem:s18+$0x30];
	vm2 =	vmor vm2, vm1;
	vm1 =	vmand vm1, vm3;
	v17 =	vadd.s32 v57, v17  }
0x152: {  	v61 =	vld [tilespmem:s18+$0x1030];
	v22 =	vadd.s32 v58, v22;
	vm3 =	vmneg vm2;
	v16 =	vadd.s32 v17, v16  }
0x153: {  	v18 =	vsel vm1, v20, v18;
	vm4 =	vgt.s32 v17, $0x32;
	v16 =	vadd.s32 v59, v16  }
0x154: {  	v20 =	vsel vm1, s19, v62;
	vm1 =	vmand vm4, vm3;
	v19 =	vadd.s32 v19, v16  }
0x155: {  	s29 =	sadd.s32 $0x1, s19;
	vm2 =	vmor vm2, vm4;
	v18 =	vsel vm1, v21, v18;
	v63 =	vadd.s32 v19, v22  }
0x156: {  	v16 =	vsel vm1, s29, v20;
	vm1 =	vgt.s32 v19, $0x32;
	v20 =	vadd.s32 v60, v63  }
0x157: {  	vm3 =	vmneg vm2;
	vm2 =	vmor vm2, vm1;
	v20 =	vadd.s32 v61, v20  }
0x158: {  	s30 =	sadd.s32 $0x2, s19;
	vm1 =	vmand vm1, vm3;
	vm2 =	vmneg vm2;
	vm3 =	vgt.s32 v20, $0x32  }
0x159: {  	s31 =	sadd.s32 $0x3, s19;
	v16 =	vsel vm1, s30, v16;
	v17 =	vsel vm1, v17, v18;
	vm1 =	vmand vm3, vm2  }
0x15a: {  	v16 =	vsel vm1, s31, v16;
	v17 =	vsel vm1, v19, v17  }
.LBB2_13:
0x15b: {  	v18 =	vor.u32 s17, v1;
	_ =	sdelay $0x4  }
0x15c: {  	v18 =	vld.idx.msk [tilespmem:v18+s3+$0x0], $0xffff;
	_ =	sdelay $0x4  }
0x15d: {  	v19 =	vshrl.u32 v18, $0x16  }
0x15e: {  	vm1 =	veq.s32 v19, v16  }
0x15f: {  	v19 =	vadd.s32 v1, v15  }
0x160: {  	s18 =	sadd.s32 $0x1, s17  }
0x161: {  	v20 =	vor.u32 s18, v4;
	_ =	sdelay $0x2  }
0x162: {  	[tilespmem:v19+s10+$0x0] =	vst.idx.msk vm1, v18;
	v18 =	vmov s17  }
0x163: {  	[tilespmem:v19+s11+$0x0] =	vst.idx.msk vm1, v18  }
0x164: {  	v18 =	vld.idx.msk [tilespmem:v20+s3+$0x0], $0xffff;
	_ =	sdelay $0x4  }
0x165: {  	v19 =	vsel vm1, $0x1, v2;
	v20 =	vshrl.u32 v18, $0x16  }
0x166: {  	v15 =	vadd.s32 v19, v15;
	vm1 =	veq.s32 v20, v16  }
0x167: {  	v19 =	vadd.s32 v1, v15  }
0x168: {  	s19 =	sadd.s32 $0x2, s17  }
0x169: {  	v57 =	vor.u32 s19, v7;
	_ =	sdelay $0x2  }
0x16a: {  	[tilespmem:v19+s10+$0x0] =	vst.idx.msk vm1, v18;
	v18 =	vmov s18  }
0x16b: {  	[tilespmem:v19+s11+$0x0] =	vst.idx.msk vm1, v18  }
0x16c: {  	v18 =	vld.idx.msk [tilespmem:v57+s3+$0x0], $0xffff;
	_ =	sdelay $0x4  }
0x16d: {  	v19 =	vsel vm1, $0x1, v2;
	v20 =	vshrl.u32 v18, $0x16  }
0x16e: {  	v15 =	vadd.s32 v19, v15;
	vm1 =	veq.s32 v20, v16  }
0x16f: {  	v19 =	vadd.s32 v1, v15  }
0x170: {  	s26 =	sadd.s32 $0x3, s17  }
0x171: {  	v58 =	vor.u32 s26, v9;
	_ =	sdelay $0x2  }
0x172: {  	[tilespmem:v19+s10+$0x0] =	vst.idx.msk vm1, v18;
	v18 =	vmov s19  }
0x173: {  	[tilespmem:v19+s11+$0x0] =	vst.idx.msk vm1, v18  }
0x174: {  	v18 =	vld.idx.msk [tilespmem:v58+s3+$0x0], $0xffff;
	_ =	sdelay $0x4  }
0x175: {  	v19 =	vsel vm1, $0x1, v2;
	v20 =	vshrl.u32 v18, $0x16  }
0x176: {  	v15 =	vadd.s32 v19, v15;
	vm1 =	veq.s32 v20, v16  }
0x177: {  	v19 =	vadd.s32 v1, v15  }
0x178: {  	s28 =	sadd.s32 $0x4, s17  }
0x179: {  	v59 =	vor.u32 s28, v11;
	_ =	sdelay $0x2  }
0x17a: {  	[tilespmem:v19+s10+$0x0] =	vst.idx.msk vm1, v18;
	v18 =	vmov s26  }
0x17b: {  	[tilespmem:v19+s11+$0x0] =	vst.idx.msk vm1, v18  }
0x17c: {  	v18 =	vld.idx.msk [tilespmem:v59+s3+$0x0], $0xffff;
	_ =	sdelay $0x4  }
0x17d: {  	v19 =	vsel vm1, $0x1, v2;
	v20 =	vshrl.u32 v18, $0x16  }
0x17e: {  	v15 =	vadd.s32 v19, v15;
	vm1 =	veq.s32 v20, v16  }
0x17f: {  	v19 =	vadd.s32 v1, v15  }
0x180: {  	s29 =	sadd.s32 $0x5, s17  }
0x181: {  	v60 =	vor.u32 s29, v12;
	_ =	sdelay $0x2  }
0x182: {  	[tilespmem:v19+s10+$0x0] =	vst.idx.msk vm1, v18;
	v18 =	vmov s28  }
0x183: {  	[tilespmem:v19+s11+$0x0] =	vst.idx.msk vm1, v18  }
0x184: {  	v18 =	vld.idx.msk [tilespmem:v60+s3+$0x0], $0xffff;
	_ =	sdelay $0x4  }
0x185: {  	v19 =	vsel vm1, $0x1, v2;
	v20 =	vshrl.u32 v18, $0x16  }
0x186: {  	v15 =	vadd.s32 v19, v15;
	vm1 =	veq.s32 v20, v16  }
0x187: {  	v19 =	vadd.s32 v1, v15  }
0x188: {  	s30 =	sadd.s32 $0x6, s17  }
0x189: {  	v61 =	vor.u32 s30, v13;
	_ =	sdelay $0x2  }
0x18a: {  	[tilespmem:v19+s10+$0x0] =	vst.idx.msk vm1, v18;
	v18 =	vmov s29  }
0x18b: {  	[tilespmem:v19+s11+$0x0] =	vst.idx.msk vm1, v18  }
0x18c: {  	v18 =	vld.idx.msk [tilespmem:v61+s3+$0x0], $0xffff;
	_ =	sdelay $0x4  }
0x18d: {  	v19 =	vsel vm1, $0x1, v2;
	v20 =	vshrl.u32 v18, $0x16  }
0x18e: {  	v15 =	vadd.s32 v19, v15;
	vm1 =	veq.s32 v20, v16  }
0x18f: {  	v19 =	vadd.s32 v1, v15  }
0x190: {  	s31 =	sadd.s32 $0x7, s17  }
0x191: {  	v62 =	vor.u32 s31, v14;
	_ =	sdelay $0x2  }
0x192: {  	[tilespmem:v19+s10+$0x0] =	vst.idx.msk vm1, v18;
	v18 =	vmov s30  }
0x193: {  	[tilespmem:v19+s11+$0x0] =	vst.idx.msk vm1, v18  }
0x194: {  	v18 =	vld.idx.msk [tilespmem:v62+s3+$0x0], $0xffff;
	_ =	sdelay $0x4  }
0x195: {  	v19 =	vsel vm1, $0x1, v2;
	v20 =	vshrl.u32 v18, $0x16  }
0x196: {  	v15 =	vadd.s32 v19, v15;
	vm1 =	veq.s32 v20, v16  }
0x197: {  	v19 =	vadd.s32 v1, v15  }
0x198: {  	p0 =	slt.u32 s17, $0x7F8  }
.Ltmp9:
0x199: {  	_ = 	snop;
	(pc) =	sbr.rel @p0 .LBB2_13-.Ltmp9, $3  }
0x19a: {  	_ =	sdelay $0x1  }
0x19b: {  	v63 =	vmov s31;
	[tilespmem:v19+s10+$0x0] =	vst.idx.msk vm1, v18;
	v18 =	vsel vm1, $0x1, v2  }
0x19c: {  	s17 =	sadd.s32 $0x8, s17;
	s18 =	simm.s32 $0x8040;
	s19 =	simm.s32 $0xFFFFFFF8;
	[tilespmem:v19+s11+$0x0] =	vst.idx.msk vm1, v63;
	v15 =	vadd.s32 v18, v15  }
0x19d: {  	[tilespmem:s18+$0xFFFFFFC0] =	vst v2  }
0x19e: {  	[tilespmem:s18+$0x30] =	vst v2  }
0x19f: {  	[tilespmem:s18+$0x20] =	vst v2  }
0x1a0: {  	[tilespmem:s18+$0x10] =	vst v2  }
0x1a1: {  	[tilespmem:s18+$0x0] =	vst v2  }
0x1a2: {  	[tilespmem:s18+$0xFFFFFFF0] =	vst v2  }
0x1a3: {  	s17 =	sadd.s32 $0x8, s19;
	[tilespmem:s18+$0xFFFFFFE0] =	vst v2  }
.LBB2_15:
0x1a4: {  	s17 =	sadd.s32 $0x8, s17;
	[tilespmem:s18+$0xFFFFFFD0] =	vst v2;
	s18 =	sadd.s32 $0x80, s18  }
0x1a5: {  	[tilespmem:s18+$0xFFFFFFC0] =	vst v2;
	p0 =	slt.u32 s17, $0xF8  }
0x1a6: {  	[tilespmem:s18+$0x30] =	vst v2  }
.Ltmp10:
0x1a7: {  	[tilespmem:s18+$0x20] =	vst v2;
	(pc) =	sbr.rel @p0 .LBB2_15-.Ltmp10, $4  }
0x1a8: {  	[tilespmem:s18+$0x10] =	vst v2  }
0x1a9: {  	[tilespmem:s18+$0x0] =	vst v2  }
0x1aa: {  	[tilespmem:s18+$0xFFFFFFF0] =	vst v2  }
0x1ab: {  	[tilespmem:s18+$0xFFFFFFE0] =	vst v2  }
0x1ac: {  	v18 =	vxor.u32 $0x80000000, v15  }
0x1ad: {  	(xrf0) =	vmax.scan.msk.u32 $0xffff, v18;
	_ =	sdelay $0x5  }
0x1ae: {  	v18, _, _ =	vpop (xrf0)  }
0x1af: {  	(v2sf) =	vpush v18, $0xF;
	_ =	sdelay $0xe  }
0x1b0: {  	s17 =	spop (v2sf)  }
0x1b1: {  	s17 =	sxor.u32 $0x80000000, s17  }
0x1b2: {  	p0 =	sgt.s32 s17, $0x0  }
.Ltmp11:
0x1b3: {  	_ = 	snop;
	(pc) =	sbr.rel @!p0 .LBB2_20-.Ltmp11, $2  }
0x1b4: {  	_ =	sdelay $0x2  }
0x1b5: {  	[tilespmem:s18+$0xFFFFFFD0] =	vst v2;
	v16 =	vshll.u32 v16, $0x16;
	s18 =	simm.s32 $0x0  }
0x1b6: {  	v18 =	vadd.s32 s18, v1;
	_ =	sdelay $0x4  }
0x1b7: {  	v18 =	vld.idx.msk [tilespmem:v18+s10+$0x0], $0xffff;
	_ =	sdelay $0x2  }
0x1b8: {  	p1 =	sne.s32 s17, $0x1  }
.Ltmp12:
0x1b9: {  	_ = 	snop;
	(pc) =	sbr.rel @!p1 .LBB2_19-.Ltmp12, $4  }
0x1ba: {  	v19 =	vmov s18;
	v20 =	vand.u32 $0xFFC00000, v18  }
0x1bb: {  	vm2 =	vlt.s32 v19, v15;
	v18 =	vshrl.u32 v18, $0xA;
	vm1 =	veq.s32 v20, v16  }
0x1bc: {  	v18 =	vand.u32 $0xFF0, v18;
	vm1 =	vmand vm2, vm1  }
0x1bd: {  	s19 =	simm.s32 $0x1;
	v18 =	vor.u32 v0, v18  }
.LBB2_18:
0x1be: {  	v19 =	vadd.s32 s19, v1;
	s20 =	smov.u32 s19;
	s19 =	sadd.s32 $0x1, s19  }
0x1bf: {  	p1 =	sne.s32 s17, s19;
	_ =	sdelay $0x2  }
0x1c0: {  	[tilespmem:v18+s9+$0x0] =	vst.idx.add.s32.msk vm1, v3  }
0x1c1: {  	v18 =	vld.idx.msk [tilespmem:v19+s10+$0x0], $0xffff;
	_ =	sdelay $0x4  }
.Ltmp13:
0x1c2: {  	(pc) =	sbr.rel @p1 .LBB2_18-.Ltmp13, $4  }
0x1c3: {  	v19 =	vmov s20;
	v20 =	vand.u32 $0xFFC00000, v18  }
0x1c4: {  	vm2 =	vlt.s32 v19, v15;
	v18 =	vshrl.u32 v18, $0xA;
	vm1 =	veq.s32 v20, v16  }
0x1c5: {  	v18 =	vand.u32 $0xFF0, v18;
	vm1 =	vmand vm2, vm1  }
0x1c6: {  	v18 =	vor.u32 v0, v18  }
.LBB2_19:
0x1c7: {  	_ =	sdelay $0x4  }
0x1c8: {  	[tilespmem:v18+s9+$0x0] =	vst.idx.add.s32.msk vm1, v3  }
.LBB2_20:
0x1c9: {  	s19 =	simm.s32 $0x8020  }
0x1ca: {  	v18 =	vld [tilespmem:s19+$0xFFFFFFE0]  }
0x1cb: {  	v19 =	vld [tilespmem:s19+$0xFFFFFFF0];
	_ =	sdelay $0x1  }
0x1cc: {  	v21 =	vld [tilespmem:s19+$0x0]  }
0x1cd: {  	v20 =	vimm.s32 $0x0;
	v23 =	vld [tilespmem:s19+$0x10]  }
0x1ce: {  	v17 =	vsub.s32 $0x33, v17;
	s20 =	simm.s32 $0x8060;
	v22 =	vadd.s32 v20, v18  }
0x1cf: {  	v25 =	vld [tilespmem:s20+$0xFFFFFFE0];
	vm2 =	vge.s32 v22, v17;
	v24 =	vadd.s32 v19, v22  }
0x1d0: {  	vm1 =	vmneg vm0;
	vm3 =	vmor vm0, vm2;
	vm4 =	vge.s32 v24, v17  }
0x1d1: {  	vm2 =	vmand vm2, vm1;
	v18 =	vadd.s32 v21, v24;
	vm5 =	vmor vm3, vm4  }
0x1d2: {  	vm3 =	vmneg vm3;
	v26 =	vsel vm2, s18, v20;
	v19 =	vadd.s32 v23, v18  }
0x1d3: {  	v21 =	vld [tilespmem:s20+$0xFFFFFFF0];
	v27 =	vsel vm2, v20, v20;
	vm6 =	vmneg vm5;
	vm7 =	vmand vm4, vm3  }
0x1d4: {  	vm3 =	vge.s32 v18, v17;
	vm4 =	vge.s32 v19, v17;
	v20 =	vadd.s32 v19, v25  }
0x1d5: {  	s31 =	simm.s32 $0x1;
	v23 =	vld [tilespmem:s20+$0x0];
	vm8 =	vmand vm3, vm6;
	vm3 =	vmor vm5, vm3;
	v22 =	vsel vm7, v22, v27  }
0x1d6: {  	s21 =	simm.s32 $0x2;
	v25 =	vsel vm7, s31, v26;
	vm2 =	vmneg vm3;
	vm5 =	vmor vm3, vm4  }
0x1d7: {  	v24 =	vsel vm8, v24, v22;
	v25 =	vsel vm8, s21, v25;
	vm6 =	vmneg vm5  }
0x1d8: {  	vm3 =	vmand vm4, vm2;
	vm2 =	vge.s32 v20, v17;
	v21 =	vadd.s32 v21, v20  }
0x1d9: {  	s19 =	simm.s32 $0x8;
	v22 =	vld [tilespmem:s20+$0x10];
	vm9 =	vmor vm5, vm2;
	vm4 =	vge.s32 v21, v17;
	vm2 =	vmand vm2, vm6  }
0x1da: {  	s18 =	simm.s32 $0x4;
	s20 =	simm.s32 $0x80A0;
	s21 =	simm.s32 $0x3;
	v23 =	vadd.s32 v23, v21;
	vm5 =	vmor vm9, vm4;
	vm6 =	vmneg vm9  }
.LBB2_21:
0x1db: {  	p1 =	slt.u32 s19, $0xFC  }
0x1dc: {  	v26 =	vld [tilespmem:s20+$0xFFFFFFE0];
	vm7 =	vmneg vm5;
	v25 =	vsel vm3, s21, v25;
	v24 =	vsel vm3, v18, v24;
	v18 =	vmovc v23;
	s21 =	smov.u32 s18;
	s18 =	smov.u32 s19;
	s19 =	sadd.s32 $0x4, s19  }
0x1dd: {  	v23 =	vld [tilespmem:s20+$0xFFFFFFF0];
	v25 =	vsel vm2, s21, v25  }
0x1de: {  	vm6 =	vmand vm4, vm6;
	vm3 =	vge.s32 v18, v17;
	v27 =	vld [tilespmem:s20+$0x0];
	v22 =	vadd.s32 v22, v18  }
0x1df: {  	vm7 =	vmand vm3, vm7;
	vm3 =	vmor vm5, vm3;
	vm4 =	vge.s32 v22, v17  }
0x1e0: {  	v24 =	vsel vm2, v19, v24;
	vm2 =	vmneg vm3;
	v19 =	vmovc v22;
	vm5 =	vmor vm3, vm4  }
.Ltmp14:
0x1e1: {  	vm3 =	vmand vm4, vm2;
	v22 =	vadd.s32 v22, v26;
	vm8 =	vmneg vm5;
	(pc) =	sbr.rel @p1 .LBB2_21-.Ltmp14, $4  }
0x1e2: {  	v24 =	vsel vm6, v20, v24;
	vm2 =	vge.s32 v22, v17;
	v23 =	vadd.s32 v23, v22;
	v20 =	vmovc v22  }
0x1e3: {  	s22 =	sadd.s32 $0x1, s21;
	v24 =	vsel vm7, v21, v24;
	vm9 =	vmor vm5, vm2;
	vm4 =	vge.s32 v23, v17;
	v22 =	vld [tilespmem:s20+$0x10];
	v21 =	vmovc v23  }
0x1e4: {  	v25 =	vsel vm6, s22, v25;
	s22 =	sadd.s32 $0x2, s21;
	vm2 =	vmand vm2, vm8;
	vm5 =	vmor vm9, vm4  }
0x1e5: {  	s21 =	sadd.s32 $0x3, s21;
	v25 =	vsel vm7, s22, v25;
	s20 =	sadd.s32 $0x40, s20;
	vm6 =	vmneg vm9;
	v23 =	vadd.s32 v27, v21  }
0x1e6: {  	v25 =	vsel vm3, s21, v25;
	s19 =	sadd.s32 $0x1, s18  }
0x1e7: {  	s30 =	sadd.s32 $0x2, s18;
	s31 =	sadd.s32 $0x3, s18;
	v63 =	vsel vm2, s18, v25;
	s18 =	simm.s32 $0x8040  }
0x1e8: {  	[tilespmem:s18+$0xFFFFFFC0] =	vst v2  }
0x1e9: {  	vm7 =	vmneg vm5;
	v18 =	vsel vm3, v18, v24;
	vm3 =	vge.s32 v23, v17;
	[tilespmem:s18+$0x30] =	vst v2  }
0x1ea: {  	vm4 =	vmand vm4, vm6;
	vm14 =	vmand vm3, vm7;
	vm3 =	vmor vm5, vm3;
	[tilespmem:s18+$0x20] =	vst v2  }
0x1eb: {  	v18 =	vsel vm2, v19, v18;
	v22 =	vadd.s32 v22, v23;
	vm2 =	vmneg vm3;
	[tilespmem:s18+$0x10] =	vst v2  }
0x1ec: {  	v18 =	vsel vm4, v20, v18;
	v19 =	vsel vm4, s19, v63;
	[tilespmem:s18+$0x0] =	vst v2;
	vm15 =	vge.s32 v22, v17  }
0x1ed: {  	[tilespmem:s18+$0xFFFFFFF0] =	vst v2;
	v20 =	vsel vm14, v21, v18;
	v18 =	vsel vm14, s30, v19;
	vm2 =	vmand vm15, vm2  }
0x1ee: {  	s19 =	simm.s32 $0x0;
	[tilespmem:s18+$0xFFFFFFE0] =	vst v2;
	v18 =	vsel vm2, s31, v18;
	v19 =	vsel vm2, v23, v20  }
.LBB2_23:
0x1ef: {  	s19 =	sadd.s32 $0x8, s19;
	[tilespmem:s18+$0xFFFFFFD0] =	vst v2;
	s18 =	sadd.s32 $0x80, s18  }
0x1f0: {  	[tilespmem:s18+$0xFFFFFFC0] =	vst v2;
	p1 =	slt.u32 s19, $0xF8  }
0x1f1: {  	[tilespmem:s18+$0x30] =	vst v2  }
.Ltmp15:
0x1f2: {  	[tilespmem:s18+$0x20] =	vst v2;
	(pc) =	sbr.rel @p1 .LBB2_23-.Ltmp15, $4  }
0x1f3: {  	[tilespmem:s18+$0x10] =	vst v2  }
0x1f4: {  	[tilespmem:s18+$0x0] =	vst v2  }
0x1f5: {  	[tilespmem:s18+$0xFFFFFFF0] =	vst v2  }
0x1f6: {  	[tilespmem:s18+$0xFFFFFFE0] =	vst v2  }
.Ltmp16:
0x1f7: {  	(pc) =	sbr.rel @!p0 .LBB2_28-.Ltmp16, $3  }
0x1f8: {  	_ =	sdelay $0x1  }
0x1f9: {  	v18 =	vshll.u32 v18, $0xE  }
0x1fa: {  	[tilespmem:s18+$0xFFFFFFD0] =	vst v2;
	s18 =	simm.s32 $0x0;
	v18 =	vor.u32 v16, v18  }
0x1fb: {  	v16 =	vadd.s32 s18, v1;
	_ =	sdelay $0x4  }
0x1fc: {  	v16 =	vld.idx.msk [tilespmem:v16+s10+$0x0], $0xffff;
	_ =	sdelay $0x2  }
0x1fd: {  	p1 =	sne.s32 s17, $0x1  }
.Ltmp17:
0x1fe: {  	_ = 	snop;
	(pc) =	sbr.rel @!p1 .LBB2_27-.Ltmp17, $4  }
0x1ff: {  	v20 =	vmov s18;
	v21 =	vand.u32 $0xFFFFC000, v16  }
0x200: {  	vm3 =	vlt.s32 v20, v15;
	v16 =	vshrl.u32 v16, $0x2;
	vm2 =	veq.s32 v21, v18  }
0x201: {  	v16 =	vand.u32 $0xFF0, v16;
	vm2 =	vmand vm3, vm2  }
0x202: {  	s19 =	simm.s32 $0x1;
	v16 =	vor.u32 v0, v16  }
.LBB2_26:
0x203: {  	v20 =	vadd.s32 s19, v1;
	s20 =	smov.u32 s19;
	s19 =	sadd.s32 $0x1, s19  }
0x204: {  	p1 =	sne.s32 s17, s19;
	_ =	sdelay $0x2  }
0x205: {  	[tilespmem:v16+s9+$0x0] =	vst.idx.add.s32.msk vm2, v3  }
0x206: {  	v16 =	vld.idx.msk [tilespmem:v20+s10+$0x0], $0xffff;
	_ =	sdelay $0x4  }
.Ltmp18:
0x207: {  	(pc) =	sbr.rel @p1 .LBB2_26-.Ltmp18, $4  }
0x208: {  	v20 =	vmov s20;
	v21 =	vand.u32 $0xFFFFC000, v16  }
0x209: {  	vm3 =	vlt.s32 v20, v15;
	v16 =	vshrl.u32 v16, $0x2;
	vm2 =	veq.s32 v21, v18  }
0x20a: {  	v16 =	vand.u32 $0xFF0, v16;
	vm2 =	vmand vm3, vm2  }
0x20b: {  	v16 =	vor.u32 v0, v16  }
.LBB2_27:
0x20c: {  	_ =	sdelay $0x4  }
0x20d: {  	[tilespmem:v16+s9+$0x0] =	vst.idx.add.s32.msk vm2, v3  }
.LBB2_28:
0x20e: {  	s19 =	simm.s32 $0x8020  }
0x20f: {  	v20 =	vld [tilespmem:s19+$0xFFFFFFE0]  }
0x210: {  	v21 =	vld [tilespmem:s19+$0xFFFFFFF0];
	_ =	sdelay $0x1  }
0x211: {  	v23 =	vld [tilespmem:s19+$0x0]  }
0x212: {  	v22 =	vimm.s32 $0x0;
	v16 =	vsub.s32 v17, v19;
	v19 =	vld [tilespmem:s19+$0x10]  }
0x213: {  	v24 =	vadd.s32 v22, v20  }
0x214: {  	s20 =	simm.s32 $0x8060;
	vm2 =	vge.s32 v24, v16;
	v25 =	vadd.s32 v21, v24  }
0x215: {  	v20 =	vld [tilespmem:s20+$0xFFFFFFE0];
	vm3 =	vmor vm0, vm2;
	vm4 =	vge.s32 v25, v16  }
0x216: {  	v21 =	vld [tilespmem:s20+$0xFFFFFFF0];
	vm2 =	vmand vm2, vm1;
	v17 =	vadd.s32 v23, v25;
	vm5 =	vmor vm3, vm4  }
0x217: {  	vm3 =	vmneg vm3;
	v23 =	vsel vm2, s18, v22;
	v19 =	vadd.s32 v19, v17  }
0x218: {  	vm6 =	vmneg vm5;
	vm7 =	vmand vm4, vm3;
	vm3 =	vge.s32 v17, v16  }
0x219: {  	v26 =	vld [tilespmem:s20+$0x0];
	v22 =	vsel vm2, v22, v22;
	vm4 =	vge.s32 v19, v16;
	vm8 =	vmand vm3, vm6  }
0x21a: {  	vm3 =	vmor vm5, vm3;
	v20 =	vadd.s32 v19, v20;
	v22 =	vsel vm7, v24, v22  }
0x21b: {  	s31 =	simm.s32 $0x1;
	vm2 =	vmneg vm3;
	vm5 =	vmor vm3, vm4;
	v21 =	vadd.s32 v21, v20  }
0x21c: {  	v24 =	vsel vm8, v25, v22;
	v25 =	vsel vm7, s31, v23;
	vm6 =	vmneg vm5  }
0x21d: {  	s21 =	simm.s32 $0x2;
	vm3 =	vmand vm4, vm2;
	vm2 =	vge.s32 v20, v16;
	vm4 =	vge.s32 v21, v16  }
0x21e: {  	s19 =	simm.s32 $0x8;
	v22 =	vld [tilespmem:s20+$0x10];
	v23 =	vadd.s32 v26, v21;
	v25 =	vsel vm8, s21, v25;
	vm9 =	vmor vm5, vm2  }
0x21f: {  	s18 =	simm.s32 $0x4;
	s20 =	simm.s32 $0x80A0;
	s21 =	simm.s32 $0x3;
	vm2 =	vmand vm2, vm6;
	vm5 =	vmor vm9, vm4;
	vm6 =	vmneg vm9  }
.LBB2_29:
0x220: {  	p1 =	slt.u32 s19, $0xFC  }
0x221: {  	v26 =	vld [tilespmem:s20+$0xFFFFFFE0];
	vm7 =	vmneg vm5;
	v25 =	vsel vm3, s21, v25;
	v24 =	vsel vm3, v17, v24;
	v17 =	vmovc v23;
	s21 =	smov.u32 s18;
	s18 =	smov.u32 s19;
	s19 =	sadd.s32 $0x4, s19  }
0x222: {  	v23 =	vld [tilespmem:s20+$0xFFFFFFF0];
	v25 =	vsel vm2, s21, v25  }
0x223: {  	vm6 =	vmand vm4, vm6;
	vm3 =	vge.s32 v17, v16;
	v27 =	vld [tilespmem:s20+$0x0];
	v22 =	vadd.s32 v22, v17  }
0x224: {  	vm7 =	vmand vm3, vm7;
	vm3 =	vmor vm5, vm3;
	vm4 =	vge.s32 v22, v16  }
0x225: {  	v24 =	vsel vm2, v19, v24;
	vm2 =	vmneg vm3;
	v19 =	vmovc v22;
	vm5 =	vmor vm3, vm4  }
.Ltmp19:
0x226: {  	vm3 =	vmand vm4, vm2;
	v22 =	vadd.s32 v22, v26;
	vm8 =	vmneg vm5;
	(pc) =	sbr.rel @p1 .LBB2_29-.Ltmp19, $4  }
0x227: {  	v24 =	vsel vm6, v20, v24;
	vm2 =	vge.s32 v22, v16;
	v23 =	vadd.s32 v23, v22;
	v20 =	vmovc v22  }
0x228: {  	s22 =	sadd.s32 $0x1, s21;
	v24 =	vsel vm7, v21, v24;
	vm9 =	vmor vm5, vm2;
	vm4 =	vge.s32 v23, v16;
	v22 =	vld [tilespmem:s20+$0x10];
	v21 =	vmovc v23  }
0x229: {  	v25 =	vsel vm6, s22, v25;
	s22 =	sadd.s32 $0x2, s21;
	vm2 =	vmand vm2, vm8;
	vm5 =	vmor vm9, vm4  }
0x22a: {  	s21 =	sadd.s32 $0x3, s21;
	v25 =	vsel vm7, s22, v25;
	s20 =	sadd.s32 $0x40, s20;
	vm6 =	vmneg vm9;
	v23 =	vadd.s32 v27, v21  }
0x22b: {  	v25 =	vsel vm3, s21, v25;
	s19 =	sadd.s32 $0x1, s18  }
0x22c: {  	s30 =	sadd.s32 $0x2, s18;
	s31 =	sadd.s32 $0x3, s18;
	v63 =	vsel vm2, s18, v25;
	s18 =	simm.s32 $0x8040  }
0x22d: {  	[tilespmem:s18+$0xFFFFFFC0] =	vst v2  }
0x22e: {  	vm7 =	vmneg vm5;
	v17 =	vsel vm3, v17, v24;
	vm3 =	vge.s32 v23, v16;
	[tilespmem:s18+$0x30] =	vst v2  }
0x22f: {  	vm4 =	vmand vm4, vm6;
	vm14 =	vmand vm3, vm7;
	vm3 =	vmor vm5, vm3;
	[tilespmem:s18+$0x20] =	vst v2  }
0x230: {  	v17 =	vsel vm2, v19, v17;
	v22 =	vadd.s32 v22, v23;
	vm2 =	vmneg vm3;
	[tilespmem:s18+$0x10] =	vst v2  }
0x231: {  	v17 =	vsel vm4, v20, v17;
	v19 =	vsel vm4, s19, v63;
	[tilespmem:s18+$0x0] =	vst v2;
	vm15 =	vge.s32 v22, v16  }
0x232: {  	[tilespmem:s18+$0xFFFFFFF0] =	vst v2;
	v20 =	vsel vm14, v21, v17;
	v17 =	vsel vm14, s30, v19;
	vm2 =	vmand vm15, vm2  }
0x233: {  	s19 =	simm.s32 $0x0;
	[tilespmem:s18+$0xFFFFFFE0] =	vst v2;
	v17 =	vsel vm2, s31, v17;
	v19 =	vsel vm2, v23, v20  }
.LBB2_31:
0x234: {  	s19 =	sadd.s32 $0x8, s19;
	[tilespmem:s18+$0xFFFFFFD0] =	vst v2;
	s18 =	sadd.s32 $0x80, s18  }
0x235: {  	[tilespmem:s18+$0xFFFFFFC0] =	vst v2;
	p1 =	slt.u32 s19, $0x38  }
0x236: {  	[tilespmem:s18+$0x30] =	vst v2  }
.Ltmp20:
0x237: {  	[tilespmem:s18+$0x20] =	vst v2;
	(pc) =	sbr.rel @p1 .LBB2_31-.Ltmp20, $4  }
0x238: {  	[tilespmem:s18+$0x10] =	vst v2  }
0x239: {  	[tilespmem:s18+$0x0] =	vst v2  }
0x23a: {  	[tilespmem:s18+$0xFFFFFFF0] =	vst v2  }
0x23b: {  	[tilespmem:s18+$0xFFFFFFE0] =	vst v2  }
.Ltmp21:
0x23c: {  	(pc) =	sbr.rel @!p0 .LBB2_36-.Ltmp21, $3  }
0x23d: {  	_ =	sdelay $0x1  }
0x23e: {  	v17 =	vshll.u32 v17, $0x6  }
0x23f: {  	[tilespmem:s18+$0xFFFFFFD0] =	vst v2;
	s18 =	simm.s32 $0x0;
	v17 =	vor.u32 v18, v17  }
0x240: {  	v18 =	vadd.s32 s18, v1;
	_ =	sdelay $0x4  }
0x241: {  	v18 =	vld.idx.msk [tilespmem:v18+s10+$0x0], $0xffff;
	_ =	sdelay $0x2  }
0x242: {  	p0 =	sne.s32 s17, $0x1  }
.Ltmp22:
0x243: {  	_ = 	snop;
	(pc) =	sbr.rel @!p0 .LBB2_35-.Ltmp22, $4  }
0x244: {  	v21 =	vmov s18;
	v20 =	vand.u32 $0xFFFFFFC0, v18  }
0x245: {  	vm3 =	vlt.s32 v21, v15;
	v18 =	vshll.u32 v18, $0x4;
	vm2 =	veq.s32 v20, v17  }
0x246: {  	v20 =	vor.u32 v0, v18;
	v18 =	vor.u32 $0x3F8, v0;
	vm2 =	vmand vm3, vm2  }
0x247: {  	s19 =	simm.s32 $0x1;
	v20 =	vand.u32 v18, v20  }
.LBB2_34:
0x248: {  	v21 =	vadd.s32 s19, v1;
	s20 =	smov.u32 s19;
	s19 =	sadd.s32 $0x1, s19  }
0x249: {  	p0 =	sne.s32 s17, s19;
	_ =	sdelay $0x2  }
0x24a: {  	[tilespmem:v20+s9+$0x0] =	vst.idx.add.s32.msk vm2, v3  }
0x24b: {  	v20 =	vld.idx.msk [tilespmem:v21+s10+$0x0], $0xffff;
	_ =	sdelay $0x4  }
.Ltmp23:
0x24c: {  	(pc) =	sbr.rel @p0 .LBB2_34-.Ltmp23, $4  }
0x24d: {  	v21 =	vmov s20;
	v22 =	vand.u32 $0xFFFFFFC0, v20  }
0x24e: {  	vm3 =	vlt.s32 v21, v15;
	v20 =	vshll.u32 v20, $0x4;
	vm2 =	veq.s32 v22, v17  }
0x24f: {  	v20 =	vor.u32 v0, v20;
	vm2 =	vmand vm3, vm2  }
0x250: {  	v20 =	vand.u32 v18, v20  }
.LBB2_35:
0x251: {  	_ =	sdelay $0x4  }
0x252: {  	[tilespmem:v20+s9+$0x0] =	vst.idx.add.s32.msk vm2, v3  }
.LBB2_36:
0x253: {  	s19 =	simm.s32 $0x8020  }
0x254: {  	v20 =	vld [tilespmem:s19+$0xFFFFFFE0]  }
0x255: {  	v21 =	vld [tilespmem:s19+$0xFFFFFFF0]  }
0x256: {  	v22 =	vld [tilespmem:s19+$0x0];
	_ =	sdelay $0x1  }
0x257: {  	v23 =	vimm.s32 $0x0  }
0x258: {  	v18 =	vsub.s32 v16, v19;
	v25 =	vadd.s32 v23, v20  }
0x259: {  	s22 =	simm.s32 $0x8060;
	v24 =	vld [tilespmem:s19+$0x10];
	vm2 =	vge.s32 v25, v18;
	v16 =	vadd.s32 v21, v25  }
0x25a: {  	v20 =	vld [tilespmem:s22+$0xFFFFFFE0];
	vm3 =	vge.s32 v16, v18;
	v19 =	vadd.s32 v22, v16;
	vm4 =	vmor vm0, vm2  }
0x25b: {  	v22 =	vld [tilespmem:s22+$0xFFFFFFF0];
	vm1 =	vmand vm2, vm1;
	vm2 =	vmor vm4, vm3;
	vm4 =	vmneg vm4  }
0x25c: {  	s31 =	simm.s32 $0x1;
	v21 =	vsel vm1, s18, v23;
	v23 =	vsel vm1, v23, v23;
	vm3 =	vmand vm3, vm4  }
0x25d: {  	v26 =	vld [tilespmem:s22+$0x0];
	vm6 =	vge.s32 v19, v18;
	vm5 =	vmneg vm2;
	v27 =	vsel vm3, s31, v21  }
0x25e: {  	v21 =	vadd.s32 v24, v19;
	v24 =	vsel vm3, v25, v23;
	vm3 =	vmor vm2, vm6  }
0x25f: {  	vm5 =	vmand vm6, vm5;
	v20 =	vadd.s32 v21, v20;
	vm7 =	vge.s32 v21, v18  }
0x260: {  	vm8 =	vmneg vm3;
	vm2 =	vge.s32 v20, v18;
	v22 =	vadd.s32 v22, v20  }
0x261: {  	s20 =	simm.s32 $0x3;
	s23 =	simm.s32 $0x2;
	s21 =	simm.s32 $0x8;
	vm4 =	vmor vm3, vm7;
	vm3 =	vmand vm7, vm8;
	vm1 =	vge.s32 v22, v18  }
0x262: {  	s19 =	simm.s32 $0x7;
	s18 =	simm.s32 $0x4;
	v23 =	vld [tilespmem:s22+$0x10];
	s22 =	simm.s32 $0x80A0;
	vm6 =	vmneg vm4;
	v25 =	vadd.s32 v26, v22;
	v26 =	vsel vm5, s23, v27  }
.LBB2_37:
0x263: {  	s23 =	sadd.s32 $0x3, s21  }
0x264: {  	v27 =	vld [tilespmem:s22+$0xFFFFFFE0];
	p0 =	slt.u32 s21, $0x3C;
	vm6 =	vmand vm2, vm6;
	vm2 =	vmor vm4, vm2;
	v24 =	vsel vm5, v16, v24;
	v16 =	vmovc v22;
	s24 =	smov.u32 s21;
	s21 =	sadd.s32 $0x4, s21  }
0x265: {  	v26 =	vsel vm3, s20, v26;
	s20 =	smov.u32 s19;
	v22 =	vld [tilespmem:s22+$0xFFFFFFF0];
	vm4 =	vmor vm2, vm1;
	v24 =	vsel vm3, v19, v24;
	v19 =	vmovc v25;
	s19 =	smov.u32 s23  }
0x266: {  	vm2 =	vmneg vm2;
	v25 =	vld [tilespmem:s22+$0x0];
	vm3 =	vmneg vm4  }
0x267: {  	v26 =	vsel vm6, s18, v26;
	s23 =	sadd.s32 $0x1, s18;
	v24 =	vsel vm6, v21, v24;
	vm1 =	vmand vm1, vm2;
	v28 =	vld [tilespmem:s22+$0x10]  }
0x268: {  	vm5 =	vge.s32 v19, v18;
	v21 =	vadd.s32 v23, v19;
	v26 =	vsel vm1, s23, v26  }
.Ltmp24:
0x269: {  	v24 =	vsel vm1, v20, v24;
	vm4 =	vmor vm4, vm5;
	v20 =	vadd.s32 v21, v27;
	(pc) =	sbr.rel @p0 .LBB2_37-.Ltmp24, $4  }
0x26a: {  	vm6 =	vge.s32 v21, v18;
	vm2 =	vge.s32 v20, v18;
	v22 =	vadd.s32 v22, v20  }
0x26b: {  	vm7 =	vmneg vm4;
	vm4 =	vmor vm4, vm6;
	vm1 =	vge.s32 v22, v18  }
0x26c: {  	vm5 =	vmand vm5, vm3;
	s23 =	sadd.s32 $0x2, s18;
	s18 =	smov.u32 s24;
	vm3 =	vmand vm6, vm7;
	v23 =	vmov v28  }
0x26d: {  	s22 =	sadd.s32 $0x40, s22;
	v26 =	vsel vm5, s23, v26;
	vm6 =	vmneg vm4;
	v25 =	vadd.s32 v25, v22  }
0x26e: {  	vm4 =	vmor vm4, vm2  }
0x26f: {  	vm2 =	vmand vm2, vm6;
	v16 =	vsel vm5, v16, v24;
	v61 =	vsel vm3, s20, v26;
	s30 =	sshrl.u32 s17, $0x1F  }
0x270: {  	v62 =	vadd.s32 v23, v25;
	vm14 =	vmor vm4, vm1;
	v16 =	vsel vm3, v19, v16;
	s20 =	sadd.s32 s30, s17  }
0x271: {  	s29 =	sadd.s32 $0x1, s18;
	s31 =	sadd.s32 $0x2, s18;
	vm3 =	vmneg vm4;
	v19 =	vsel vm2, s18, v61;
	vm15 =	vmneg vm14;
	s18 =	sand.u32 $0xFFFFFFFE, s20  }
0x272: {  	vm1 =	vmand vm1, vm3;
	v16 =	vsel vm2, v21, v16;
	vm2 =	vge.s32 v25, v18;
	p0 =	slt.s32 s18, $0x1  }
.Ltmp25:
0x273: {  	v19 =	vsel vm1, s29, v19;
	v16 =	vsel vm1, v20, v16;
	vm1 =	vmor vm14, vm2;
	(pc) =	sbr.rel @p0 .LBB2_39-.Ltmp25, $4  }
0x274: {  	vm3 =	vge.s32 v62, v18;
	vm2 =	vmand vm2, vm15;
	vm1 =	vmneg vm1  }
0x275: {  	v19 =	vsel vm2, s31, v19;
	v16 =	vsel vm2, v22, v16;
	vm1 =	vmand vm3, vm1  }
0x276: {  	v19 =	vsel vm1, s19, v19;
	v63 =	vsel vm1, v25, v16  }
0x277: {  	v16 =	vor.u32 v17, v19;
	v17 =	vsub.s32 v18, v63  }
0x278: {  	p2 =	sgt.s32 s18, $0x2  }
.Ltmp26:
0x279: {  	_ = 	snop;
	(pc) =	sbr.rel @!p2 .LBB2_47-.Ltmp26, $4  }
0x27a: {  	s19 =	simm.s32 $0x0  }
0x27b: {  	v28 =	vmov s19;
	v19 =	vadd.s32 s19, v1  }
0x27c: {  	s20 =	simm.s32 $0x1;
	v19 =	vand.u32 $0xFFFFFFF8, v19;
	v20 =	vand.u32 $0x6, v28  }
0x27d: {  	v18 =	vimm.s32 $0x0;
	p0 =	por $0x0, $0x0;
	p1 =	por $0x0, $0x0;
	s19 =	simm.s32 $0x2;
	v27 =	vadd.s32 s20, v1;
	v29 =	vor.u32 v20, v19  }
0x27e: {  	p2 =	sgt.s32 s18, $0x4  }
.Ltmp27:
0x27f: {  	v19 =	vmov s19;
	v20 =	vadd.s32 s19, v1;
	(pc) =	sbr.rel @!p2 .LBB2_49-.Ltmp27, $4  }
0x280: {  	v20 =	vand.u32 $0xFFFFFFF8, v20;
	v21 =	vand.u32 $0x6, v19  }
0x281: {  	s19 =	simm.s32 $0x3;
	v21 =	vor.u32 v21, v20  }
0x282: {  	v23 =	vld.idx.msk [tilespmem:v29+s10+$0x0], $0xffff;
	v20 =	vadd.s32 s19, v1  }
0x283: {  	s21 =	simm.s32 $0x4;
	v25 =	vld.idx.msk [tilespmem:v27+s10+$0x0], $0xffff;
	p0 =	por $0x1, $0x1  }
0x284: {  	_ =	sdelay $0x1  }
0x285: {  	v26 =	vmov s21  }
0x286: {  	vm2 =	vlt.s32 v28, v15;
	v22 =	vmov s20;
	vm1 =	veq.s32 v23, v16  }
0x287: {  	vm3 =	vlt.s32 v22, v15;
	vm1 =	vmand vm2, vm1;
	vm2 =	veq.s32 v25, v16  }
0x288: {  	v28 =	vld.idx.msk [tilespmem:v29+s11+$0x0], $0xffff;
	p2 =	sgt.s32 s18, $0x6;
	v22 =	vadd.s32 s21, v1;
	v23 =	vsel vm1, $0x1, v2;
	vm2 =	vmand vm3, vm2  }
.Ltmp28:
0x289: {  	v25 =	vand.u32 $0xFFFFFFF8, v22;
	v22 =	vld.idx.msk [tilespmem:v27+s11+$0x0], $0xffff;
	v23 =	vadd.s32 v23, v18;
	v24 =	vsel vm2, $0x1, v2;
	(pc) =	sbr.rel @!p2 .LBB2_51-.Ltmp28, $4  }
0x28a: {  	v27 =	vand.u32 $0x6, v26;
	vm3 =	veq.s32 v23, v17;
	v24 =	vadd.s32 v24, v23;
	v23 =	vld.idx.msk [tilespmem:v21+s10+$0x0], $0xffff  }
0x28b: {  	v30 =	vor.u32 v27, v25;
	v25 =	vld.idx.msk [tilespmem:v20+s10+$0x0], $0xffff  }
0x28c: {  	s21 =	simm.s32 $0x5;
	vm1 =	vmand vm1, vm3;
	vm3 =	veq.s32 v24, v17  }
0x28d: {  	s20 =	simm.s32 $0x6;
	p1 =	por $0x1, $0x1;
	v32 =	vadd.s32 s21, v1;
	v31 =	vsel vm1, v28, v18;
	vm1 =	vmand vm2, vm3  }
.LBB2_52:
0x28e: {  	v27 =	vmov s20;
	v28 =	vsel vm1, v22, v31  }
0x28f: {  	s22 =	smov.u32 s20;
	vm1 =	veq.s32 v23, v16;
	vm2 =	vlt.s32 v19, v15;
	v23 =	vmov s19  }
0x290: {  	v19 =	vmovc v26;
	s19 =	smov.u32 s21;
	v29 =	vld.idx.msk [tilespmem:v21+s11+$0x0], $0xffff;
	v26 =	vmovc v27;
	vm1 =	vmand vm2, vm1;
	vm2 =	veq.s32 v25, v16;
	v25 =	vadd.s32 s20, v1;
	s20 =	sadd.s32 $0x2, s20  }
0x291: {  	vm3 =	vlt.s32 v23, v15;
	v21 =	vmov v30;
	v22 =	vld.idx.msk [tilespmem:v20+s11+$0x0], $0xffff;
	p2 =	slt.s32 s20, s18  }
.Ltmp29:
0x292: {  	v27 =	vsel vm1, $0x1, v2;
	vm2 =	vmand vm3, vm2;
	v20 =	vmov v32;
	v23 =	vld.idx.msk [tilespmem:v30+s10+$0x0], $0xffff;
	(pc) =	sbr.rel @p2 .LBB2_52-.Ltmp29, $4  }
0x293: {  	v30 =	vand.u32 $0xFFFFFFF8, v25;
	v24 =	vadd.s32 v27, v24;
	v27 =	vsel vm2, $0x1, v2;
	v25 =	vld.idx.msk [tilespmem:v32+s10+$0x0], $0xffff  }
0x294: {  	v31 =	vand.u32 $0x6, v26;
	vm3 =	veq.s32 v24, v17;
	v24 =	vadd.s32 v27, v24  }
0x295: {  	s21 =	sadd.s32 $0x1, s22;
	v30 =	vor.u32 v31, v30;
	vm1 =	vmand vm1, vm3;
	vm3 =	veq.s32 v24, v17  }
0x296: {  	v32 =	vadd.s32 s21, v1;
	v31 =	vsel vm1, v29, v28;
	vm1 =	vmand vm2, vm3  }
0x297: {  	v28 =	vmov v19  }
0x298: {  	v29 =	vmovc v21;
	s20 =	smov.u32 s19;
	v27 =	vmovc v20;
	v19 =	vmov v26;
	s19 =	smov.u32 s21;
	v21 =	vmov v30;
	v20 =	vmov v32  }
.LBB2_54:
0x299: {  	_ =	sdelay $0x3  }
0x29a: {  	vm2 =	veq.s32 @p0 v23, v16;
	vm3 =	vlt.s32 @p0 v28, v15;
	v23 =	vld.idx.msk @p0 [tilespmem:v29+s11+$0x0], $0xffff  }
0x29b: {  	v26 =	vmov @p0 s20;
	v58 =	vld.idx.msk [tilespmem:v20+s10+$0x0], $0xffff;
	v22 =	vsel @p1 vm1, v22, v31;
	vm2 =	vmand @p0 vm3, vm2  }
0x29c: {  	v57 =	vld.idx.msk [tilespmem:v21+s10+$0x0], $0xffff;
	vm3 =	veq.s32 @p0 v25, v16;
	vm4 =	vlt.s32 @p0 v26, v15;
	v26 =	vsel @p0 vm2, $0x1, v2  }
0x29d: {  	v27 =	vld.idx.msk @p0 [tilespmem:v27+s11+$0x0], $0xffff;
	v59 =	vmov s19;
	vm3 =	vmand @p0 vm4, vm3;
	v24 =	vadd.s32 @p0 v26, v24  }
0x29e: {  	v22 =	vpsel p1, v22, v18;
	v28 =	vsel @p0 vm3, $0x1, v2;
	vm1 =	veq.s32 @p0 v24, v17  }
0x29f: {  	vm5 =	vlt.s32 v59, v15;
	v24 =	vadd.s32 @p0 v28, v24;
	vm1 =	vmand @p0 vm2, vm1  }
0x2a0: {  	vm2 =	veq.s32 @p0 v24, v17;
	vm15 =	veq.s32 v58, v16;
	v22 =	vsel @p0 vm1, v23, v22  }
0x2a1: {  	vm1 =	vmand @p0 vm3, vm2;
	vm2 =	veq.s32 v57, v16;
	vm3 =	vlt.s32 v19, v15  }
0x2a2: {  	v60 =	vld.idx.msk [tilespmem:v21+s11+$0x0], $0xffff;
	v61 =	vpsel p0, v24, v18;
	v19 =	vpsel p0, v27, v0;
	vm2 =	vmand vm3, vm2  }
0x2a3: {  	v20 =	vld.idx.msk [tilespmem:v20+s11+$0x0], $0xffff;
	vm3 =	vmand vm5, vm15;
	vm1 =	vmmov @p0 vm1;
	v62 =	vsel vm2, $0x1, v2  }
.Ltmp30:
0x2a4: {  	v22 =	vpsel p0, v22, v0;
	v63 =	vsel vm3, $0x1, v2;
	v23 =	vadd.s32 v62, v61;
	(pc) =	sbr.rel .LBB2_40-.Ltmp30, $4  }
0x2a5: {  	v22 =	vsel @p0 vm1, v19, v22;
	vm1 =	veq.s32 v23, v17;
	v19 =	vadd.s32 v63, v23  }
0x2a6: {  	v18 =	vpsel p0, v22, v18;
	vm1 =	vmand vm2, vm1;
	vm2 =	veq.s32 v19, v17  }
0x2a7: {  	v18 =	vsel vm1, v60, v18;
	vm1 =	vmand vm3, vm2  }
0x2a8: {  	v18 =	vsel vm1, v20, v18  }
.LBB2_39:
0x2a9: {  	v19 =	vimm.s32 $0x0;
	v18 =	vimm.s32 $0x0  }
.LBB2_40:
0x2aa: {  	p0 =	sge.s32 s18, s17  }
.Ltmp31:
0x2ab: {  	_ = 	snop;
	(pc) =	sbr.rel @p0 .LBB2_43-.Ltmp31, $1  }
0x2ac: {  	_ =	sdelay $0x3  }
0x2ad: {  	s18 =	ssub.s32 s17, s18  }
0x2ae: {  	s18 =	ssub.s32 $0x0, s18  }
.LBB2_42:
0x2af: {  	s19 =	sadd.s32 s18, s17  }
0x2b0: {  	v20 =	vadd.s32 s19, v1;
	_ =	sdelay $0x4  }
0x2b1: {  	v21 =	vld.idx.msk [tilespmem:v20+s10+$0x0], $0xffff;
	_ =	sdelay $0x3  }
0x2b2: {  	v22 =	vmov s19  }
0x2b3: {  	s18 =	sadd.s32 $0x1, s18;
	vm2 =	vlt.s32 v22, v15;
	vm1 =	veq.s32 v21, v16  }
0x2b4: {  	p0 =	seq.s32 s18, $0x0;
	v20 =	vld.idx.msk [tilespmem:v20+s11+$0x0], $0xffff;
	vm1 =	vmand vm2, vm1  }
.Ltmp32:
0x2b5: {  	v63 =	vsel vm1, $0x1, v2;
	(pc) =	sbr.rel @!p0 .LBB2_42-.Ltmp32, $4  }
0x2b6: {  	v19 =	vadd.s32 v63, v19  }
0x2b7: {  	vm2 =	veq.s32 v19, v17  }
0x2b8: {  	vm1 =	vmand vm1, vm2  }
0x2b9: {  	v18 =	vsel vm1, v20, v18  }
.Ltmp33:
0x2ba: {  	_ = 	snop;
	(pc) =	sbr.rel .LBB2_43-.Ltmp33, $1  }
0x2bb: {  	_ =	sdelay $0x3  }
.LBB2_7:
.Ltmp34:
0x2bc: {  	(pc) =	sbr.rel .LBB2_12-.Ltmp34, $2  }
0x2bd: {  	_ =	sdelay $0x2  }
0x2be: {  	v20 =	vimm.s32 $0x0;
	s19 =	smov.u32 s17  }
.LBB2_9:
.Ltmp35:
0x2bf: {  	(pc) =	sbr.rel .LBB2_12-.Ltmp35, $2  }
0x2c0: {  	_ =	sdelay $0x2  }
0x2c1: {  	v22 =	vmov v19  }
.LBB2_47:
.Ltmp36:
0x2c2: {  	(pc) =	sbr.rel .LBB2_54-.Ltmp36, $2  }
0x2c3: {  	_ =	sdelay $0x2  }
0x2c4: {  	v19 =	vmovc v28;
	s19 =	simm.s32 $0x1;
	v21 =	vmov v29;
	v20 =	vmov v27;
	v24 =	vimm.s32 $0x0  }
.LBB2_49:
.Ltmp37:
0x2c5: {  	(pc) =	sbr.rel .LBB2_54-.Ltmp37, $2  }
0x2c6: {  	_ =	sdelay $0x2  }
0x2c7: {  	v24 =	vimm.s32 $0x0  }
.LBB2_51:
.Ltmp38:
0x2c8: {  	(pc) =	sbr.rel .LBB2_54-.Ltmp38, $3  }
0x2c9: {  	_ =	sdelay $0x1  }
0x2ca: {  	v28 =	vmov v19  }
0x2cb: {  	v29 =	vmovc v21;
	v27 =	vmovc v20;
	s20 =	simm.s32 $0x3;
	v19 =	vmov v26;
	s19 =	simm.s32 $0x5;
	v21 =	vmov v30;
	v20 =	vmov v32  }
.LBB2_45:
0x2cc: {  	_ =	sfence.sel $0x180000  }
0x2cd: {  	[bflag:$0x0] =	sbarrier.arrive $0xFFFF  }
0x2ce: {  	p0 =	sne.s32 s0, $0x0;
	_ =	strace $0x90000047  }
0x2cf: {  	s0 =	sadd.s32 @!p0 $0x100000, s1;
	[bflag:$0x2] =	sbarrier.arrive $0xFFFF  }
0x2d0: {  	[sflag:s0] =	ssyncadd.tile.s32 @!p0 $0x1;
	_ =	shalt  }
.Lfunc_end2:
_tile_overlayer_lowered:
.L_overlay_start_2:
0x2d1: {  	(tag) =	ssettag $0x2  }
0x2d2: {  	s0 =	rddreg [dreg:$0x0];
	s2 =	stileid.u32  }
0x2d3: {  	s1 =	rddreg [dreg:$0x1];
	p0 =	sne.s32 s2, $0x0  }
0x2d4: {  	s3 =	rddreg [dreg:$0x2];
	[bflag:$0x3] =	sbarrier.arrive $0xFFFF;
	s2 =	simm.s32 @!p0 $0x1C01  }
0x2d5: {  	[timem:s3], [sflag:s2] =	dma.local @!p0 [hbm:s0], s1  }
0x2d6: {  	s0 =	simm.s32 @!p0 $0x1  }
0x2d7: {  	_ =	swait.ge @!p0 [sflag:s0], s1  }
0x2d8: {  	s1 =	ssub.s32 @!p0 $0x0, s1;
	[sflag:s0] =	ssyncset.done @!p0 $0x0  }
0x2d9: {  	[sflag:s0] =	ssyncadd.s32 @!p0 s1  }
0x2da: {  	[bflag:$0x3] =	sbarrier.arrive $0xFFFF  }
0x2db: {  	_ =	shalt  }

</sc_bundles>
